<compile_context>
chip_gen: v7x
topology: tpu7x:2x2x1
jax: 0.10.2.dev20260603
libtpu: 0.0.44.dev20260713+nightly
codegen_flags: <defaults>
</compile_context>

<pallas_src>
import functools

import jax
import jax.numpy as jnp
from jax import lax
from jax.experimental import pallas as pl
from jax.experimental.pallas import tpu as pltpu
from jax.experimental.pallas import tpu_sc as plsc

N = 10000
E = 320000
D = 128
N_PAD = 10240
NC = 2
NS = 16
NW = NC * NS
EPT = E // NW
BATCH = 125
NBATCH = EPT // BATCH
HHALF = N_PAD // 2
ROWS_PT = N_PAD // NS
RED_W = 2 * N_PAD // NS

_mesh = plsc.VectorSubcoreMesh(
    core_axis_name="c", subcore_axis_name="s", num_cores=NC, num_subcores=NS)


def _zeros16():
    return jnp.zeros((16,), jnp.float32)


_RCH = 320


def _deg_body(eidx, deg_out, idx_v, hist, seg_v, tmp_v, acc_v, shdeg):
    c = lax.axis_index("c")
    s = lax.axis_index("s")
    wid = s * NC + c
    lane = lax.iota(jnp.int32, 16)
    lane8 = lane & 7
    m_lo = lane < 8
    m_hi = lane >= 8
    ones = jnp.ones((16,), jnp.float32)

    for arr in range(2):
        pltpu.sync_copy(eidx.at[arr, wid], idx_v)
        def zh(j, _):
            for l in range(8):
                hist[l, pl.ds(j * 16, 16)] = _zeros16()
            return _
        lax.fori_loop(0, N_PAD // 16, zh, None)

        def sc(i, _):
            for u in range(5):
                idx = idx_v[pl.ds((i * 5 + u) * 16, 16)]
                plsc.addupdate_scatter(hist, [lane8, idx], ones, mask=m_lo)
                plsc.addupdate_scatter(hist, [lane8, idx], ones, mask=m_hi)
            return _
        lax.fori_loop(0, EPT // 80, sc, None)

        def rd(j, _):
            acc = hist[0, pl.ds(j * 16, 16)]
            for l in range(1, 8):
                acc = acc + hist[l, pl.ds(j * 16, 16)]
            seg_v[pl.ds(j * 16, 16)] = acc
            return _
        lax.fori_loop(0, N_PAD // 16, rd, None)
        pltpu.sync_copy(seg_v, shdeg.at[s, pl.ds(arr * N_PAD, N_PAD)])

    plsc.subcore_barrier()

    col0 = s * RED_W
    for ch in range(RED_W // _RCH):
        pltpu.sync_copy(shdeg.at[:, pl.ds(col0 + ch * _RCH, _RCH)], tmp_v)

        def ad(j, _):
            acc = tmp_v[0, pl.ds(j * 16, 16)]
            for t in range(1, NS):
                acc = acc + tmp_v[t, pl.ds(j * 16, 16)]
            acc_v[pl.ds(ch * _RCH + j * 16, 16)] = acc
            return _
        lax.fori_loop(0, _RCH // 16, ad, None)

    pltpu.sync_copy(acc_v, deg_out.at[c, pl.ds(col0, RED_W)])


_deg_call = pl.kernel(
    _deg_body,
    out_type=jax.ShapeDtypeStruct((NC, 2 * N_PAD), jnp.float32),
    mesh=_mesh,
    compiler_params=pltpu.CompilerParams(use_tc_tiling_on_sc=False, needs_layout_passes=False),
    scratch_types=[
        pltpu.VMEM((EPT,), jnp.int32),
        pltpu.VMEM((8, N_PAD), jnp.float32),
        pltpu.VMEM((N_PAD,), jnp.float32),
        pltpu.VMEM((NS, _RCH), jnp.float32),
        pltpu.VMEM((RED_W,), jnp.float32),
        pltpu.VMEM_SHARED((NS, 2 * N_PAD), jnp.float32),
    ],
)


def _feat_body(deg_ref, x_ref, w_ref, h2_ref, nd_ref):
    dg = deg_ref[0, :] + deg_ref[1, :]
    dsrc = dg[:N_PAD]
    ddst = dg[N_PAD:]
    ns = jnp.where(dsrc > 0, lax.rsqrt(jnp.maximum(dsrc, 1.0)), 0.0)
    nd = jnp.where(ddst > 0, lax.rsqrt(jnp.maximum(ddst, 1.0)), 0.0)
    h = x_ref[...] * ns[:N, None]
    h2_ref[:N, :] = jnp.dot(h, w_ref[...], preferred_element_type=jnp.float32)
    h2_ref[N:, :] = jnp.zeros((N_PAD - N, D), jnp.float32)
    nd_ref[...] = nd[:, None]


_feat_call = pl.pallas_call(
    _feat_body,
    out_shape=(
        jax.ShapeDtypeStruct((N_PAD, D), jnp.float32),
        jax.ShapeDtypeStruct((N_PAD, 1), jnp.float32),
    ),
)


_DR = 32


def _msg_body(scd, h2, outp, P0, P1, rows0, rows1, dbuf,
              agg, sem0, sem1, semI0, semI1, semS0, semS1):
    c = lax.axis_index("c")
    s = lax.axis_index("s")
    wid = s * NC + c

    def zb(r, _):
        for k in range(D // 16):
            dbuf[r, pl.ds(k * 16, 16)] = _zeros16()
        return _
    lax.fori_loop(0, _DR, zb, None)
    row0 = s * ROWS_PT
    for k in range(ROWS_PT // _DR):
        pltpu.async_copy(dbuf, agg.at[pl.ds(row0 + k * _DR, _DR)], semI0)
    for k in range(ROWS_PT // _DR):
        pltpu.make_async_copy(dbuf, agg.at[pl.ds(row0 + k * _DR, _DR)],
                              semI0).wait()
    plsc.subcore_barrier()

    pltpu.sync_copy(scd.at[wid, 0], P0)
    pltpu.sync_copy(scd.at[wid, 1], P1)
    pltpu.async_copy(h2.at[P0.at[0]], rows0, sem0)
    pltpu.async_copy(h2.at[P1.at[0]], rows1, sem1)

    def step(g, _):
        j0 = g * 2
        j1 = j0 + 1
        pltpu.make_async_copy(h2.at[P0.at[0]], rows0, sem0).wait()
        pltpu.sync_copy(rows0, agg.at[P0.at[1]], add=True)
        pltpu.async_copy(scd.at[wid, jnp.minimum(j0 + 2, NBATCH - 1)],
                         P0, semI0)
        pltpu.make_async_copy(h2.at[P1.at[0]], rows1, sem1).wait()
        pltpu.sync_copy(rows1, agg.at[P1.at[1]], add=True)
        pltpu.async_copy(scd.at[wid, jnp.minimum(j1 + 2, NBATCH - 1)],
                         P1, semI1)
        pltpu.make_async_copy(scd.at[wid, 0], P0, semI0).wait()
        pltpu.async_copy(h2.at[P0.at[0]], rows0, sem0)
        pltpu.make_async_copy(scd.at[wid, 0], P1, semI1).wait()
        pltpu.async_copy(h2.at[P1.at[0]], rows1, sem1)
        return _
    lax.fori_loop(0, NBATCH // 2, step, None)
    pltpu.make_async_copy(h2.at[P0.at[0]], rows0, sem0).wait()
    pltpu.make_async_copy(h2.at[P1.at[0]], rows1, sem1).wait()

    plsc.subcore_barrier()
    pltpu.sync_copy(agg.at[pl.ds(row0, ROWS_PT)],
                    outp.at[c, pl.ds(row0, ROWS_PT)])


_msg_call = pl.kernel(
    _msg_body,
    out_type=jax.ShapeDtypeStruct((NC, N_PAD, D), jnp.float32),
    mesh=_mesh,
    compiler_params=pltpu.CompilerParams(use_tc_tiling_on_sc=False, needs_layout_passes=False),
    scratch_types=[
        pltpu.VMEM((2, BATCH), jnp.int32),
        pltpu.VMEM((2, BATCH), jnp.int32),
        pltpu.VMEM((BATCH, D), jnp.float32),
        pltpu.VMEM((BATCH, D), jnp.float32),
        pltpu.VMEM((_DR, D), jnp.float32),
        pltpu.VMEM_SHARED((N_PAD, D), jnp.float32),
        pltpu.SemaphoreType.DMA,
        pltpu.SemaphoreType.DMA,
        pltpu.SemaphoreType.DMA,
        pltpu.SemaphoreType.DMA,
        pltpu.SemaphoreType.DMA,
        pltpu.SemaphoreType.DMA,
    ],
)


def _out_body(agg_ref, nd_ref, b_ref, o_ref):
    a = agg_ref[0] + agg_ref[1]
    o_ref[...] = jnp.maximum(a * nd_ref[...] + b_ref[...], 0.0)


_OUT_ROWS = 1000

_out_call = pl.pallas_call(
    _out_body,
    grid=(N // _OUT_ROWS,),
    in_specs=[
        pl.BlockSpec((NC, _OUT_ROWS, D), lambda i: (0, i, 0)),
        pl.BlockSpec((_OUT_ROWS, 1), lambda i: (i, 0)),
        pl.BlockSpec((1, D), lambda i: (0, 0)),
    ],
    out_specs=pl.BlockSpec((_OUT_ROWS, D), lambda i: (i, 0)),
    out_shape=jax.ShapeDtypeStruct((N, D), jnp.float32),
)


@jax.jit
def kernel(x, edge_index, W, b):
    assert x.shape == (N, D) and edge_index.shape == (2, E)
    e32 = edge_index.astype(jnp.int32)
    eidx_a = e32.reshape(2, NW, EPT)
    scd = jnp.stack(
        [e32[0].reshape(NW, NBATCH, BATCH), e32[1].reshape(NW, NBATCH, BATCH)],
        axis=2)

    deg = _deg_call(eidx_a)
    h2, nd = _feat_call(deg, x, W)
    aggp = _msg_call(scd, h2)
    out = _out_call(aggp, nd, b.reshape(1, D))
    return out

# --- scband reference (transcript-rebuilt; emitter-appended) ---
"""Pipeline reference for scband-gcnblock-52218212385050 (READ-ONLY COPY).

The authoritative reference and input builder live on the scoring server;
editing this copy changes nothing except your own understanding.
"""

import jax, jax.numpy as jnp
import numpy as np

N_NODES = 10000
N_EDGES = 320000
D_IN = 128
D_OUT = 128


def setup_inputs(seed: int = 0) -> dict:
    key = jax.random.key(seed)
    k1, k2, k3, k4 = jax.random.split(key, 4)
    x = jax.random.normal(k1, (N_NODES, D_IN), dtype=jnp.float32)
    edge_index = jax.random.randint(k2, (2, N_EDGES), 0, N_NODES, dtype=jnp.int64)
    # GraphConv learned parameters (weight + bias), Glorot-style init
    W = jax.random.normal(k3, (D_IN, D_OUT), dtype=jnp.float32) * (1.0 / np.sqrt(D_IN))
    b = jnp.zeros((D_OUT,), dtype=jnp.float32)
    return {"x": x, "edge_index": edge_index, "W": W, "b": b}


def reference(x, edge_index, W, b):
    # DGL-style GraphConv with norm='both':
    #   h = D_dst^{-1/2} * A * (D_src^{-1/2} * x) * W + b, followed by ReLU
    src = edge_index[0]
    dst = edge_index[1]
    N = x.shape[0]
    ones = jnp.ones((src.shape[0],), dtype=jnp.float32)
    deg_out = jnp.zeros((N,), dtype=jnp.float32).at[src].add(ones)
    deg_in = jnp.zeros((N,), dtype=jnp.float32).at[dst].add(ones)
    norm_src = jnp.where(deg_out > 0, jax.lax.rsqrt(jnp.maximum(deg_out, 1.0)), 0.0)
    norm_dst = jnp.where(deg_in > 0, jax.lax.rsqrt(jnp.maximum(deg_in, 1.0)), 0.0)
    h = x * norm_src[:, None]
    msg = jnp.take(h, src, axis=0)
    agg = jnp.zeros((N, x.shape[1]), dtype=x.dtype).at[dst].add(msg)
    agg = agg * norm_dst[:, None]
    out = agg @ W + b
    return jax.nn.relu(out)

if __name__ == "__main__":
    import jax
    _d = setup_inputs()
    print(jax.jit(kernel)(*tuple(_d.values())))

</pallas_src>

<mosaic_0001>
#map = affine_map<(d0, d1) -> (0, 0, 0)>
#map1 = affine_map<(d0, d1) -> (0, 0)>
module attributes {stable_mosaic.version = 14 : i64} {
  func.func @_deg_body(%arg0: i32, %arg1: i32, %arg2: memref<2x32x10000xi32, #tpu.memory_space<hbm>>, %arg3: memref<2x20480xf32, #tpu.memory_space<hbm>>, %arg4: memref<10000xi32, #tpu.memory_space<vmem>>, %arg5: memref<8x10240xf32, #tpu.memory_space<vmem>>, %arg6: memref<10240xf32, #tpu.memory_space<vmem>>, %arg7: memref<16x320xf32, #tpu.memory_space<vmem>>, %arg8: memref<1280xf32, #tpu.memory_space<vmem>>, %arg9: memref<16x20480xf32, #tpu.memory_space<vmem_shared>>) attributes {dimension_semantics = [#tpu.dimension_semantics<core_parallel>, #tpu.dimension_semantics<subcore_parallel>], iteration_bounds = array<i64: 2, 16>, scalar_prefetch = 0 : i64, scratch_operands = 6 : i64, tpu.core_type = #tpu.core_type<sc_vector_subcore>, window_params = [{transform_indices = #map}, {transform_indices = #map1}]} {
    %mul3A = arith.constant 2 : i32
    %mul3A_0 = arith.muli %arg1, %mul3A : i32
    %add3A = arith.addi %mul3A_0, %arg0 : i32
    %iota3A = tpu.iota {dimensions = array<i32: 0>} : vector<16xi32>
    %and3A = arith.constant 7 : i32
    %and3A_1 = vector.broadcast %and3A : i32 to vector<16xi32>
    %and3A_2 = arith.andi %iota3A, %and3A_1 : vector<16xi32>
    %lt3A = arith.constant 8 : i32
    %lt3A_3 = vector.broadcast %lt3A : i32 to vector<16xi32>
    %lt3A_4 = arith.cmpi slt, %iota3A, %lt3A_3 : vector<16xi32>
    %ge3A = arith.constant 8 : i32
    %ge3A_5 = vector.broadcast %ge3A : i32 to vector<16xi32>
    %ge3A_6 = arith.cmpi sge, %iota3A, %ge3A_5 : vector<16xi32>
    %broadcast_in_dim3A = arith.constant 1.000000e+00 : f32
    %broadcast_in_dim3A_7 = vector.broadcast %broadcast_in_dim3A : f32 to vector<16xf32>
    %run_scoped3A = arith.constant 0 : i32
    "tpu.region"() ({
      %run_scoped3A_68 = tpu.sem_alloc : memref<!tpu.dma_semaphore, #tpu.memory_space<semaphore_mem>>
      %dma_start3A = arith.constant 0 : i32
      %dma_start3A_69 = tpu.memref_slice %arg2[%run_scoped3A, %add3A, %dma_start3A] : memref<2x32x10000xi32, #tpu.memory_space<hbm>> -> memref<1x1x10000xi32, #tpu.memory_space<hbm>>
      %dma_start3A_70 = tpu.memref_squeeze %dma_start3A_69 : memref<1x1x10000xi32, #tpu.memory_space<hbm>> -> memref<10000xi32, #tpu.memory_space<hbm>>
      %dma_start3A_71 = arith.constant 0 : i32
      %dma_start3A_72 = tpu.memref_slice %arg2[%run_scoped3A, %add3A, %dma_start3A_71] : memref<2x32x10000xi32, #tpu.memory_space<hbm>> -> memref<1x1x10000xi32, #tpu.memory_space<hbm>>
      %dma_start3A_73 = tpu.memref_squeeze %dma_start3A_72 : memref<1x1x10000xi32, #tpu.memory_space<hbm>> -> memref<10000xi32, #tpu.memory_space<hbm>>
      tpu.enqueue_dma source(%dma_start3A_73 : memref<10000xi32, #tpu.memory_space<hbm>>) target(%arg4 : memref<10000xi32, #tpu.memory_space<vmem>>) target_semaphore(%run_scoped3A_68 : memref<!tpu.dma_semaphore, #tpu.memory_space<semaphore_mem>>)
      %dma_wait3A = arith.constant 0 : i32
      %dma_wait3A_74 = tpu.memref_slice %arg2[%run_scoped3A, %add3A, %dma_wait3A] : memref<2x32x10000xi32, #tpu.memory_space<hbm>> -> memref<1x1x10000xi32, #tpu.memory_space<hbm>>
      %dma_wait3A_75 = tpu.memref_squeeze %dma_wait3A_74 : memref<1x1x10000xi32, #tpu.memory_space<hbm>> -> memref<10000xi32, #tpu.memory_space<hbm>>
      %dma_wait3A_76 = arith.constant 0 : i32
      %dma_wait3A_77 = tpu.memref_slice %arg2[%run_scoped3A, %add3A, %dma_wait3A_76] : memref<2x32x10000xi32, #tpu.memory_space<hbm>> -> memref<1x1x10000xi32, #tpu.memory_space<hbm>>
      %dma_wait3A_78 = tpu.memref_squeeze %dma_wait3A_77 : memref<1x1x10000xi32, #tpu.memory_space<hbm>> -> memref<10000xi32, #tpu.memory_space<hbm>>
      tpu.wait_dma2 semaphore(%run_scoped3A_68 : memref<!tpu.dma_semaphore, #tpu.memory_space<semaphore_mem>>) src(%dma_wait3A_78 : memref<10000xi32, #tpu.memory_space<hbm>>) dst(%arg4 : memref<10000xi32, #tpu.memory_space<vmem>>)
      tpu.yield
    }) : () -> ()
    %scan3A = arith.constant 0 : i32
    %scan3A_8 = arith.constant 640 : i32
    %scan3A_9 = arith.addi %scan3A, %scan3A_8 : i32
    %scan3A_10 = arith.constant 1 : i32
    scf.for %scan3A_68 = %scan3A to %scan3A_9 step %scan3A_10  : i32 {
      %broadcast_in_dim3A_69 = arith.constant 0.000000e+00 : f32
      %broadcast_in_dim3A_70 = vector.broadcast %broadcast_in_dim3A_69 : f32 to vector<16xf32>
      %mul3A_71 = arith.constant 16 : i32
      %mul3A_72 = arith.muli %scan3A_68, %mul3A_71 : i32
      %swap3A = arith.constant 0 : i32
      %swap3A_73 = arith.index_cast %swap3A : i32 to index
      %swap3A_74 = arith.index_cast %mul3A_72 : i32 to index
      %swap3A_75 = tpu.vector_load %arg5[%swap3A_73, %swap3A_74] {strides = array<i32>} : memref<8x10240xf32, #tpu.memory_space<vmem>>, vector<16xf32>,
      tpu.vector_store %arg5[%swap3A_73, %swap3A_74], %broadcast_in_dim3A_70 {strides = array<i32>} : memref<8x10240xf32, #tpu.memory_space<vmem>>, vector<16xf32>,
      %broadcast_in_dim3A_76 = arith.constant 0.000000e+00 : f32
      %broadcast_in_dim3A_77 = vector.broadcast %broadcast_in_dim3A_76 : f32 to vector<16xf32>
      %mul3A_78 = arith.constant 16 : i32
      %mul3A_79 = arith.muli %scan3A_68, %mul3A_78 : i32
      %swap3A_80 = arith.constant 1 : i32
      %swap3A_81 = arith.index_cast %swap3A_80 : i32 to index
      %swap3A_82 = arith.index_cast %mul3A_79 : i32 to index
      %swap3A_83 = tpu.vector_load %arg5[%swap3A_81, %swap3A_82] {strides = array<i32>} : memref<8x10240xf32, #tpu.memory_space<vmem>>, vector<16xf32>,
      tpu.vector_store %arg5[%swap3A_81, %swap3A_82], %broadcast_in_dim3A_77 {strides = array<i32>} : memref<8x10240xf32, #tpu.memory_space<vmem>>, vector<16xf32>,
      %broadcast_in_dim3A_84 = arith.constant 0.000000e+00 : f32
      %broadcast_in_dim3A_85 = vector.broadcast %broadcast_in_dim3A_84 : f32 to vector<16xf32>
      %mul3A_86 = arith.constant 16 : i32
      %mul3A_87 = arith.muli %scan3A_68, %mul3A_86 : i32
      %swap3A_88 = arith.constant 2 : i32
      %swap3A_89 = arith.index_cast %swap3A_88 : i32 to index
      %swap3A_90 = arith.index_cast %mul3A_87 : i32 to index
      %swap3A_91 = tpu.vector_load %arg5[%swap3A_89, %swap3A_90] {strides = array<i32>} : memref<8x10240xf32, #tpu.memory_space<vmem>>, vector<16xf32>,
      tpu.vector_store %arg5[%swap3A_89, %swap3A_90], %broadcast_in_dim3A_85 {strides = array<i32>} : memref<8x10240xf32, #tpu.memory_space<vmem>>, vector<16xf32>,
      %broadcast_in_dim3A_92 = arith.constant 0.000000e+00 : f32
      %broadcast_in_dim3A_93 = vector.broadcast %broadcast_in_dim3A_92 : f32 to vector<16xf32>
      %mul3A_94 = arith.constant 16 : i32
      %mul3A_95 = arith.muli %scan3A_68, %mul3A_94 : i32
      %swap3A_96 = arith.constant 3 : i32
      %swap3A_97 = arith.index_cast %swap3A_96 : i32 to index
      %swap3A_98 = arith.index_cast %mul3A_95 : i32 to index
      %swap3A_99 = tpu.vector_load %arg5[%swap3A_97, %swap3A_98] {strides = array<i32>} : memref<8x10240xf32, #tpu.memory_space<vmem>>, vector<16xf32>,
      tpu.vector_store %arg5[%swap3A_97, %swap3A_98], %broadcast_in_dim3A_93 {strides = array<i32>} : memref<8x10240xf32, #tpu.memory_space<vmem>>, vector<16xf32>,
      %broadcast_in_dim3A_100 = arith.constant 0.000000e+00 : f32
      %broadcast_in_dim3A_101 = vector.broadcast %broadcast_in_dim3A_100 : f32 to vector<16xf32>
      %mul3A_102 = arith.constant 16 : i32
      %mul3A_103 = arith.muli %scan3A_68, %mul3A_102 : i32
      %swap3A_104 = arith.constant 4 : i32
      %swap3A_105 = arith.index_cast %swap3A_104 : i32 to index
      %swap3A_106 = arith.index_cast %mul3A_103 : i32 to index
      %swap3A_107 = tpu.vector_load %arg5[%swap3A_105, %swap3A_106] {strides = array<i32>} : memref<8x10240xf32, #tpu.memory_space<vmem>>, vector<16xf32>,
      tpu.vector_store %arg5[%swap3A_105, %swap3A_106], %broadcast_in_dim3A_101 {strides = array<i32>} : memref<8x10240xf32, #tpu.memory_space<vmem>>, vector<16xf32>,
      %broadcast_in_dim3A_108 = arith.constant 0.000000e+00 : f32
      %broadcast_in_dim3A_109 = vector.broadcast %broadcast_in_dim3A_108 : f32 to vector<16xf32>
      %mul3A_110 = arith.constant 16 : i32
      %mul3A_111 = arith.muli %scan3A_68, %mul3A_110 : i32
      %swap3A_112 = arith.constant 5 : i32
      %swap3A_113 = arith.index_cast %swap3A_112 : i32 to index
      %swap3A_114 = arith.index_cast %mul3A_111 : i32 to index
      %swap3A_115 = tpu.vector_load %arg5[%swap3A_113, %swap3A_114] {strides = array<i32>} : memref<8x10240xf32, #tpu.memory_space<vmem>>, vector<16xf32>,
      tpu.vector_store %arg5[%swap3A_113, %swap3A_114], %broadcast_in_dim3A_109 {strides = array<i32>} : memref<8x10240xf32, #tpu.memory_space<vmem>>, vector<16xf32>,
      %broadcast_in_dim3A_116 = arith.constant 0.000000e+00 : f32
      %broadcast_in_dim3A_117 = vector.broadcast %broadcast_in_dim3A_116 : f32 to vector<16xf32>
      %mul3A_118 = arith.constant 16 : i32
      %mul3A_119 = arith.muli %scan3A_68, %mul3A_118 : i32
      %swap3A_120 = arith.constant 6 : i32
      %swap3A_121 = arith.index_cast %swap3A_120 : i32 to index
      %swap3A_122 = arith.index_cast %mul3A_119 : i32 to index
      %swap3A_123 = tpu.vector_load %arg5[%swap3A_121, %swap3A_122] {strides = array<i32>} : memref<8x10240xf32, #tpu.memory_space<vmem>>, vector<16xf32>,
      tpu.vector_store %arg5[%swap3A_121, %swap3A_122], %broadcast_in_dim3A_117 {strides = array<i32>} : memref<8x10240xf32, #tpu.memory_space<vmem>>, vector<16xf32>,
      %broadcast_in_dim3A_124 = arith.constant 0.000000e+00 : f32
      %broadcast_in_dim3A_125 = vector.broadcast %broadcast_in_dim3A_124 : f32 to vector<16xf32>
      %mul3A_126 = arith.constant 16 : i32
      %mul3A_127 = arith.muli %scan3A_68, %mul3A_126 : i32
      %swap3A_128 = arith.constant 7 : i32
      %swap3A_129 = arith.index_cast %swap3A_128 : i32 to index
      %swap3A_130 = arith.index_cast %mul3A_127 : i32 to index
      %swap3A_131 = tpu.vector_load %arg5[%swap3A_129, %swap3A_130] {strides = array<i32>} : memref<8x10240xf32, #tpu.memory_space<vmem>>, vector<16xf32>,
      tpu.vector_store %arg5[%swap3A_129, %swap3A_130], %broadcast_in_dim3A_125 {strides = array<i32>} : memref<8x10240xf32, #tpu.memory_space<vmem>>, vector<16xf32>,
    }
    %scan3A_11 = arith.constant 640 : i32
    %scan3A_12 = arith.constant 0 : i32
    %scan3A_13 = arith.constant 125 : i32
    %scan3A_14 = arith.addi %scan3A_12, %scan3A_13 : i32
    %scan3A_15 = arith.constant 1 : i32
    scf.for %scan3A_68 = %scan3A_12 to %scan3A_14 step %scan3A_15  : i32 {
      %mul3A_69 = arith.constant 5 : i32
      %mul3A_70 = arith.muli %scan3A_68, %mul3A_69 : i32
      %add3A_71 = arith.constant 0 : i32
      %add3A_72 = arith.addi %mul3A_70, %add3A_71 : i32
      %mul3A_73 = arith.constant 16 : i32
      %mul3A_74 = arith.muli %add3A_72, %mul3A_73 : i32
      %get3A = arith.index_cast %mul3A_74 : i32 to index
      %get3A_75 = tpu.vector_load %arg4[%get3A] {strides = array<i32>} : memref<10000xi32, #tpu.memory_space<vmem>>, vector<16xi32>,
      tpu.vector_store_idx %arg5[%and3A_2, %get3A_75], %broadcast_in_dim3A_7 masked %lt3A_4 {add = true} : memref<8x10240xf32, #tpu.memory_space<vmem>>[vector<16xi32>, vector<16xi32>], vector<16xf32>, vector<16xi1>
      tpu.vector_store_idx %arg5[%and3A_2, %get3A_75], %broadcast_in_dim3A_7 masked %ge3A_6 {add = true} : memref<8x10240xf32, #tpu.memory_space<vmem>>[vector<16xi32>, vector<16xi32>], vector<16xf32>, vector<16xi1>
      %mul3A_76 = arith.constant 5 : i32
      %mul3A_77 = arith.muli %scan3A_68, %mul3A_76 : i32
      %add3A_78 = arith.constant 1 : i32
      %add3A_79 = arith.addi %mul3A_77, %add3A_78 : i32
      %mul3A_80 = arith.constant 16 : i32
      %mul3A_81 = arith.muli %add3A_79, %mul3A_80 : i32
      %get3A_82 = arith.index_cast %mul3A_81 : i32 to index
      %get3A_83 = tpu.vector_load %arg4[%get3A_82] {strides = array<i32>} : memref<10000xi32, #tpu.memory_space<vmem>>, vector<16xi32>,
      tpu.vector_store_idx %arg5[%and3A_2, %get3A_83], %broadcast_in_dim3A_7 masked %lt3A_4 {add = true} : memref<8x10240xf32, #tpu.memory_space<vmem>>[vector<16xi32>, vector<16xi32>], vector<16xf32>, vector<16xi1>
      tpu.vector_store_idx %arg5[%and3A_2, %get3A_83], %broadcast_in_dim3A_7 masked %ge3A_6 {add = true} : memref<8x10240xf32, #tpu.memory_space<vmem>>[vector<16xi32>, vector<16xi32>], vector<16xf32>, vector<16xi1>
      %mul3A_84 = arith.constant 5 : i32
      %mul3A_85 = arith.muli %scan3A_68, %mul3A_84 : i32
      %add3A_86 = arith.constant 2 : i32
      %add3A_87 = arith.addi %mul3A_85, %add3A_86 : i32
      %mul3A_88 = arith.constant 16 : i32
      %mul3A_89 = arith.muli %add3A_87, %mul3A_88 : i32
      %get3A_90 = arith.index_cast %mul3A_89 : i32 to index
      %get3A_91 = tpu.vector_load %arg4[%get3A_90] {strides = array<i32>} : memref<10000xi32, #tpu.memory_space<vmem>>, vector<16xi32>,
      tpu.vector_store_idx %arg5[%and3A_2, %get3A_91], %broadcast_in_dim3A_7 masked %lt3A_4 {add = true} : memref<8x10240xf32, #tpu.memory_space<vmem>>[vector<16xi32>, vector<16xi32>], vector<16xf32>, vector<16xi1>
      tpu.vector_store_idx %arg5[%and3A_2, %get3A_91], %broadcast_in_dim3A_7 masked %ge3A_6 {add = true} : memref<8x10240xf32, #tpu.memory_space<vmem>>[vector<16xi32>, vector<16xi32>], vector<16xf32>, vector<16xi1>
      %mul3A_92 = arith.constant 5 : i32
      %mul3A_93 = arith.muli %scan3A_68, %mul3A_92 : i32
      %add3A_94 = arith.constant 3 : i32
      %add3A_95 = arith.addi %mul3A_93, %add3A_94 : i32
      %mul3A_96 = arith.constant 16 : i32
      %mul3A_97 = arith.muli %add3A_95, %mul3A_96 : i32
      %get3A_98 = arith.index_cast %mul3A_97 : i32 to index
      %get3A_99 = tpu.vector_load %arg4[%get3A_98] {strides = array<i32>} : memref<10000xi32, #tpu.memory_space<vmem>>, vector<16xi32>,
      tpu.vector_store_idx %arg5[%and3A_2, %get3A_99], %broadcast_in_dim3A_7 masked %lt3A_4 {add = true} : memref<8x10240xf32, #tpu.memory_space<vmem>>[vector<16xi32>, vector<16xi32>], vector<16xf32>, vector<16xi1>
      tpu.vector_store_idx %arg5[%and3A_2, %get3A_99], %broadcast_in_dim3A_7 masked %ge3A_6 {add = true} : memref<8x10240xf32, #tpu.memory_space<vmem>>[vector<16xi32>, vector<16xi32>], vector<16xf32>, vector<16xi1>
      %mul3A_100 = arith.constant 5 : i32
      %mul3A_101 = arith.muli %scan3A_68, %mul3A_100 : i32
      %add3A_102 = arith.constant 4 : i32
      %add3A_103 = arith.addi %mul3A_101, %add3A_102 : i32
      %mul3A_104 = arith.constant 16 : i32
      %mul3A_105 = arith.muli %add3A_103, %mul3A_104 : i32
      %get3A_106 = arith.index_cast %mul3A_105 : i32 to index
      %get3A_107 = tpu.vector_load %arg4[%get3A_106] {strides = array<i32>} : memref<10000xi32, #tpu.memory_space<vmem>>, vector<16xi32>,
      tpu.vector_store_idx %arg5[%and3A_2, %get3A_107], %broadcast_in_dim3A_7 masked %lt3A_4 {add = true} : memref<8x10240xf32, #tpu.memory_space<vmem>>[vector<16xi32>, vector<16xi32>], vector<16xf32>, vector<16xi1>
      tpu.vector_store_idx %arg5[%and3A_2, %get3A_107], %broadcast_in_dim3A_7 masked %ge3A_6 {add = true} : memref<8x10240xf32, #tpu.memory_space<vmem>>[vector<16xi32>, vector<16xi32>], vector<16xf32>, vector<16xi1>
    }
    %scan3A_16 = arith.constant 125 : i32
    %scan3A_17 = arith.constant 0 : i32
    %scan3A_18 = arith.constant 640 : i32
    %scan3A_19 = arith.addi %scan3A_17, %scan3A_18 : i32
    %scan3A_20 = arith.constant 1 : i32
    scf.for %scan3A_68 = %scan3A_17 to %scan3A_19 step %scan3A_20  : i32 {
      %mul3A_69 = arith.constant 16 : i32
      %mul3A_70 = arith.muli %scan3A_68, %mul3A_69 : i32
      %get3A = arith.constant 0 : i32
      %get3A_71 = arith.index_cast %get3A : i32 to index
      %get3A_72 = arith.index_cast %mul3A_70 : i32 to index
      %get3A_73 = tpu.vector_load %arg5[%get3A_71, %get3A_72] {strides = array<i32>} : memref<8x10240xf32, #tpu.memory_space<vmem>>, vector<16xf32>,
      %mul3A_74 = arith.constant 16 : i32
      %mul3A_75 = arith.muli %scan3A_68, %mul3A_74 : i32
      %get3A_76 = arith.constant 1 : i32
      %get3A_77 = arith.index_cast %get3A_76 : i32 to index
      %get3A_78 = arith.index_cast %mul3A_75 : i32 to index
      %get3A_79 = tpu.vector_load %arg5[%get3A_77, %get3A_78] {strides = array<i32>} : memref<8x10240xf32, #tpu.memory_space<vmem>>, vector<16xf32>,
      %add3A_80 = arith.addf %get3A_73, %get3A_79 : vector<16xf32>
      %mul3A_81 = arith.constant 16 : i32
      %mul3A_82 = arith.muli %scan3A_68, %mul3A_81 : i32
      %get3A_83 = arith.constant 2 : i32
      %get3A_84 = arith.index_cast %get3A_83 : i32 to index
      %get3A_85 = arith.index_cast %mul3A_82 : i32 to index
      %get3A_86 = tpu.vector_load %arg5[%get3A_84, %get3A_85] {strides = array<i32>} : memref<8x10240xf32, #tpu.memory_space<vmem>>, vector<16xf32>,
      %add3A_87 = arith.addf %add3A_80, %get3A_86 : vector<16xf32>
      %mul3A_88 = arith.constant 16 : i32
      %mul3A_89 = arith.muli %scan3A_68, %mul3A_88 : i32
      %get3A_90 = arith.constant 3 : i32
      %get3A_91 = arith.index_cast %get3A_90 : i32 to index
      %get3A_92 = arith.index_cast %mul3A_89 : i32 to index
      %get3A_93 = tpu.vector_load %arg5[%get3A_91, %get3A_92] {strides = array<i32>} : memref<8x10240xf32, #tpu.memory_space<vmem>>, vector<16xf32>,
      %add3A_94 = arith.addf %add3A_87, %get3A_93 : vector<16xf32>
      %mul3A_95 = arith.constant 16 : i32
      %mul3A_96 = arith.muli %scan3A_68, %mul3A_95 : i32
      %get3A_97 = arith.constant 4 : i32
      %get3A_98 = arith.index_cast %get3A_97 : i32 to index
      %get3A_99 = arith.index_cast %mul3A_96 : i32 to index
      %get3A_100 = tpu.vector_load %arg5[%get3A_98, %get3A_99] {strides = array<i32>} : memref<8x10240xf32, #tpu.memory_space<vmem>>, vector<16xf32>,
      %add3A_101 = arith.addf %add3A_94, %get3A_100 : vector<16xf32>
      %mul3A_102 = arith.constant 16 : i32
      %mul3A_103 = arith.muli %scan3A_68, %mul3A_102 : i32
      %get3A_104 = arith.constant 5 : i32
      %get3A_105 = arith.index_cast %get3A_104 : i32 to index
      %get3A_106 = arith.index_cast %mul3A_103 : i32 to index
      %get3A_107 = tpu.vector_load %arg5[%get3A_105, %get3A_106] {strides = array<i32>} : memref<8x10240xf32, #tpu.memory_space<vmem>>, vector<16xf32>,
      %add3A_108 = arith.addf %add3A_101, %get3A_107 : vector<16xf32>
      %mul3A_109 = arith.constant 16 : i32
      %mul3A_110 = arith.muli %scan3A_68, %mul3A_109 : i32
      %get3A_111 = arith.constant 6 : i32
      %get3A_112 = arith.index_cast %get3A_111 : i32 to index
      %get3A_113 = arith.index_cast %mul3A_110 : i32 to index
      %get3A_114 = tpu.vector_load %arg5[%get3A_112, %get3A_113] {strides = array<i32>} : memref<8x10240xf32, #tpu.memory_space<vmem>>, vector<16xf32>,
      %add3A_115 = arith.addf %add3A_108, %get3A_114 : vector<16xf32>
      %mul3A_116 = arith.constant 16 : i32
      %mul3A_117 = arith.muli %scan3A_68, %mul3A_116 : i32
      %get3A_118 = arith.constant 7 : i32
      %get3A_119 = arith.index_cast %get3A_118 : i32 to index
      %get3A_120 = arith.index_cast %mul3A_117 : i32 to index
      %get3A_121 = tpu.vector_load %arg5[%get3A_119, %get3A_120] {strides = array<i32>} : memref<8x10240xf32, #tpu.memory_space<vmem>>, vector<16xf32>,
      %add3A_122 = arith.addf %add3A_115, %get3A_121 : vector<16xf32>
      %mul3A_123 = arith.constant 16 : i32
      %mul3A_124 = arith.muli %scan3A_68, %mul3A_123 : i32
      %swap3A = arith.index_cast %mul3A_124 : i32 to index
      %swap3A_125 = tpu.vector_load %arg6[%swap3A] {strides = array<i32>} : memref<10240xf32, #tpu.memory_space<vmem>>, vector<16xf32>,
      tpu.vector_store %arg6[%swap3A], %add3A_122 {strides = array<i32>} : memref<10240xf32, #tpu.memory_space<vmem>>, vector<16xf32>,
    }
    %scan3A_21 = arith.constant 640 : i32
    "tpu.region"() ({
      %run_scoped3A_68 = tpu.sem_alloc : memref<!tpu.dma_semaphore, #tpu.memory_space<semaphore_mem>>
      %dma_start3A = arith.constant 0 : i32
      %dma_start3A_69 = tpu.memref_slice %arg9[%arg1, %dma_start3A] : memref<16x20480xf32, #tpu.memory_space<vmem_shared>> -> memref<1x10240xf32, #tpu.memory_space<vmem_shared>>
      %dma_start3A_70 = tpu.memref_squeeze %dma_start3A_69 : memref<1x10240xf32, #tpu.memory_space<vmem_shared>> -> memref<10240xf32, #tpu.memory_space<vmem_shared>>
      %dma_start3A_71 = arith.constant 0 : i32
      %dma_start3A_72 = tpu.memref_slice %arg9[%arg1, %dma_start3A_71] : memref<16x20480xf32, #tpu.memory_space<vmem_shared>> -> memref<1x10240xf32, #tpu.memory_space<vmem_shared>>
      %dma_start3A_73 = tpu.memref_squeeze %dma_start3A_72 : memref<1x10240xf32, #tpu.memory_space<vmem_shared>> -> memref<10240xf32, #tpu.memory_space<vmem_shared>>
      tpu.enqueue_dma source(%arg6 : memref<10240xf32, #tpu.memory_space<vmem>>) target(%dma_start3A_73 : memref<10240xf32, #tpu.memory_space<vmem_shared>>) target_semaphore(%run_scoped3A_68 : memref<!tpu.dma_semaphore, #tpu.memory_space<semaphore_mem>>)
      %dma_wait3A = arith.constant 0 : i32
      %dma_wait3A_74 = tpu.memref_slice %arg9[%arg1, %dma_wait3A] : memref<16x20480xf32, #tpu.memory_space<vmem_shared>> -> memref<1x10240xf32, #tpu.memory_space<vmem_shared>>
      %dma_wait3A_75 = tpu.memref_squeeze %dma_wait3A_74 : memref<1x10240xf32, #tpu.memory_space<vmem_shared>> -> memref<10240xf32, #tpu.memory_space<vmem_shared>>
      %dma_wait3A_76 = arith.constant 0 : i32
      %dma_wait3A_77 = tpu.memref_slice %arg9[%arg1, %dma_wait3A_76] : memref<16x20480xf32, #tpu.memory_space<vmem_shared>> -> memref<1x10240xf32, #tpu.memory_space<vmem_shared>>
      %dma_wait3A_78 = tpu.memref_squeeze %dma_wait3A_77 : memref<1x10240xf32, #tpu.memory_space<vmem_shared>> -> memref<10240xf32, #tpu.memory_space<vmem_shared>>
      tpu.wait_dma2 semaphore(%run_scoped3A_68 : memref<!tpu.dma_semaphore, #tpu.memory_space<semaphore_mem>>) src(%arg6 : memref<10240xf32, #tpu.memory_space<vmem>>) dst(%dma_wait3A_78 : memref<10240xf32, #tpu.memory_space<vmem_shared>>)
      tpu.yield
    }) : () -> ()
    %run_scoped3A_22 = arith.constant 1 : i32
    "tpu.region"() ({
      %run_scoped3A_68 = tpu.sem_alloc : memref<!tpu.dma_semaphore, #tpu.memory_space<semaphore_mem>>
      %dma_start3A = arith.constant 0 : i32
      %dma_start3A_69 = tpu.memref_slice %arg2[%run_scoped3A_22, %add3A, %dma_start3A] : memref<2x32x10000xi32, #tpu.memory_space<hbm>> -> memref<1x1x10000xi32, #tpu.memory_space<hbm>>
      %dma_start3A_70 = tpu.memref_squeeze %dma_start3A_69 : memref<1x1x10000xi32, #tpu.memory_space<hbm>> -> memref<10000xi32, #tpu.memory_space<hbm>>
      %dma_start3A_71 = arith.constant 0 : i32
      %dma_start3A_72 = tpu.memref_slice %arg2[%run_scoped3A_22, %add3A, %dma_start3A_71] : memref<2x32x10000xi32, #tpu.memory_space<hbm>> -> memref<1x1x10000xi32, #tpu.memory_space<hbm>>
      %dma_start3A_73 = tpu.memref_squeeze %dma_start3A_72 : memref<1x1x10000xi32, #tpu.memory_space<hbm>> -> memref<10000xi32, #tpu.memory_space<hbm>>
      tpu.enqueue_dma source(%dma_start3A_73 : memref<10000xi32, #tpu.memory_space<hbm>>) target(%arg4 : memref<10000xi32, #tpu.memory_space<vmem>>) target_semaphore(%run_scoped3A_68 : memref<!tpu.dma_semaphore, #tpu.memory_space<semaphore_mem>>)
      %dma_wait3A = arith.constant 0 : i32
      %dma_wait3A_74 = tpu.memref_slice %arg2[%run_scoped3A_22, %add3A, %dma_wait3A] : memref<2x32x10000xi32, #tpu.memory_space<hbm>> -> memref<1x1x10000xi32, #tpu.memory_space<hbm>>
      %dma_wait3A_75 = tpu.memref_squeeze %dma_wait3A_74 : memref<1x1x10000xi32, #tpu.memory_space<hbm>> -> memref<10000xi32, #tpu.memory_space<hbm>>
      %dma_wait3A_76 = arith.constant 0 : i32
      %dma_wait3A_77 = tpu.memref_slice %arg2[%run_scoped3A_22, %add3A, %dma_wait3A_76] : memref<2x32x10000xi32, #tpu.memory_space<hbm>> -> memref<1x1x10000xi32, #tpu.memory_space<hbm>>
      %dma_wait3A_78 = tpu.memref_squeeze %dma_wait3A_77 : memref<1x1x10000xi32, #tpu.memory_space<hbm>> -> memref<10000xi32, #tpu.memory_space<hbm>>
      tpu.wait_dma2 semaphore(%run_scoped3A_68 : memref<!tpu.dma_semaphore, #tpu.memory_space<semaphore_mem>>) src(%dma_wait3A_78 : memref<10000xi32, #tpu.memory_space<hbm>>) dst(%arg4 : memref<10000xi32, #tpu.memory_space<vmem>>)
      tpu.yield
    }) : () -> ()
    %scan3A_23 = arith.constant 0 : i32
    %scan3A_24 = arith.constant 640 : i32
    %scan3A_25 = arith.addi %scan3A_23, %scan3A_24 : i32
    %scan3A_26 = arith.constant 1 : i32
    scf.for %scan3A_68 = %scan3A_23 to %scan3A_25 step %scan3A_26  : i32 {
      %broadcast_in_dim3A_69 = arith.constant 0.000000e+00 : f32
      %broadcast_in_dim3A_70 = vector.broadcast %broadcast_in_dim3A_69 : f32 to vector<16xf32>
      %mul3A_71 = arith.constant 16 : i32
      %mul3A_72 = arith.muli %scan3A_68, %mul3A_71 : i32
      %swap3A = arith.constant 0 : i32
      %swap3A_73 = arith.index_cast %swap3A : i32 to index
      %swap3A_74 = arith.index_cast %mul3A_72 : i32 to index
      %swap3A_75 = tpu.vector_load %arg5[%swap3A_73, %swap3A_74] {strides = array<i32>} : memref<8x10240xf32, #tpu.memory_space<vmem>>, vector<16xf32>,
      tpu.vector_store %arg5[%swap3A_73, %swap3A_74], %broadcast_in_dim3A_70 {strides = array<i32>} : memref<8x10240xf32, #tpu.memory_space<vmem>>, vector<16xf32>,
      %broadcast_in_dim3A_76 = arith.constant 0.000000e+00 : f32
      %broadcast_in_dim3A_77 = vector.broadcast %broadcast_in_dim3A_76 : f32 to vector<16xf32>
      %mul3A_78 = arith.constant 16 : i32
      %mul3A_79 = arith.muli %scan3A_68, %mul3A_78 : i32
      %swap3A_80 = arith.constant 1 : i32
      %swap3A_81 = arith.index_cast %swap3A_80 : i32 to index
      %swap3A_82 = arith.index_cast %mul3A_79 : i32 to index
      %swap3A_83 = tpu.vector_load %arg5[%swap3A_81, %swap3A_82] {strides = array<i32>} : memref<8x10240xf32, #tpu.memory_space<vmem>>, vector<16xf32>,
      tpu.vector_store %arg5[%swap3A_81, %swap3A_82], %broadcast_in_dim3A_77 {strides = array<i32>} : memref<8x10240xf32, #tpu.memory_space<vmem>>, vector<16xf32>,
      %broadcast_in_dim3A_84 = arith.constant 0.000000e+00 : f32
      %broadcast_in_dim3A_85 = vector.broadcast %broadcast_in_dim3A_84 : f32 to vector<16xf32>
      %mul3A_86 = arith.constant 16 : i32
      %mul3A_87 = arith.muli %scan3A_68, %mul3A_86 : i32
      %swap3A_88 = arith.constant 2 : i32
      %swap3A_89 = arith.index_cast %swap3A_88 : i32 to index
      %swap3A_90 = arith.index_cast %mul3A_87 : i32 to index
      %swap3A_91 = tpu.vector_load %arg5[%swap3A_89, %swap3A_90] {strides = array<i32>} : memref<8x10240xf32, #tpu.memory_space<vmem>>, vector<16xf32>,
      tpu.vector_store %arg5[%swap3A_89, %swap3A_90], %broadcast_in_dim3A_85 {strides = array<i32>} : memref<8x10240xf32, #tpu.memory_space<vmem>>, vector<16xf32>,
      %broadcast_in_dim3A_92 = arith.constant 0.000000e+00 : f32
      %broadcast_in_dim3A_93 = vector.broadcast %broadcast_in_dim3A_92 : f32 to vector<16xf32>
      %mul3A_94 = arith.constant 16 : i32
      %mul3A_95 = arith.muli %scan3A_68, %mul3A_94 : i32
      %swap3A_96 = arith.constant 3 : i32
      %swap3A_97 = arith.index_cast %swap3A_96 : i32 to index
      %swap3A_98 = arith.index_cast %mul3A_95 : i32 to index
      %swap3A_99 = tpu.vector_load %arg5[%swap3A_97, %swap3A_98] {strides = array<i32>} : memref<8x10240xf32, #tpu.memory_space<vmem>>, vector<16xf32>,
      tpu.vector_store %arg5[%swap3A_97, %swap3A_98], %broadcast_in_dim3A_93 {strides = array<i32>} : memref<8x10240xf32, #tpu.memory_space<vmem>>, vector<16xf32>,
      %broadcast_in_dim3A_100 = arith.constant 0.000000e+00 : f32
      %broadcast_in_dim3A_101 = vector.broadcast %broadcast_in_dim3A_100 : f32 to vector<16xf32>
      %mul3A_102 = arith.constant 16 : i32
      %mul3A_103 = arith.muli %scan3A_68, %mul3A_102 : i32
      %swap3A_104 = arith.constant 4 : i32
      %swap3A_105 = arith.index_cast %swap3A_104 : i32 to index
      %swap3A_106 = arith.index_cast %mul3A_103 : i32 to index
      %swap3A_107 = tpu.vector_load %arg5[%swap3A_105, %swap3A_106] {strides = array<i32>} : memref<8x10240xf32, #tpu.memory_space<vmem>>, vector<16xf32>,
      tpu.vector_store %arg5[%swap3A_105, %swap3A_106], %broadcast_in_dim3A_101 {strides = array<i32>} : memref<8x10240xf32, #tpu.memory_space<vmem>>, vector<16xf32>,
      %broadcast_in_dim3A_108 = arith.constant 0.000000e+00 : f32
      %broadcast_in_dim3A_109 = vector.broadcast %broadcast_in_dim3A_108 : f32 to vector<16xf32>
      %mul3A_110 = arith.constant 16 : i32
      %mul3A_111 = arith.muli %scan3A_68, %mul3A_110 : i32
      %swap3A_112 = arith.constant 5 : i32
      %swap3A_113 = arith.index_cast %swap3A_112 : i32 to index
      %swap3A_114 = arith.index_cast %mul3A_111 : i32 to index
      %swap3A_115 = tpu.vector_load %arg5[%swap3A_113, %swap3A_114] {strides = array<i32>} : memref<8x10240xf32, #tpu.memory_space<vmem>>, vector<16xf32>,
      tpu.vector_store %arg5[%swap3A_113, %swap3A_114], %broadcast_in_dim3A_109 {strides = array<i32>} : memref<8x10240xf32, #tpu.memory_space<vmem>>, vector<16xf32>,
      %broadcast_in_dim3A_116 = arith.constant 0.000000e+00 : f32
      %broadcast_in_dim3A_117 = vector.broadcast %broadcast_in_dim3A_116 : f32 to vector<16xf32>
      %mul3A_118 = arith.constant 16 : i32
      %mul3A_119 = arith.muli %scan3A_68, %mul3A_118 : i32
      %swap3A_120 = arith.constant 6 : i32
      %swap3A_121 = arith.index_cast %swap3A_120 : i32 to index
      %swap3A_122 = arith.index_cast %mul3A_119 : i32 to index
      %swap3A_123 = tpu.vector_load %arg5[%swap3A_121, %swap3A_122] {strides = array<i32>} : memref<8x10240xf32, #tpu.memory_space<vmem>>, vector<16xf32>,
      tpu.vector_store %arg5[%swap3A_121, %swap3A_122], %broadcast_in_dim3A_117 {strides = array<i32>} : memref<8x10240xf32, #tpu.memory_space<vmem>>, vector<16xf32>,
      %broadcast_in_dim3A_124 = arith.constant 0.000000e+00 : f32
      %broadcast_in_dim3A_125 = vector.broadcast %broadcast_in_dim3A_124 : f32 to vector<16xf32>
      %mul3A_126 = arith.constant 16 : i32
      %mul3A_127 = arith.muli %scan3A_68, %mul3A_126 : i32
      %swap3A_128 = arith.constant 7 : i32
      %swap3A_129 = arith.index_cast %swap3A_128 : i32 to index
      %swap3A_130 = arith.index_cast %mul3A_127 : i32 to index
      %swap3A_131 = tpu.vector_load %arg5[%swap3A_129, %swap3A_130] {strides = array<i32>} : memref<8x10240xf32, #tpu.memory_space<vmem>>, vector<16xf32>,
      tpu.vector_store %arg5[%swap3A_129, %swap3A_130], %broadcast_in_dim3A_125 {strides = array<i32>} : memref<8x10240xf32, #tpu.memory_space<vmem>>, vector<16xf32>,
    }
    %scan3A_27 = arith.constant 640 : i32
    %scan3A_28 = arith.constant 0 : i32
    %scan3A_29 = arith.constant 125 : i32
    %scan3A_30 = arith.addi %scan3A_28, %scan3A_29 : i32
    %scan3A_31 = arith.constant 1 : i32
    scf.for %scan3A_68 = %scan3A_28 to %scan3A_30 step %scan3A_31  : i32 {
      %mul3A_69 = arith.constant 5 : i32
      %mul3A_70 = arith.muli %scan3A_68, %mul3A_69 : i32
      %add3A_71 = arith.constant 0 : i32
      %add3A_72 = arith.addi %mul3A_70, %add3A_71 : i32
      %mul3A_73 = arith.constant 16 : i32
      %mul3A_74 = arith.muli %add3A_72, %mul3A_73 : i32
      %get3A = arith.index_cast %mul3A_74 : i32 to index
      %get3A_75 = tpu.vector_load %arg4[%get3A] {strides = array<i32>} : memref<10000xi32, #tpu.memory_space<vmem>>, vector<16xi32>,
      tpu.vector_store_idx %arg5[%and3A_2, %get3A_75], %broadcast_in_dim3A_7 masked %lt3A_4 {add = true} : memref<8x10240xf32, #tpu.memory_space<vmem>>[vector<16xi32>, vector<16xi32>], vector<16xf32>, vector<16xi1>
      tpu.vector_store_idx %arg5[%and3A_2, %get3A_75], %broadcast_in_dim3A_7 masked %ge3A_6 {add = true} : memref<8x10240xf32, #tpu.memory_space<vmem>>[vector<16xi32>, vector<16xi32>], vector<16xf32>, vector<16xi1>
      %mul3A_76 = arith.constant 5 : i32
      %mul3A_77 = arith.muli %scan3A_68, %mul3A_76 : i32
      %add3A_78 = arith.constant 1 : i32
      %add3A_79 = arith.addi %mul3A_77, %add3A_78 : i32
      %mul3A_80 = arith.constant 16 : i32
      %mul3A_81 = arith.muli %add3A_79, %mul3A_80 : i32
      %get3A_82 = arith.index_cast %mul3A_81 : i32 to index
      %get3A_83 = tpu.vector_load %arg4[%get3A_82] {strides = array<i32>} : memref<10000xi32, #tpu.memory_space<vmem>>, vector<16xi32>,
      tpu.vector_store_idx %arg5[%and3A_2, %get3A_83], %broadcast_in_dim3A_7 masked %lt3A_4 {add = true} : memref<8x10240xf32, #tpu.memory_space<vmem>>[vector<16xi32>, vector<16xi32>], vector<16xf32>, vector<16xi1>
      tpu.vector_store_idx %arg5[%and3A_2, %get3A_83], %broadcast_in_dim3A_7 masked %ge3A_6 {add = true} : memref<8x10240xf32, #tpu.memory_space<vmem>>[vector<16xi32>, vector<16xi32>], vector<16xf32>, vector<16xi1>
      %mul3A_84 = arith.constant 5 : i32
      %mul3A_85 = arith.muli %scan3A_68, %mul3A_84 : i32
      %add3A_86 = arith.constant 2 : i32
      %add3A_87 = arith.addi %mul3A_85, %add3A_86 : i32
      %mul3A_88 = arith.constant 16 : i32
      %mul3A_89 = arith.muli %add3A_87, %mul3A_88 : i32
      %get3A_90 = arith.index_cast %mul3A_89 : i32 to index
      %get3A_91 = tpu.vector_load %arg4[%get3A_90] {strides = array<i32>} : memref<10000xi32, #tpu.memory_space<vmem>>, vector<16xi32>,
      tpu.vector_store_idx %arg5[%and3A_2, %get3A_91], %broadcast_in_dim3A_7 masked %lt3A_4 {add = true} : memref<8x10240xf32, #tpu.memory_space<vmem>>[vector<16xi32>, vector<16xi32>], vector<16xf32>, vector<16xi1>
      tpu.vector_store_idx %arg5[%and3A_2, %get3A_91], %broadcast_in_dim3A_7 masked %ge3A_6 {add = true} : memref<8x10240xf32, #tpu.memory_space<vmem>>[vector<16xi32>, vector<16xi32>], vector<16xf32>, vector<16xi1>
      %mul3A_92 = arith.constant 5 : i32
      %mul3A_93 = arith.muli %scan3A_68, %mul3A_92 : i32
      %add3A_94 = arith.constant 3 : i32
      %add3A_95 = arith.addi %mul3A_93, %add3A_94 : i32
      %mul3A_96 = arith.constant 16 : i32
      %mul3A_97 = arith.muli %add3A_95, %mul3A_96 : i32
      %get3A_98 = arith.index_cast %mul3A_97 : i32 to index
      %get3A_99 = tpu.vector_load %arg4[%get3A_98] {strides = array<i32>} : memref<10000xi32, #tpu.memory_space<vmem>>, vector<16xi32>,
      tpu.vector_store_idx %arg5[%and3A_2, %get3A_99], %broadcast_in_dim3A_7 masked %lt3A_4 {add = true} : memref<8x10240xf32, #tpu.memory_space<vmem>>[vector<16xi32>, vector<16xi32>], vector<16xf32>, vector<16xi1>
      tpu.vector_store_idx %arg5[%and3A_2, %get3A_99], %broadcast_in_dim3A_7 masked %ge3A_6 {add = true} : memref<8x10240xf32, #tpu.memory_space<vmem>>[vector<16xi32>, vector<16xi32>], vector<16xf32>, vector<16xi1>
      %mul3A_100 = arith.constant 5 : i32
      %mul3A_101 = arith.muli %scan3A_68, %mul3A_100 : i32
      %add3A_102 = arith.constant 4 : i32
      %add3A_103 = arith.addi %mul3A_101, %add3A_102 : i32
      %mul3A_104 = arith.constant 16 : i32
      %mul3A_105 = arith.muli %add3A_103, %mul3A_104 : i32
      %get3A_106 = arith.index_cast %mul3A_105 : i32 to index
      %get3A_107 = tpu.vector_load %arg4[%get3A_106] {strides = array<i32>} : memref<10000xi32, #tpu.memory_space<vmem>>, vector<16xi32>,
      tpu.vector_store_idx %arg5[%and3A_2, %get3A_107], %broadcast_in_dim3A_7 masked %lt3A_4 {add = true} : memref<8x10240xf32, #tpu.memory_space<vmem>>[vector<16xi32>, vector<16xi32>], vector<16xf32>, vector<16xi1>
      tpu.vector_store_idx %arg5[%and3A_2, %get3A_107], %broadcast_in_dim3A_7 masked %ge3A_6 {add = true} : memref<8x10240xf32, #tpu.memory_space<vmem>>[vector<16xi32>, vector<16xi32>], vector<16xf32>, vector<16xi1>
    }
    %scan3A_32 = arith.constant 125 : i32
    %scan3A_33 = arith.constant 0 : i32
    %scan3A_34 = arith.constant 640 : i32
    %scan3A_35 = arith.addi %scan3A_33, %scan3A_34 : i32
    %scan3A_36 = arith.constant 1 : i32
    scf.for %scan3A_68 = %scan3A_33 to %scan3A_35 step %scan3A_36  : i32 {
      %mul3A_69 = arith.constant 16 : i32
      %mul3A_70 = arith.muli %scan3A_68, %mul3A_69 : i32
      %get3A = arith.constant 0 : i32
      %get3A_71 = arith.index_cast %get3A : i32 to index
      %get3A_72 = arith.index_cast %mul3A_70 : i32 to index
      %get3A_73 = tpu.vector_load %arg5[%get3A_71, %get3A_72] {strides = array<i32>} : memref<8x10240xf32, #tpu.memory_space<vmem>>, vector<16xf32>,
      %mul3A_74 = arith.constant 16 : i32
      %mul3A_75 = arith.muli %scan3A_68, %mul3A_74 : i32
      %get3A_76 = arith.constant 1 : i32
      %get3A_77 = arith.index_cast %get3A_76 : i32 to index
      %get3A_78 = arith.index_cast %mul3A_75 : i32 to index
      %get3A_79 = tpu.vector_load %arg5[%get3A_77, %get3A_78] {strides = array<i32>} : memref<8x10240xf32, #tpu.memory_space<vmem>>, vector<16xf32>,
      %add3A_80 = arith.addf %get3A_73, %get3A_79 : vector<16xf32>
      %mul3A_81 = arith.constant 16 : i32
      %mul3A_82 = arith.muli %scan3A_68, %mul3A_81 : i32
      %get3A_83 = arith.constant 2 : i32
      %get3A_84 = arith.index_cast %get3A_83 : i32 to index
      %get3A_85 = arith.index_cast %mul3A_82 : i32 to index
      %get3A_86 = tpu.vector_load %arg5[%get3A_84, %get3A_85] {strides = array<i32>} : memref<8x10240xf32, #tpu.memory_space<vmem>>, vector<16xf32>,
      %add3A_87 = arith.addf %add3A_80, %get3A_86 : vector<16xf32>
      %mul3A_88 = arith.constant 16 : i32
      %mul3A_89 = arith.muli %scan3A_68, %mul3A_88 : i32
      %get3A_90 = arith.constant 3 : i32
      %get3A_91 = arith.index_cast %get3A_90 : i32 to index
      %get3A_92 = arith.index_cast %mul3A_89 : i32 to index
      %get3A_93 = tpu.vector_load %arg5[%get3A_91, %get3A_92] {strides = array<i32>} : memref<8x10240xf32, #tpu.memory_space<vmem>>, vector<16xf32>,
      %add3A_94 = arith.addf %add3A_87, %get3A_93 : vector<16xf32>
      %mul3A_95 = arith.constant 16 : i32
      %mul3A_96 = arith.muli %scan3A_68, %mul3A_95 : i32
      %get3A_97 = arith.constant 4 : i32
      %get3A_98 = arith.index_cast %get3A_97 : i32 to index
      %get3A_99 = arith.index_cast %mul3A_96 : i32 to index
      %get3A_100 = tpu.vector_load %arg5[%get3A_98, %get3A_99] {strides = array<i32>} : memref<8x10240xf32, #tpu.memory_space<vmem>>, vector<16xf32>,
      %add3A_101 = arith.addf %add3A_94, %get3A_100 : vector<16xf32>
      %mul3A_102 = arith.constant 16 : i32
      %mul3A_103 = arith.muli %scan3A_68, %mul3A_102 : i32
      %get3A_104 = arith.constant 5 : i32
      %get3A_105 = arith.index_cast %get3A_104 : i32 to index
      %get3A_106 = arith.index_cast %mul3A_103 : i32 to index
      %get3A_107 = tpu.vector_load %arg5[%get3A_105, %get3A_106] {strides = array<i32>} : memref<8x10240xf32, #tpu.memory_space<vmem>>, vector<16xf32>,
      %add3A_108 = arith.addf %add3A_101, %get3A_107 : vector<16xf32>
      %mul3A_109 = arith.constant 16 : i32
      %mul3A_110 = arith.muli %scan3A_68, %mul3A_109 : i32
      %get3A_111 = arith.constant 6 : i32
      %get3A_112 = arith.index_cast %get3A_111 : i32 to index
      %get3A_113 = arith.index_cast %mul3A_110 : i32 to index
      %get3A_114 = tpu.vector_load %arg5[%get3A_112, %get3A_113] {strides = array<i32>} : memref<8x10240xf32, #tpu.memory_space<vmem>>, vector<16xf32>,
      %add3A_115 = arith.addf %add3A_108, %get3A_114 : vector<16xf32>
      %mul3A_116 = arith.constant 16 : i32
      %mul3A_117 = arith.muli %scan3A_68, %mul3A_116 : i32
      %get3A_118 = arith.constant 7 : i32
      %get3A_119 = arith.index_cast %get3A_118 : i32 to index
      %get3A_120 = arith.index_cast %mul3A_117 : i32 to index
      %get3A_121 = tpu.vector_load %arg5[%get3A_119, %get3A_120] {strides = array<i32>} : memref<8x10240xf32, #tpu.memory_space<vmem>>, vector<16xf32>,
      %add3A_122 = arith.addf %add3A_115, %get3A_121 : vector<16xf32>
      %mul3A_123 = arith.constant 16 : i32
      %mul3A_124 = arith.muli %scan3A_68, %mul3A_123 : i32
      %swap3A = arith.index_cast %mul3A_124 : i32 to index
      %swap3A_125 = tpu.vector_load %arg6[%swap3A] {strides = array<i32>} : memref<10240xf32, #tpu.memory_space<vmem>>, vector<16xf32>,
      tpu.vector_store %arg6[%swap3A], %add3A_122 {strides = array<i32>} : memref<10240xf32, #tpu.memory_space<vmem>>, vector<16xf32>,
    }
    %scan3A_37 = arith.constant 640 : i32
    "tpu.region"() ({
      %run_scoped3A_68 = tpu.sem_alloc : memref<!tpu.dma_semaphore, #tpu.memory_space<semaphore_mem>>
      %dma_start3A = arith.constant 10240 : i32
      %dma_start3A_69 = tpu.memref_slice %arg9[%arg1, %dma_start3A] : memref<16x20480xf32, #tpu.memory_space<vmem_shared>> -> memref<1x10240xf32, #tpu.memory_space<vmem_shared>>
      %dma_start3A_70 = tpu.memref_squeeze %dma_start3A_69 : memref<1x10240xf32, #tpu.memory_space<vmem_shared>> -> memref<10240xf32, #tpu.memory_space<vmem_shared>>
      %dma_start3A_71 = arith.constant 10240 : i32
      %dma_start3A_72 = tpu.memref_slice %arg9[%arg1, %dma_start3A_71] : memref<16x20480xf32, #tpu.memory_space<vmem_shared>> -> memref<1x10240xf32, #tpu.memory_space<vmem_shared>>
      %dma_start3A_73 = tpu.memref_squeeze %dma_start3A_72 : memref<1x10240xf32, #tpu.memory_space<vmem_shared>> -> memref<10240xf32, #tpu.memory_space<vmem_shared>>
      tpu.enqueue_dma source(%arg6 : memref<10240xf32, #tpu.memory_space<vmem>>) target(%dma_start3A_73 : memref<10240xf32, #tpu.memory_space<vmem_shared>>) target_semaphore(%run_scoped3A_68 : memref<!tpu.dma_semaphore, #tpu.memory_space<semaphore_mem>>)
      %dma_wait3A = arith.constant 10240 : i32
      %dma_wait3A_74 = tpu.memref_slice %arg9[%arg1, %dma_wait3A] : memref<16x20480xf32, #tpu.memory_space<vmem_shared>> -> memref<1x10240xf32, #tpu.memory_space<vmem_shared>>
      %dma_wait3A_75 = tpu.memref_squeeze %dma_wait3A_74 : memref<1x10240xf32, #tpu.memory_space<vmem_shared>> -> memref<10240xf32, #tpu.memory_space<vmem_shared>>
      %dma_wait3A_76 = arith.constant 10240 : i32
      %dma_wait3A_77 = tpu.memref_slice %arg9[%arg1, %dma_wait3A_76] : memref<16x20480xf32, #tpu.memory_space<vmem_shared>> -> memref<1x10240xf32, #tpu.memory_space<vmem_shared>>
      %dma_wait3A_78 = tpu.memref_squeeze %dma_wait3A_77 : memref<1x10240xf32, #tpu.memory_space<vmem_shared>> -> memref<10240xf32, #tpu.memory_space<vmem_shared>>
      tpu.wait_dma2 semaphore(%run_scoped3A_68 : memref<!tpu.dma_semaphore, #tpu.memory_space<semaphore_mem>>) src(%arg6 : memref<10240xf32, #tpu.memory_space<vmem>>) dst(%dma_wait3A_78 : memref<10240xf32, #tpu.memory_space<vmem_shared>>)
      tpu.yield
    }) : () -> ()
    %barrier3A = arith.constant 0 : index
    tpu.barrier barrier_id(%barrier3A)
    %mul3A_38 = arith.constant 1280 : i32
    %mul3A_39 = arith.muli %arg1, %mul3A_38 : i32
    %add3A_40 = arith.constant 0 : i32
    %add3A_41 = arith.addi %mul3A_39, %add3A_40 : i32
    "tpu.region"() ({
      %run_scoped3A_68 = tpu.sem_alloc : memref<!tpu.dma_semaphore, #tpu.memory_space<semaphore_mem>>
      %dma_start3A = arith.constant 0 : i32
      %dma_start3A_69 = tpu.memref_slice %arg9[%dma_start3A, %add3A_41] : memref<16x20480xf32, #tpu.memory_space<vmem_shared>> -> memref<16x320xf32, #tpu.memory_space<vmem_shared>>
      %dma_start3A_70 = arith.constant 0 : i32
      %dma_start3A_71 = tpu.memref_slice %arg9[%dma_start3A_70, %add3A_41] : memref<16x20480xf32, #tpu.memory_space<vmem_shared>> -> memref<16x320xf32, #tpu.memory_space<vmem_shared>>
      tpu.enqueue_dma source(%dma_start3A_71 : memref<16x320xf32, #tpu.memory_space<vmem_shared>>) target(%arg7 : memref<16x320xf32, #tpu.memory_space<vmem>>) target_semaphore(%run_scoped3A_68 : memref<!tpu.dma_semaphore, #tpu.memory_space<semaphore_mem>>)
      %dma_wait3A = arith.constant 0 : i32
      %dma_wait3A_72 = tpu.memref_slice %arg9[%dma_wait3A, %add3A_41] : memref<16x20480xf32, #tpu.memory_space<vmem_shared>> -> memref<16x320xf32, #tpu.memory_space<vmem_shared>>
      %dma_wait3A_73 = arith.constant 0 : i32
      %dma_wait3A_74 = tpu.memref_slice %arg9[%dma_wait3A_73, %add3A_41] : memref<16x20480xf32, #tpu.memory_space<vmem_shared>> -> memref<16x320xf32, #tpu.memory_space<vmem_shared>>
      tpu.wait_dma2 semaphore(%run_scoped3A_68 : memref<!tpu.dma_semaphore, #tpu.memory_space<semaphore_mem>>) src(%dma_wait3A_74 : memref<16x320xf32, #tpu.memory_space<vmem_shared>>) dst(%arg7 : memref<16x320xf32, #tpu.memory_space<vmem>>)
      tpu.yield
    }) : () -> ()
    %scan3A_42 = arith.constant 0 : i32
    %scan3A_43 = arith.constant 20 : i32
    %scan3A_44 = arith.addi %scan3A_42, %scan3A_43 : i32
    %scan3A_45 = arith.constant 1 : i32
    scf.for %scan3A_68 = %scan3A_42 to %scan3A_44 step %scan3A_45  : i32 {
      %mul3A_69 = arith.constant 16 : i32
      %mul3A_70 = arith.muli %scan3A_68, %mul3A_69 : i32
      %get3A = arith.constant 0 : i32
      %get3A_71 = arith.index_cast %get3A : i32 to index
      %get3A_72 = arith.index_cast %mul3A_70 : i32 to index
      %get3A_73 = tpu.vector_load %arg7[%get3A_71, %get3A_72] {strides = array<i32>} : memref<16x320xf32, #tpu.memory_space<vmem>>, vector<16xf32>,
      %mul3A_74 = arith.constant 16 : i32
      %mul3A_75 = arith.muli %scan3A_68, %mul3A_74 : i32
      %get3A_76 = arith.constant 1 : i32
      %get3A_77 = arith.index_cast %get3A_76 : i32 to index
      %get3A_78 = arith.index_cast %mul3A_75 : i32 to index
      %get3A_79 = tpu.vector_load %arg7[%get3A_77, %get3A_78] {strides = array<i32>} : memref<16x320xf32, #tpu.memory_space<vmem>>, vector<16xf32>,
      %add3A_80 = arith.addf %get3A_73, %get3A_79 : vector<16xf32>
      %mul3A_81 = arith.constant 16 : i32
      %mul3A_82 = arith.muli %scan3A_68, %mul3A_81 : i32
      %get3A_83 = arith.constant 2 : i32
      %get3A_84 = arith.index_cast %get3A_83 : i32 to index
      %get3A_85 = arith.index_cast %mul3A_82 : i32 to index
      %get3A_86 = tpu.vector_load %arg7[%get3A_84, %get3A_85] {strides = array<i32>} : memref<16x320xf32, #tpu.memory_space<vmem>>, vector<16xf32>,
      %add3A_87 = arith.addf %add3A_80, %get3A_86 : vector<16xf32>
      %mul3A_88 = arith.constant 16 : i32
      %mul3A_89 = arith.muli %scan3A_68, %mul3A_88 : i32
      %get3A_90 = arith.constant 3 : i32
      %get3A_91 = arith.index_cast %get3A_90 : i32 to index
      %get3A_92 = arith.index_cast %mul3A_89 : i32 to index
      %get3A_93 = tpu.vector_load %arg7[%get3A_91, %get3A_92] {strides = array<i32>} : memref<16x320xf32, #tpu.memory_space<vmem>>, vector<16xf32>,
      %add3A_94 = arith.addf %add3A_87, %get3A_93 : vector<16xf32>
      %mul3A_95 = arith.constant 16 : i32
      %mul3A_96 = arith.muli %scan3A_68, %mul3A_95 : i32
      %get3A_97 = arith.constant 4 : i32
      %get3A_98 = arith.index_cast %get3A_97 : i32 to index
      %get3A_99 = arith.index_cast %mul3A_96 : i32 to index
      %get3A_100 = tpu.vector_load %arg7[%get3A_98, %get3A_99] {strides = array<i32>} : memref<16x320xf32, #tpu.memory_space<vmem>>, vector<16xf32>,
      %add3A_101 = arith.addf %add3A_94, %get3A_100 : vector<16xf32>
      %mul3A_102 = arith.constant 16 : i32
      %mul3A_103 = arith.muli %scan3A_68, %mul3A_102 : i32
      %get3A_104 = arith.constant 5 : i32
      %get3A_105 = arith.index_cast %get3A_104 : i32 to index
      %get3A_106 = arith.index_cast %mul3A_103 : i32 to index
      %get3A_107 = tpu.vector_load %arg7[%get3A_105, %get3A_106] {strides = array<i32>} : memref<16x320xf32, #tpu.memory_space<vmem>>, vector<16xf32>,
      %add3A_108 = arith.addf %add3A_101, %get3A_107 : vector<16xf32>
      %mul3A_109 = arith.constant 16 : i32
      %mul3A_110 = arith.muli %scan3A_68, %mul3A_109 : i32
      %get3A_111 = arith.constant 6 : i32
      %get3A_112 = arith.index_cast %get3A_111 : i32 to index
      %get3A_113 = arith.index_cast %mul3A_110 : i32 to index
      %get3A_114 = tpu.vector_load %arg7[%get3A_112, %get3A_113] {strides = array<i32>} : memref<16x320xf32, #tpu.memory_space<vmem>>, vector<16xf32>,
      %add3A_115 = arith.addf %add3A_108, %get3A_114 : vector<16xf32>
      %mul3A_116 = arith.constant 16 : i32
      %mul3A_117 = arith.muli %scan3A_68, %mul3A_116 : i32
      %get3A_118 = arith.constant 7 : i32
      %get3A_119 = arith.index_cast %get3A_118 : i32 to index
      %get3A_120 = arith.index_cast %mul3A_117 : i32 to index
      %get3A_121 = tpu.vector_load %arg7[%get3A_119, %get3A_120] {strides = array<i32>} : memref<16x320xf32, #tpu.memory_space<vmem>>, vector<16xf32>,
      %add3A_122 = arith.addf %add3A_115, %get3A_121 : vector<16xf32>
      %mul3A_123 = arith.constant 16 : i32
      %mul3A_124 = arith.muli %scan3A_68, %mul3A_123 : i32
      %get3A_125 = arith.constant 8 : i32
      %get3A_126 = arith.index_cast %get3A_125 : i32 to index
      %get3A_127 = arith.index_cast %mul3A_124 : i32 to index
      %get3A_128 = tpu.vector_load %arg7[%get3A_126, %get3A_127] {strides = array<i32>} : memref<16x320xf32, #tpu.memory_space<vmem>>, vector<16xf32>,
      %add3A_129 = arith.addf %add3A_122, %get3A_128 : vector<16xf32>
      %mul3A_130 = arith.constant 16 : i32
      %mul3A_131 = arith.muli %scan3A_68, %mul3A_130 : i32
      %get3A_132 = arith.constant 9 : i32
      %get3A_133 = arith.index_cast %get3A_132 : i32 to index
      %get3A_134 = arith.index_cast %mul3A_131 : i32 to index
      %get3A_135 = tpu.vector_load %arg7[%get3A_133, %get3A_134] {strides = array<i32>} : memref<16x320xf32, #tpu.memory_space<vmem>>, vector<16xf32>,
      %add3A_136 = arith.addf %add3A_129, %get3A_135 : vector<16xf32>
      %mul3A_137 = arith.constant 16 : i32
      %mul3A_138 = arith.muli %scan3A_68, %mul3A_137 : i32
      %get3A_139 = arith.constant 10 : i32
      %get3A_140 = arith.index_cast %get3A_139 : i32 to index
      %get3A_141 = arith.index_cast %mul3A_138 : i32 to index
      %get3A_142 = tpu.vector_load %arg7[%get3A_140, %get3A_141] {strides = array<i32>} : memref<16x320xf32, #tpu.memory_space<vmem>>, vector<16xf32>,
      %add3A_143 = arith.addf %add3A_136, %get3A_142 : vector<16xf32>
      %mul3A_144 = arith.constant 16 : i32
      %mul3A_145 = arith.muli %scan3A_68, %mul3A_144 : i32
      %get3A_146 = arith.constant 11 : i32
      %get3A_147 = arith.index_cast %get3A_146 : i32 to index
      %get3A_148 = arith.index_cast %mul3A_145 : i32 to index
      %get3A_149 = tpu.vector_load %arg7[%get3A_147, %get3A_148] {strides = array<i32>} : memref<16x320xf32, #tpu.memory_space<vmem>>, vector<16xf32>,
      %add3A_150 = arith.addf %add3A_143, %get3A_149 : vector<16xf32>
      %mul3A_151 = arith.constant 16 : i32
      %mul3A_152 = arith.muli %scan3A_68, %mul3A_151 : i32
      %get3A_153 = arith.constant 12 : i32
      %get3A_154 = arith.index_cast %get3A_153 : i32 to index
      %get3A_155 = arith.index_cast %mul3A_152 : i32 to index
      %get3A_156 = tpu.vector_load %arg7[%get3A_154, %get3A_155] {strides = array<i32>} : memref<16x320xf32, #tpu.memory_space<vmem>>, vector<16xf32>,
      %add3A_157 = arith.addf %add3A_150, %get3A_156 : vector<16xf32>
      %mul3A_158 = arith.constant 16 : i32
      %mul3A_159 = arith.muli %scan3A_68, %mul3A_158 : i32
      %get3A_160 = arith.constant 13 : i32
      %get3A_161 = arith.index_cast %get3A_160 : i32 to index
      %get3A_162 = arith.index_cast %mul3A_159 : i32 to index
      %get3A_163 = tpu.vector_load %arg7[%get3A_161, %get3A_162] {strides = array<i32>} : memref<16x320xf32, #tpu.memory_space<vmem>>, vector<16xf32>,
      %add3A_164 = arith.addf %add3A_157, %get3A_163 : vector<16xf32>
      %mul3A_165 = arith.constant 16 : i32
      %mul3A_166 = arith.muli %scan3A_68, %mul3A_165 : i32
      %get3A_167 = arith.constant 14 : i32
      %get3A_168 = arith.index_cast %get3A_167 : i32 to index
      %get3A_169 = arith.index_cast %mul3A_166 : i32 to index
      %get3A_170 = tpu.vector_load %arg7[%get3A_168, %get3A_169] {strides = array<i32>} : memref<16x320xf32, #tpu.memory_space<vmem>>, vector<16xf32>,
      %add3A_171 = arith.addf %add3A_164, %get3A_170 : vector<16xf32>
      %mul3A_172 = arith.constant 16 : i32
      %mul3A_173 = arith.muli %scan3A_68, %mul3A_172 : i32
      %get3A_174 = arith.constant 15 : i32
      %get3A_175 = arith.index_cast %get3A_174 : i32 to index
      %get3A_176 = arith.index_cast %mul3A_173 : i32 to index
      %get3A_177 = tpu.vector_load %arg7[%get3A_175, %get3A_176] {strides = array<i32>} : memref<16x320xf32, #tpu.memory_space<vmem>>, vector<16xf32>,
      %add3A_178 = arith.addf %add3A_171, %get3A_177 : vector<16xf32>
      %mul3A_179 = arith.constant 16 : i32
      %mul3A_180 = arith.muli %scan3A_68, %mul3A_179 : i32
      %add3A_181 = arith.constant 0 : i32
      %add3A_182 = arith.addi %add3A_181, %mul3A_180 : i32
      %swap3A = arith.index_cast %add3A_182 : i32 to index
      %swap3A_183 = tpu.vector_load %arg8[%swap3A] {strides = array<i32>} : memref<1280xf32, #tpu.memory_space<vmem>>, vector<16xf32>,
      tpu.vector_store %arg8[%swap3A], %add3A_178 {strides = array<i32>} : memref<1280xf32, #tpu.memory_space<vmem>>, vector<16xf32>,
    }
    %scan3A_46 = arith.constant 20 : i32
    %add3A_47 = arith.constant 320 : i32
    %add3A_48 = arith.addi %mul3A_39, %add3A_47 : i32
    "tpu.region"() ({
      %run_scoped3A_68 = tpu.sem_alloc : memref<!tpu.dma_semaphore, #tpu.memory_space<semaphore_mem>>
      %dma_start3A = arith.constant 0 : i32
      %dma_start3A_69 = tpu.memref_slice %arg9[%dma_start3A, %add3A_48] : memref<16x20480xf32, #tpu.memory_space<vmem_shared>> -> memref<16x320xf32, #tpu.memory_space<vmem_shared>>
      %dma_start3A_70 = arith.constant 0 : i32
      %dma_start3A_71 = tpu.memref_slice %arg9[%dma_start3A_70, %add3A_48] : memref<16x20480xf32, #tpu.memory_space<vmem_shared>> -> memref<16x320xf32, #tpu.memory_space<vmem_shared>>
      tpu.enqueue_dma source(%dma_start3A_71 : memref<16x320xf32, #tpu.memory_space<vmem_shared>>) target(%arg7 : memref<16x320xf32, #tpu.memory_space<vmem>>) target_semaphore(%run_scoped3A_68 : memref<!tpu.dma_semaphore, #tpu.memory_space<semaphore_mem>>)
      %dma_wait3A = arith.constant 0 : i32
      %dma_wait3A_72 = tpu.memref_slice %arg9[%dma_wait3A, %add3A_48] : memref<16x20480xf32, #tpu.memory_space<vmem_shared>> -> memref<16x320xf32, #tpu.memory_space<vmem_shared>>
      %dma_wait3A_73 = arith.constant 0 : i32
      %dma_wait3A_74 = tpu.memref_slice %arg9[%dma_wait3A_73, %add3A_48] : memref<16x20480xf32, #tpu.memory_space<vmem_shared>> -> memref<16x320xf32, #tpu.memory_space<vmem_shared>>
      tpu.wait_dma2 semaphore(%run_scoped3A_68 : memref<!tpu.dma_semaphore, #tpu.memory_space<semaphore_mem>>) src(%dma_wait3A_74 : memref<16x320xf32, #tpu.memory_space<vmem_shared>>) dst(%arg7 : memref<16x320xf32, #tpu.memory_space<vmem>>)
      tpu.yield
    }) : () -> ()
    %scan3A_49 = arith.constant 0 : i32
    %scan3A_50 = arith.constant 20 : i32
    %scan3A_51 = arith.addi %scan3A_49, %scan3A_50 : i32
    %scan3A_52 = arith.constant 1 : i32
    scf.for %scan3A_68 = %scan3A_49 to %scan3A_51 step %scan3A_52  : i32 {
      %mul3A_69 = arith.constant 16 : i32
      %mul3A_70 = arith.muli %scan3A_68, %mul3A_69 : i32
      %get3A = arith.constant 0 : i32
      %get3A_71 = arith.index_cast %get3A : i32 to index
      %get3A_72 = arith.index_cast %mul3A_70 : i32 to index
      %get3A_73 = tpu.vector_load %arg7[%get3A_71, %get3A_72] {strides = array<i32>} : memref<16x320xf32, #tpu.memory_space<vmem>>, vector<16xf32>,
      %mul3A_74 = arith.constant 16 : i32
      %mul3A_75 = arith.muli %scan3A_68, %mul3A_74 : i32
      %get3A_76 = arith.constant 1 : i32
      %get3A_77 = arith.index_cast %get3A_76 : i32 to index
      %get3A_78 = arith.index_cast %mul3A_75 : i32 to index
      %get3A_79 = tpu.vector_load %arg7[%get3A_77, %get3A_78] {strides = array<i32>} : memref<16x320xf32, #tpu.memory_space<vmem>>, vector<16xf32>,
      %add3A_80 = arith.addf %get3A_73, %get3A_79 : vector<16xf32>
      %mul3A_81 = arith.constant 16 : i32
      %mul3A_82 = arith.muli %scan3A_68, %mul3A_81 : i32
      %get3A_83 = arith.constant 2 : i32
      %get3A_84 = arith.index_cast %get3A_83 : i32 to index
      %get3A_85 = arith.index_cast %mul3A_82 : i32 to index
      %get3A_86 = tpu.vector_load %arg7[%get3A_84, %get3A_85] {strides = array<i32>} : memref<16x320xf32, #tpu.memory_space<vmem>>, vector<16xf32>,
      %add3A_87 = arith.addf %add3A_80, %get3A_86 : vector<16xf32>
      %mul3A_88 = arith.constant 16 : i32
      %mul3A_89 = arith.muli %scan3A_68, %mul3A_88 : i32
      %get3A_90 = arith.constant 3 : i32
      %get3A_91 = arith.index_cast %get3A_90 : i32 to index
      %get3A_92 = arith.index_cast %mul3A_89 : i32 to index
      %get3A_93 = tpu.vector_load %arg7[%get3A_91, %get3A_92] {strides = array<i32>} : memref<16x320xf32, #tpu.memory_space<vmem>>, vector<16xf32>,
      %add3A_94 = arith.addf %add3A_87, %get3A_93 : vector<16xf32>
      %mul3A_95 = arith.constant 16 : i32
      %mul3A_96 = arith.muli %scan3A_68, %mul3A_95 : i32
      %get3A_97 = arith.constant 4 : i32
      %get3A_98 = arith.index_cast %get3A_97 : i32 to index
      %get3A_99 = arith.index_cast %mul3A_96 : i32 to index
      %get3A_100 = tpu.vector_load %arg7[%get3A_98, %get3A_99] {strides = array<i32>} : memref<16x320xf32, #tpu.memory_space<vmem>>, vector<16xf32>,
      %add3A_101 = arith.addf %add3A_94, %get3A_100 : vector<16xf32>
      %mul3A_102 = arith.constant 16 : i32
      %mul3A_103 = arith.muli %scan3A_68, %mul3A_102 : i32
      %get3A_104 = arith.constant 5 : i32
      %get3A_105 = arith.index_cast %get3A_104 : i32 to index
      %get3A_106 = arith.index_cast %mul3A_103 : i32 to index
      %get3A_107 = tpu.vector_load %arg7[%get3A_105, %get3A_106] {strides = array<i32>} : memref<16x320xf32, #tpu.memory_space<vmem>>, vector<16xf32>,
      %add3A_108 = arith.addf %add3A_101, %get3A_107 : vector<16xf32>
      %mul3A_109 = arith.constant 16 : i32
      %mul3A_110 = arith.muli %scan3A_68, %mul3A_109 : i32
      %get3A_111 = arith.constant 6 : i32
      %get3A_112 = arith.index_cast %get3A_111 : i32 to index
      %get3A_113 = arith.index_cast %mul3A_110 : i32 to index
      %get3A_114 = tpu.vector_load %arg7[%get3A_112, %get3A_113] {strides = array<i32>} : memref<16x320xf32, #tpu.memory_space<vmem>>, vector<16xf32>,
      %add3A_115 = arith.addf %add3A_108, %get3A_114 : vector<16xf32>
      %mul3A_116 = arith.constant 16 : i32
      %mul3A_117 = arith.muli %scan3A_68, %mul3A_116 : i32
      %get3A_118 = arith.constant 7 : i32
      %get3A_119 = arith.index_cast %get3A_118 : i32 to index
      %get3A_120 = arith.index_cast %mul3A_117 : i32 to index
      %get3A_121 = tpu.vector_load %arg7[%get3A_119, %get3A_120] {strides = array<i32>} : memref<16x320xf32, #tpu.memory_space<vmem>>, vector<16xf32>,
      %add3A_122 = arith.addf %add3A_115, %get3A_121 : vector<16xf32>
      %mul3A_123 = arith.constant 16 : i32
      %mul3A_124 = arith.muli %scan3A_68, %mul3A_123 : i32
      %get3A_125 = arith.constant 8 : i32
      %get3A_126 = arith.index_cast %get3A_125 : i32 to index
      %get3A_127 = arith.index_cast %mul3A_124 : i32 to index
      %get3A_128 = tpu.vector_load %arg7[%get3A_126, %get3A_127] {strides = array<i32>} : memref<16x320xf32, #tpu.memory_space<vmem>>, vector<16xf32>,
      %add3A_129 = arith.addf %add3A_122, %get3A_128 : vector<16xf32>
      %mul3A_130 = arith.constant 16 : i32
      %mul3A_131 = arith.muli %scan3A_68, %mul3A_130 : i32
      %get3A_132 = arith.constant 9 : i32
      %get3A_133 = arith.index_cast %get3A_132 : i32 to index
      %get3A_134 = arith.index_cast %mul3A_131 : i32 to index
      %get3A_135 = tpu.vector_load %arg7[%get3A_133, %get3A_134] {strides = array<i32>} : memref<16x320xf32, #tpu.memory_space<vmem>>, vector<16xf32>,
      %add3A_136 = arith.addf %add3A_129, %get3A_135 : vector<16xf32>
      %mul3A_137 = arith.constant 16 : i32
      %mul3A_138 = arith.muli %scan3A_68, %mul3A_137 : i32
      %get3A_139 = arith.constant 10 : i32
      %get3A_140 = arith.index_cast %get3A_139 : i32 to index
      %get3A_141 = arith.index_cast %mul3A_138 : i32 to index
      %get3A_142 = tpu.vector_load %arg7[%get3A_140, %get3A_141] {strides = array<i32>} : memref<16x320xf32, #tpu.memory_space<vmem>>, vector<16xf32>,
      %add3A_143 = arith.addf %add3A_136, %get3A_142 : vector<16xf32>
      %mul3A_144 = arith.constant 16 : i32
      %mul3A_145 = arith.muli %scan3A_68, %mul3A_144 : i32
      %get3A_146 = arith.constant 11 : i32
      %get3A_147 = arith.index_cast %get3A_146 : i32 to index
      %get3A_148 = arith.index_cast %mul3A_145 : i32 to index
      %get3A_149 = tpu.vector_load %arg7[%get3A_147, %get3A_148] {strides = array<i32>} : memref<16x320xf32, #tpu.memory_space<vmem>>, vector<16xf32>,
      %add3A_150 = arith.addf %add3A_143, %get3A_149 : vector<16xf32>
      %mul3A_151 = arith.constant 16 : i32
      %mul3A_152 = arith.muli %scan3A_68, %mul3A_151 : i32
      %get3A_153 = arith.constant 12 : i32
      %get3A_154 = arith.index_cast %get3A_153 : i32 to index
      %get3A_155 = arith.index_cast %mul3A_152 : i32 to index
      %get3A_156 = tpu.vector_load %arg7[%get3A_154, %get3A_155] {strides = array<i32>} : memref<16x320xf32, #tpu.memory_space<vmem>>, vector<16xf32>,
      %add3A_157 = arith.addf %add3A_150, %get3A_156 : vector<16xf32>
      %mul3A_158 = arith.constant 16 : i32
      %mul3A_159 = arith.muli %scan3A_68, %mul3A_158 : i32
      %get3A_160 = arith.constant 13 : i32
      %get3A_161 = arith.index_cast %get3A_160 : i32 to index
      %get3A_162 = arith.index_cast %mul3A_159 : i32 to index
      %get3A_163 = tpu.vector_load %arg7[%get3A_161, %get3A_162] {strides = array<i32>} : memref<16x320xf32, #tpu.memory_space<vmem>>, vector<16xf32>,
      %add3A_164 = arith.addf %add3A_157, %get3A_163 : vector<16xf32>
      %mul3A_165 = arith.constant 16 : i32
      %mul3A_166 = arith.muli %scan3A_68, %mul3A_165 : i32
      %get3A_167 = arith.constant 14 : i32
      %get3A_168 = arith.index_cast %get3A_167 : i32 to index
      %get3A_169 = arith.index_cast %mul3A_166 : i32 to index
      %get3A_170 = tpu.vector_load %arg7[%get3A_168, %get3A_169] {strides = array<i32>} : memref<16x320xf32, #tpu.memory_space<vmem>>, vector<16xf32>,
      %add3A_171 = arith.addf %add3A_164, %get3A_170 : vector<16xf32>
      %mul3A_172 = arith.constant 16 : i32
      %mul3A_173 = arith.muli %scan3A_68, %mul3A_172 : i32
      %get3A_174 = arith.constant 15 : i32
      %get3A_175 = arith.index_cast %get3A_174 : i32 to index
      %get3A_176 = arith.index_cast %mul3A_173 : i32 to index
      %get3A_177 = tpu.vector_load %arg7[%get3A_175, %get3A_176] {strides = array<i32>} : memref<16x320xf32, #tpu.memory_space<vmem>>, vector<16xf32>,
      %add3A_178 = arith.addf %add3A_171, %get3A_177 : vector<16xf32>
      %mul3A_179 = arith.constant 16 : i32
      %mul3A_180 = arith.muli %scan3A_68, %mul3A_179 : i32
      %add3A_181 = arith.constant 320 : i32
      %add3A_182 = arith.addi %add3A_181, %mul3A_180 : i32
      %swap3A = arith.index_cast %add3A_182 : i32 to index
      %swap3A_183 = tpu.vector_load %arg8[%swap3A] {strides = array<i32>} : memref<1280xf32, #tpu.memory_space<vmem>>, vector<16xf32>,
      tpu.vector_store %arg8[%swap3A], %add3A_178 {strides = array<i32>} : memref<1280xf32, #tpu.memory_space<vmem>>, vector<16xf32>,
    }
    %scan3A_53 = arith.constant 20 : i32
    %add3A_54 = arith.constant 640 : i32
    %add3A_55 = arith.addi %mul3A_39, %add3A_54 : i32
    "tpu.region"() ({
      %run_scoped3A_68 = tpu.sem_alloc : memref<!tpu.dma_semaphore, #tpu.memory_space<semaphore_mem>>
      %dma_start3A = arith.constant 0 : i32
      %dma_start3A_69 = tpu.memref_slice %arg9[%dma_start3A, %add3A_55] : memref<16x20480xf32, #tpu.memory_space<vmem_shared>> -> memref<16x320xf32, #tpu.memory_space<vmem_shared>>
      %dma_start3A_70 = arith.constant 0 : i32
      %dma_start3A_71 = tpu.memref_slice %arg9[%dma_start3A_70, %add3A_55] : memref<16x20480xf32, #tpu.memory_space<vmem_shared>> -> memref<16x320xf32, #tpu.memory_space<vmem_shared>>
      tpu.enqueue_dma source(%dma_start3A_71 : memref<16x320xf32, #tpu.memory_space<vmem_shared>>) target(%arg7 : memref<16x320xf32, #tpu.memory_space<vmem>>) target_semaphore(%run_scoped3A_68 : memref<!tpu.dma_semaphore, #tpu.memory_space<semaphore_mem>>)
      %dma_wait3A = arith.constant 0 : i32
      %dma_wait3A_72 = tpu.memref_slice %arg9[%dma_wait3A, %add3A_55] : memref<16x20480xf32, #tpu.memory_space<vmem_shared>> -> memref<16x320xf32, #tpu.memory_space<vmem_shared>>
      %dma_wait3A_73 = arith.constant 0 : i32
      %dma_wait3A_74 = tpu.memref_slice %arg9[%dma_wait3A_73, %add3A_55] : memref<16x20480xf32, #tpu.memory_space<vmem_shared>> -> memref<16x320xf32, #tpu.memory_space<vmem_shared>>
      tpu.wait_dma2 semaphore(%run_scoped3A_68 : memref<!tpu.dma_semaphore, #tpu.memory_space<semaphore_mem>>) src(%dma_wait3A_74 : memref<16x320xf32, #tpu.memory_space<vmem_shared>>) dst(%arg7 : memref<16x320xf32, #tpu.memory_space<vmem>>)
      tpu.yield
    }) : () -> ()
    %scan3A_56 = arith.constant 0 : i32
    %scan3A_57 = arith.constant 20 : i32
    %scan3A_58 = arith.addi %scan3A_56, %scan3A_57 : i32
    %scan3A_59 = arith.constant 1 : i32
    scf.for %scan3A_68 = %scan3A_56 to %scan3A_58 step %scan3A_59  : i32 {
      %mul3A_69 = arith.constant 16 : i32
      %mul3A_70 = arith.muli %scan3A_68, %mul3A_69 : i32
      %get3A = arith.constant 0 : i32
      %get3A_71 = arith.index_cast %get3A : i32 to index
      %get3A_72 = arith.index_cast %mul3A_70 : i32 to index
      %get3A_73 = tpu.vector_load %arg7[%get3A_71, %get3A_72] {strides = array<i32>} : memref<16x320xf32, #tpu.memory_space<vmem>>, vector<16xf32>,
      %mul3A_74 = arith.constant 16 : i32
      %mul3A_75 = arith.muli %scan3A_68, %mul3A_74 : i32
      %get3A_76 = arith.constant 1 : i32
      %get3A_77 = arith.index_cast %get3A_76 : i32 to index
      %get3A_78 = arith.index_cast %mul3A_75 : i32 to index
      %get3A_79 = tpu.vector_load %arg7[%get3A_77, %get3A_78] {strides = array<i32>} : memref<16x320xf32, #tpu.memory_space<vmem>>, vector<16xf32>,
      %add3A_80 = arith.addf %get3A_73, %get3A_79 : vector<16xf32>
      %mul3A_81 = arith.constant 16 : i32
      %mul3A_82 = arith.muli %scan3A_68, %mul3A_81 : i32
      %get3A_83 = arith.constant 2 : i32
      %get3A_84 = arith.index_cast %get3A_83 : i32 to index
      %get3A_85 = arith.index_cast %mul3A_82 : i32 to index
      %get3A_86 = tpu.vector_load %arg7[%get3A_84, %get3A_85] {strides = array<i32>} : memref<16x320xf32, #tpu.memory_space<vmem>>, vector<16xf32>,
      %add3A_87 = arith.addf %add3A_80, %get3A_86 : vector<16xf32>
      %mul3A_88 = arith.constant 16 : i32
      %mul3A_89 = arith.muli %scan3A_68, %mul3A_88 : i32
      %get3A_90 = arith.constant 3 : i32
      %get3A_91 = arith.index_cast %get3A_90 : i32 to index
      %get3A_92 = arith.index_cast %mul3A_89 : i32 to index
      %get3A_93 = tpu.vector_load %arg7[%get3A_91, %get3A_92] {strides = array<i32>} : memref<16x320xf32, #tpu.memory_space<vmem>>, vector<16xf32>,
      %add3A_94 = arith.addf %add3A_87, %get3A_93 : vector<16xf32>
      %mul3A_95 = arith.constant 16 : i32
      %mul3A_96 = arith.muli %scan3A_68, %mul3A_95 : i32
      %get3A_97 = arith.constant 4 : i32
      %get3A_98 = arith.index_cast %get3A_97 : i32 to index
      %get3A_99 = arith.index_cast %mul3A_96 : i32 to index
      %get3A_100 = tpu.vector_load %arg7[%get3A_98, %get3A_99] {strides = array<i32>} : memref<16x320xf32, #tpu.memory_space<vmem>>, vector<16xf32>,
      %add3A_101 = arith.addf %add3A_94, %get3A_100 : vector<16xf32>
      %mul3A_102 = arith.constant 16 : i32
      %mul3A_103 = arith.muli %scan3A_68, %mul3A_102 : i32
      %get3A_104 = arith.constant 5 : i32
      %get3A_105 = arith.index_cast %get3A_104 : i32 to index
      %get3A_106 = arith.index_cast %mul3A_103 : i32 to index
      %get3A_107 = tpu.vector_load %arg7[%get3A_105, %get3A_106] {strides = array<i32>} : memref<16x320xf32, #tpu.memory_space<vmem>>, vector<16xf32>,
      %add3A_108 = arith.addf %add3A_101, %get3A_107 : vector<16xf32>
      %mul3A_109 = arith.constant 16 : i32
      %mul3A_110 = arith.muli %scan3A_68, %mul3A_109 : i32
      %get3A_111 = arith.constant 6 : i32
      %get3A_112 = arith.index_cast %get3A_111 : i32 to index
      %get3A_113 = arith.index_cast %mul3A_110 : i32 to index
      %get3A_114 = tpu.vector_load %arg7[%get3A_112, %get3A_113] {strides = array<i32>} : memref<16x320xf32, #tpu.memory_space<vmem>>, vector<16xf32>,
      %add3A_115 = arith.addf %add3A_108, %get3A_114 : vector<16xf32>
      %mul3A_116 = arith.constant 16 : i32
      %mul3A_117 = arith.muli %scan3A_68, %mul3A_116 : i32
      %get3A_118 = arith.constant 7 : i32
      %get3A_119 = arith.index_cast %get3A_118 : i32 to index
      %get3A_120 = arith.index_cast %mul3A_117 : i32 to index
      %get3A_121 = tpu.vector_load %arg7[%get3A_119, %get3A_120] {strides = array<i32>} : memref<16x320xf32, #tpu.memory_space<vmem>>, vector<16xf32>,
      %add3A_122 = arith.addf %add3A_115, %get3A_121 : vector<16xf32>
      %mul3A_123 = arith.constant 16 : i32
      %mul3A_124 = arith.muli %scan3A_68, %mul3A_123 : i32
      %get3A_125 = arith.constant 8 : i32
      %get3A_126 = arith.index_cast %get3A_125 : i32 to index
      %get3A_127 = arith.index_cast %mul3A_124 : i32 to index
      %get3A_128 = tpu.vector_load %arg7[%get3A_126, %get3A_127] {strides = array<i32>} : memref<16x320xf32, #tpu.memory_space<vmem>>, vector<16xf32>,
      %add3A_129 = arith.addf %add3A_122, %get3A_128 : vector<16xf32>
      %mul3A_130 = arith.constant 16 : i32
      %mul3A_131 = arith.muli %scan3A_68, %mul3A_130 : i32
      %get3A_132 = arith.constant 9 : i32
      %get3A_133 = arith.index_cast %get3A_132 : i32 to index
      %get3A_134 = arith.index_cast %mul3A_131 : i32 to index
      %get3A_135 = tpu.vector_load %arg7[%get3A_133, %get3A_134] {strides = array<i32>} : memref<16x320xf32, #tpu.memory_space<vmem>>, vector<16xf32>,
      %add3A_136 = arith.addf %add3A_129, %get3A_135 : vector<16xf32>
      %mul3A_137 = arith.constant 16 : i32
      %mul3A_138 = arith.muli %scan3A_68, %mul3A_137 : i32
      %get3A_139 = arith.constant 10 : i32
      %get3A_140 = arith.index_cast %get3A_139 : i32 to index
      %get3A_141 = arith.index_cast %mul3A_138 : i32 to index
      %get3A_142 = tpu.vector_load %arg7[%get3A_140, %get3A_141] {strides = array<i32>} : memref<16x320xf32, #tpu.memory_space<vmem>>, vector<16xf32>,
      %add3A_143 = arith.addf %add3A_136, %get3A_142 : vector<16xf32>
      %mul3A_144 = arith.constant 16 : i32
      %mul3A_145 = arith.muli %scan3A_68, %mul3A_144 : i32
      %get3A_146 = arith.constant 11 : i32
      %get3A_147 = arith.index_cast %get3A_146 : i32 to index
      %get3A_148 = arith.index_cast %mul3A_145 : i32 to index
      %get3A_149 = tpu.vector_load %arg7[%get3A_147, %get3A_148] {strides = array<i32>} : memref<16x320xf32, #tpu.memory_space<vmem>>, vector<16xf32>,
      %add3A_150 = arith.addf %add3A_143, %get3A_149 : vector<16xf32>
      %mul3A_151 = arith.constant 16 : i32
      %mul3A_152 = arith.muli %scan3A_68, %mul3A_151 : i32
      %get3A_153 = arith.constant 12 : i32
      %get3A_154 = arith.index_cast %get3A_153 : i32 to index
      %get3A_155 = arith.index_cast %mul3A_152 : i32 to index
      %get3A_156 = tpu.vector_load %arg7[%get3A_154, %get3A_155] {strides = array<i32>} : memref<16x320xf32, #tpu.memory_space<vmem>>, vector<16xf32>,
      %add3A_157 = arith.addf %add3A_150, %get3A_156 : vector<16xf32>
      %mul3A_158 = arith.constant 16 : i32
      %mul3A_159 = arith.muli %scan3A_68, %mul3A_158 : i32
      %get3A_160 = arith.constant 13 : i32
      %get3A_161 = arith.index_cast %get3A_160 : i32 to index
      %get3A_162 = arith.index_cast %mul3A_159 : i32 to index
      %get3A_163 = tpu.vector_load %arg7[%get3A_161, %get3A_162] {strides = array<i32>} : memref<16x320xf32, #tpu.memory_space<vmem>>, vector<16xf32>,
      %add3A_164 = arith.addf %add3A_157, %get3A_163 : vector<16xf32>
      %mul3A_165 = arith.constant 16 : i32
      %mul3A_166 = arith.muli %scan3A_68, %mul3A_165 : i32
      %get3A_167 = arith.constant 14 : i32
      %get3A_168 = arith.index_cast %get3A_167 : i32 to index
      %get3A_169 = arith.index_cast %mul3A_166 : i32 to index
      %get3A_170 = tpu.vector_load %arg7[%get3A_168, %get3A_169] {strides = array<i32>} : memref<16x320xf32, #tpu.memory_space<vmem>>, vector<16xf32>,
      %add3A_171 = arith.addf %add3A_164, %get3A_170 : vector<16xf32>
      %mul3A_172 = arith.constant 16 : i32
      %mul3A_173 = arith.muli %scan3A_68, %mul3A_172 : i32
      %get3A_174 = arith.constant 15 : i32
      %get3A_175 = arith.index_cast %get3A_174 : i32 to index
      %get3A_176 = arith.index_cast %mul3A_173 : i32 to index
      %get3A_177 = tpu.vector_load %arg7[%get3A_175, %get3A_176] {strides = array<i32>} : memref<16x320xf32, #tpu.memory_space<vmem>>, vector<16xf32>,
      %add3A_178 = arith.addf %add3A_171, %get3A_177 : vector<16xf32>
      %mul3A_179 = arith.constant 16 : i32
      %mul3A_180 = arith.muli %scan3A_68, %mul3A_179 : i32
      %add3A_181 = arith.constant 640 : i32
      %add3A_182 = arith.addi %add3A_181, %mul3A_180 : i32
      %swap3A = arith.index_cast %add3A_182 : i32 to index
      %swap3A_183 = tpu.vector_load %arg8[%swap3A] {strides = array<i32>} : memref<1280xf32, #tpu.memory_space<vmem>>, vector<16xf32>,
      tpu.vector_store %arg8[%swap3A], %add3A_178 {strides = array<i32>} : memref<1280xf32, #tpu.memory_space<vmem>>, vector<16xf32>,
    }
    %scan3A_60 = arith.constant 20 : i32
    %add3A_61 = arith.constant 960 : i32
    %add3A_62 = arith.addi %mul3A_39, %add3A_61 : i32
    "tpu.region"() ({
      %run_scoped3A_68 = tpu.sem_alloc : memref<!tpu.dma_semaphore, #tpu.memory_space<semaphore_mem>>
      %dma_start3A = arith.constant 0 : i32
      %dma_start3A_69 = tpu.memref_slice %arg9[%dma_start3A, %add3A_62] : memref<16x20480xf32, #tpu.memory_space<vmem_shared>> -> memref<16x320xf32, #tpu.memory_space<vmem_shared>>
      %dma_start3A_70 = arith.constant 0 : i32
      %dma_start3A_71 = tpu.memref_slice %arg9[%dma_start3A_70, %add3A_62] : memref<16x20480xf32, #tpu.memory_space<vmem_shared>> -> memref<16x320xf32, #tpu.memory_space<vmem_shared>>
      tpu.enqueue_dma source(%dma_start3A_71 : memref<16x320xf32, #tpu.memory_space<vmem_shared>>) target(%arg7 : memref<16x320xf32, #tpu.memory_space<vmem>>) target_semaphore(%run_scoped3A_68 : memref<!tpu.dma_semaphore, #tpu.memory_space<semaphore_mem>>)
      %dma_wait3A = arith.constant 0 : i32
      %dma_wait3A_72 = tpu.memref_slice %arg9[%dma_wait3A, %add3A_62] : memref<16x20480xf32, #tpu.memory_space<vmem_shared>> -> memref<16x320xf32, #tpu.memory_space<vmem_shared>>
      %dma_wait3A_73 = arith.constant 0 : i32
      %dma_wait3A_74 = tpu.memref_slice %arg9[%dma_wait3A_73, %add3A_62] : memref<16x20480xf32, #tpu.memory_space<vmem_shared>> -> memref<16x320xf32, #tpu.memory_space<vmem_shared>>
      tpu.wait_dma2 semaphore(%run_scoped3A_68 : memref<!tpu.dma_semaphore, #tpu.memory_space<semaphore_mem>>) src(%dma_wait3A_74 : memref<16x320xf32, #tpu.memory_space<vmem_shared>>) dst(%arg7 : memref<16x320xf32, #tpu.memory_space<vmem>>)
      tpu.yield
    }) : () -> ()
    %scan3A_63 = arith.constant 0 : i32
    %scan3A_64 = arith.constant 20 : i32
    %scan3A_65 = arith.addi %scan3A_63, %scan3A_64 : i32
    %scan3A_66 = arith.constant 1 : i32
    scf.for %scan3A_68 = %scan3A_63 to %scan3A_65 step %scan3A_66  : i32 {
      %mul3A_69 = arith.constant 16 : i32
      %mul3A_70 = arith.muli %scan3A_68, %mul3A_69 : i32
      %get3A = arith.constant 0 : i32
      %get3A_71 = arith.index_cast %get3A : i32 to index
      %get3A_72 = arith.index_cast %mul3A_70 : i32 to index
      %get3A_73 = tpu.vector_load %arg7[%get3A_71, %get3A_72] {strides = array<i32>} : memref<16x320xf32, #tpu.memory_space<vmem>>, vector<16xf32>,
      %mul3A_74 = arith.constant 16 : i32
      %mul3A_75 = arith.muli %scan3A_68, %mul3A_74 : i32
      %get3A_76 = arith.constant 1 : i32
      %get3A_77 = arith.index_cast %get3A_76 : i32 to index
      %get3A_78 = arith.index_cast %mul3A_75 : i32 to index
      %get3A_79 = tpu.vector_load %arg7[%get3A_77, %get3A_78] {strides = array<i32>} : memref<16x320xf32, #tpu.memory_space<vmem>>, vector<16xf32>,
      %add3A_80 = arith.addf %get3A_73, %get3A_79 : vector<16xf32>
      %mul3A_81 = arith.constant 16 : i32
      %mul3A_82 = arith.muli %scan3A_68, %mul3A_81 : i32
      %get3A_83 = arith.constant 2 : i32
      %get3A_84 = arith.index_cast %get3A_83 : i32 to index
      %get3A_85 = arith.index_cast %mul3A_82 : i32 to index
      %get3A_86 = tpu.vector_load %arg7[%get3A_84, %get3A_85] {strides = array<i32>} : memref<16x320xf32, #tpu.memory_space<vmem>>, vector<16xf32>,
      %add3A_87 = arith.addf %add3A_80, %get3A_86 : vector<16xf32>
      %mul3A_88 = arith.constant 16 : i32
      %mul3A_89 = arith.muli %scan3A_68, %mul3A_88 : i32
      %get3A_90 = arith.constant 3 : i32
      %get3A_91 = arith.index_cast %get3A_90 : i32 to index
      %get3A_92 = arith.index_cast %mul3A_89 : i32 to index
      %get3A_93 = tpu.vector_load %arg7[%get3A_91, %get3A_92] {strides = array<i32>} : memref<16x320xf32, #tpu.memory_space<vmem>>, vector<16xf32>,
      %add3A_94 = arith.addf %add3A_87, %get3A_93 : vector<16xf32>
      %mul3A_95 = arith.constant 16 : i32
      %mul3A_96 = arith.muli %scan3A_68, %mul3A_95 : i32
      %get3A_97 = arith.constant 4 : i32
      %get3A_98 = arith.index_cast %get3A_97 : i32 to index
      %get3A_99 = arith.index_cast %mul3A_96 : i32 to index
      %get3A_100 = tpu.vector_load %arg7[%get3A_98, %get3A_99] {strides = array<i32>} : memref<16x320xf32, #tpu.memory_space<vmem>>, vector<16xf32>,
      %add3A_101 = arith.addf %add3A_94, %get3A_100 : vector<16xf32>
      %mul3A_102 = arith.constant 16 : i32
      %mul3A_103 = arith.muli %scan3A_68, %mul3A_102 : i32
      %get3A_104 = arith.constant 5 : i32
      %get3A_105 = arith.index_cast %get3A_104 : i32 to index
      %get3A_106 = arith.index_cast %mul3A_103 : i32 to index
      %get3A_107 = tpu.vector_load %arg7[%get3A_105, %get3A_106] {strides = array<i32>} : memref<16x320xf32, #tpu.memory_space<vmem>>, vector<16xf32>,
      %add3A_108 = arith.addf %add3A_101, %get3A_107 : vector<16xf32>
      %mul3A_109 = arith.constant 16 : i32
      %mul3A_110 = arith.muli %scan3A_68, %mul3A_109 : i32
      %get3A_111 = arith.constant 6 : i32
      %get3A_112 = arith.index_cast %get3A_111 : i32 to index
      %get3A_113 = arith.index_cast %mul3A_110 : i32 to index
      %get3A_114 = tpu.vector_load %arg7[%get3A_112, %get3A_113] {strides = array<i32>} : memref<16x320xf32, #tpu.memory_space<vmem>>, vector<16xf32>,
      %add3A_115 = arith.addf %add3A_108, %get3A_114 : vector<16xf32>
      %mul3A_116 = arith.constant 16 : i32
      %mul3A_117 = arith.muli %scan3A_68, %mul3A_116 : i32
      %get3A_118 = arith.constant 7 : i32
      %get3A_119 = arith.index_cast %get3A_118 : i32 to index
      %get3A_120 = arith.index_cast %mul3A_117 : i32 to index
      %get3A_121 = tpu.vector_load %arg7[%get3A_119, %get3A_120] {strides = array<i32>} : memref<16x320xf32, #tpu.memory_space<vmem>>, vector<16xf32>,
      %add3A_122 = arith.addf %add3A_115, %get3A_121 : vector<16xf32>
      %mul3A_123 = arith.constant 16 : i32
      %mul3A_124 = arith.muli %scan3A_68, %mul3A_123 : i32
      %get3A_125 = arith.constant 8 : i32
      %get3A_126 = arith.index_cast %get3A_125 : i32 to index
      %get3A_127 = arith.index_cast %mul3A_124 : i32 to index
      %get3A_128 = tpu.vector_load %arg7[%get3A_126, %get3A_127] {strides = array<i32>} : memref<16x320xf32, #tpu.memory_space<vmem>>, vector<16xf32>,
      %add3A_129 = arith.addf %add3A_122, %get3A_128 : vector<16xf32>
      %mul3A_130 = arith.constant 16 : i32
      %mul3A_131 = arith.muli %scan3A_68, %mul3A_130 : i32
      %get3A_132 = arith.constant 9 : i32
      %get3A_133 = arith.index_cast %get3A_132 : i32 to index
      %get3A_134 = arith.index_cast %mul3A_131 : i32 to index
      %get3A_135 = tpu.vector_load %arg7[%get3A_133, %get3A_134] {strides = array<i32>} : memref<16x320xf32, #tpu.memory_space<vmem>>, vector<16xf32>,
      %add3A_136 = arith.addf %add3A_129, %get3A_135 : vector<16xf32>
      %mul3A_137 = arith.constant 16 : i32
      %mul3A_138 = arith.muli %scan3A_68, %mul3A_137 : i32
      %get3A_139 = arith.constant 10 : i32
      %get3A_140 = arith.index_cast %get3A_139 : i32 to index
      %get3A_141 = arith.index_cast %mul3A_138 : i32 to index
      %get3A_142 = tpu.vector_load %arg7[%get3A_140, %get3A_141] {strides = array<i32>} : memref<16x320xf32, #tpu.memory_space<vmem>>, vector<16xf32>,
      %add3A_143 = arith.addf %add3A_136, %get3A_142 : vector<16xf32>
      %mul3A_144 = arith.constant 16 : i32
      %mul3A_145 = arith.muli %scan3A_68, %mul3A_144 : i32
      %get3A_146 = arith.constant 11 : i32
      %get3A_147 = arith.index_cast %get3A_146 : i32 to index
      %get3A_148 = arith.index_cast %mul3A_145 : i32 to index
      %get3A_149 = tpu.vector_load %arg7[%get3A_147, %get3A_148] {strides = array<i32>} : memref<16x320xf32, #tpu.memory_space<vmem>>, vector<16xf32>,
      %add3A_150 = arith.addf %add3A_143, %get3A_149 : vector<16xf32>
      %mul3A_151 = arith.constant 16 : i32
      %mul3A_152 = arith.muli %scan3A_68, %mul3A_151 : i32
      %get3A_153 = arith.constant 12 : i32
      %get3A_154 = arith.index_cast %get3A_153 : i32 to index
      %get3A_155 = arith.index_cast %mul3A_152 : i32 to index
      %get3A_156 = tpu.vector_load %arg7[%get3A_154, %get3A_155] {strides = array<i32>} : memref<16x320xf32, #tpu.memory_space<vmem>>, vector<16xf32>,
      %add3A_157 = arith.addf %add3A_150, %get3A_156 : vector<16xf32>
      %mul3A_158 = arith.constant 16 : i32
      %mul3A_159 = arith.muli %scan3A_68, %mul3A_158 : i32
      %get3A_160 = arith.constant 13 : i32
      %get3A_161 = arith.index_cast %get3A_160 : i32 to index
      %get3A_162 = arith.index_cast %mul3A_159 : i32 to index
      %get3A_163 = tpu.vector_load %arg7[%get3A_161, %get3A_162] {strides = array<i32>} : memref<16x320xf32, #tpu.memory_space<vmem>>, vector<16xf32>,
      %add3A_164 = arith.addf %add3A_157, %get3A_163 : vector<16xf32>
      %mul3A_165 = arith.constant 16 : i32
      %mul3A_166 = arith.muli %scan3A_68, %mul3A_165 : i32
      %get3A_167 = arith.constant 14 : i32
      %get3A_168 = arith.index_cast %get3A_167 : i32 to index
      %get3A_169 = arith.index_cast %mul3A_166 : i32 to index
      %get3A_170 = tpu.vector_load %arg7[%get3A_168, %get3A_169] {strides = array<i32>} : memref<16x320xf32, #tpu.memory_space<vmem>>, vector<16xf32>,
      %add3A_171 = arith.addf %add3A_164, %get3A_170 : vector<16xf32>
      %mul3A_172 = arith.constant 16 : i32
      %mul3A_173 = arith.muli %scan3A_68, %mul3A_172 : i32
      %get3A_174 = arith.constant 15 : i32
      %get3A_175 = arith.index_cast %get3A_174 : i32 to index
      %get3A_176 = arith.index_cast %mul3A_173 : i32 to index
      %get3A_177 = tpu.vector_load %arg7[%get3A_175, %get3A_176] {strides = array<i32>} : memref<16x320xf32, #tpu.memory_space<vmem>>, vector<16xf32>,
      %add3A_178 = arith.addf %add3A_171, %get3A_177 : vector<16xf32>
      %mul3A_179 = arith.constant 16 : i32
      %mul3A_180 = arith.muli %scan3A_68, %mul3A_179 : i32
      %add3A_181 = arith.constant 960 : i32
      %add3A_182 = arith.addi %add3A_181, %mul3A_180 : i32
      %swap3A = arith.index_cast %add3A_182 : i32 to index
      %swap3A_183 = tpu.vector_load %arg8[%swap3A] {strides = array<i32>} : memref<1280xf32, #tpu.memory_space<vmem>>, vector<16xf32>,
      tpu.vector_store %arg8[%swap3A], %add3A_178 {strides = array<i32>} : memref<1280xf32, #tpu.memory_space<vmem>>, vector<16xf32>,
    }
    %scan3A_67 = arith.constant 20 : i32
    "tpu.region"() ({
      %run_scoped3A_68 = tpu.sem_alloc : memref<!tpu.dma_semaphore, #tpu.memory_space<semaphore_mem>>
      %dma_start3A = tpu.memref_slice %arg3[%arg0, %mul3A_39] : memref<2x20480xf32, #tpu.memory_space<hbm>> -> memref<1x1280xf32, #tpu.memory_space<hbm>>
      %dma_start3A_69 = tpu.memref_squeeze %dma_start3A : memref<1x1280xf32, #tpu.memory_space<hbm>> -> memref<1280xf32, #tpu.memory_space<hbm>>
      %dma_start3A_70 = tpu.memref_slice %arg3[%arg0, %mul3A_39] : memref<2x20480xf32, #tpu.memory_space<hbm>> -> memref<1x1280xf32, #tpu.memory_space<hbm>>
      %dma_start3A_71 = tpu.memref_squeeze %dma_start3A_70 : memref<1x1280xf32, #tpu.memory_space<hbm>> -> memref<1280xf32, #tpu.memory_space<hbm>>
      tpu.enqueue_dma source(%arg8 : memref<1280xf32, #tpu.memory_space<vmem>>) target(%dma_start3A_71 : memref<1280xf32, #tpu.memory_space<hbm>>) target_semaphore(%run_scoped3A_68 : memref<!tpu.dma_semaphore, #tpu.memory_space<semaphore_mem>>)
      %dma_wait3A = tpu.memref_slice %arg3[%arg0, %mul3A_39] : memref<2x20480xf32, #tpu.memory_space<hbm>> -> memref<1x1280xf32, #tpu.memory_space<hbm>>
      %dma_wait3A_72 = tpu.memref_squeeze %dma_wait3A : memref<1x1280xf32, #tpu.memory_space<hbm>> -> memref<1280xf32, #tpu.memory_space<hbm>>
      %dma_wait3A_73 = tpu.memref_slice %arg3[%arg0, %mul3A_39] : memref<2x20480xf32, #tpu.memory_space<hbm>> -> memref<1x1280xf32, #tpu.memory_space<hbm>>
      %dma_wait3A_74 = tpu.memref_squeeze %dma_wait3A_73 : memref<1x1280xf32, #tpu.memory_space<hbm>> -> memref<1280xf32, #tpu.memory_space<hbm>>
      tpu.wait_dma2 semaphore(%run_scoped3A_68 : memref<!tpu.dma_semaphore, #tpu.memory_space<semaphore_mem>>) src(%arg8 : memref<1280xf32, #tpu.memory_space<vmem>>) dst(%dma_wait3A_74 : memref<1280xf32, #tpu.memory_space<hbm>>)
      tpu.yield
    }) : () -> ()
    return
  }
}

#map = affine_map<(d0, d1) -> (0, 0, 0, 0)>
#map1 = affine_map<(d0, d1) -> (0, 0)>
#map2 = affine_map<(d0, d1) -> (0, 0, 0)>
module attributes {stable_mosaic.version = 14 : i64} {
  func.func @_msg_body(%arg0: i32, %arg1: i32, %arg2: memref<32x80x2x125xi32, #tpu.memory_space<hbm>>, %arg3: memref<10240x128xf32, #tpu.memory_space<hbm>>, %arg4: memref<2x10240x128xf32, #tpu.memory_space<hbm>>, %arg5: memref<2x125xi32, #tpu.memory_space<vmem>>, %arg6: memref<2x125xi32, #tpu.memory_space<vmem>>, %arg7: memref<125x128xf32, #tpu.memory_space<vmem>>, %arg8: memref<125x128xf32, #tpu.memory_space<vmem>>, %arg9: memref<32x128xf32, #tpu.memory_space<vmem>>, %arg10: memref<10240x128xf32, #tpu.memory_space<vmem_shared>>, %arg11: memref<!tpu.dma_semaphore, #tpu.memory_space<semaphore_mem>>, %arg12: memref<!tpu.dma_semaphore, #tpu.memory_space<semaphore_mem>>, %arg13: memref<!tpu.dma_semaphore, #tpu.memory_space<semaphore_mem>>, %arg14: memref<!tpu.dma_semaphore, #tpu.memory_space<semaphore_mem>>, %arg15: memref<!tpu.dma_semaphore, #tpu.memory_space<semaphore_mem>>, %arg16: memref<!tpu.dma_semaphore, #tpu.memory_space<semaphore_mem>>) attributes {dimension_semantics = [#tpu.dimension_semantics<core_parallel>, #tpu.dimension_semantics<subcore_parallel>], iteration_bounds = array<i64: 2, 16>, scalar_prefetch = 0 : i64, scratch_operands = 12 : i64, tpu.core_type = #tpu.core_type<sc_vector_subcore>, window_params = [{transform_indices = #map}, {transform_indices = #map1}, {transform_indices = #map2}]} {
    %mul3A = arith.constant 2 : i32
    %mul3A_0 = arith.muli %arg1, %mul3A : i32
    %add3A = arith.addi %mul3A_0, %arg0 : i32
    %scan3A = arith.constant 0 : i32
    %scan3A_1 = arith.constant 32 : i32
    %scan3A_2 = arith.addi %scan3A, %scan3A_1 : i32
    %scan3A_3 = arith.constant 1 : i32
    scf.for %scan3A_280 = %scan3A to %scan3A_2 step %scan3A_3  : i32 {
      %broadcast_in_dim3A = arith.constant 0.000000e+00 : f32
      %broadcast_in_dim3A_281 = vector.broadcast %broadcast_in_dim3A : f32 to vector<16xf32>
      %swap3A = arith.index_cast %scan3A_280 : i32 to index
      %swap3A_282 = arith.constant 0 : index
      %swap3A_283 = tpu.vector_load %arg9[%swap3A, %swap3A_282] {strides = array<i32>} : memref<32x128xf32, #tpu.memory_space<vmem>>, vector<16xf32>,
      tpu.vector_store %arg9[%swap3A, %swap3A_282], %broadcast_in_dim3A_281 {strides = array<i32>} : memref<32x128xf32, #tpu.memory_space<vmem>>, vector<16xf32>,
      %broadcast_in_dim3A_284 = arith.constant 0.000000e+00 : f32
      %broadcast_in_dim3A_285 = vector.broadcast %broadcast_in_dim3A_284 : f32 to vector<16xf32>
      %swap3A_286 = arith.index_cast %scan3A_280 : i32 to index
      %swap3A_287 = arith.constant 16 : index
      %swap3A_288 = tpu.vector_load %arg9[%swap3A_286, %swap3A_287] {strides = array<i32>} : memref<32x128xf32, #tpu.memory_space<vmem>>, vector<16xf32>,
      tpu.vector_store %arg9[%swap3A_286, %swap3A_287], %broadcast_in_dim3A_285 {strides = array<i32>} : memref<32x128xf32, #tpu.memory_space<vmem>>, vector<16xf32>,
      %broadcast_in_dim3A_289 = arith.constant 0.000000e+00 : f32
      %broadcast_in_dim3A_290 = vector.broadcast %broadcast_in_dim3A_289 : f32 to vector<16xf32>
      %swap3A_291 = arith.index_cast %scan3A_280 : i32 to index
      %swap3A_292 = arith.constant 32 : index
      %swap3A_293 = tpu.vector_load %arg9[%swap3A_291, %swap3A_292] {strides = array<i32>} : memref<32x128xf32, #tpu.memory_space<vmem>>, vector<16xf32>,
      tpu.vector_store %arg9[%swap3A_291, %swap3A_292], %broadcast_in_dim3A_290 {strides = array<i32>} : memref<32x128xf32, #tpu.memory_space<vmem>>, vector<16xf32>,
      %broadcast_in_dim3A_294 = arith.constant 0.000000e+00 : f32
      %broadcast_in_dim3A_295 = vector.broadcast %broadcast_in_dim3A_294 : f32 to vector<16xf32>
      %swap3A_296 = arith.index_cast %scan3A_280 : i32 to index
      %swap3A_297 = arith.constant 48 : index
      %swap3A_298 = tpu.vector_load %arg9[%swap3A_296, %swap3A_297] {strides = array<i32>} : memref<32x128xf32, #tpu.memory_space<vmem>>, vector<16xf32>,
      tpu.vector_store %arg9[%swap3A_296, %swap3A_297], %broadcast_in_dim3A_295 {strides = array<i32>} : memref<32x128xf32, #tpu.memory_space<vmem>>, vector<16xf32>,
      %broadcast_in_dim3A_299 = arith.constant 0.000000e+00 : f32
      %broadcast_in_dim3A_300 = vector.broadcast %broadcast_in_dim3A_299 : f32 to vector<16xf32>
      %swap3A_301 = arith.index_cast %scan3A_280 : i32 to index
      %swap3A_302 = arith.constant 64 : index
      %swap3A_303 = tpu.vector_load %arg9[%swap3A_301, %swap3A_302] {strides = array<i32>} : memref<32x128xf32, #tpu.memory_space<vmem>>, vector<16xf32>,
      tpu.vector_store %arg9[%swap3A_301, %swap3A_302], %broadcast_in_dim3A_300 {strides = array<i32>} : memref<32x128xf32, #tpu.memory_space<vmem>>, vector<16xf32>,
      %broadcast_in_dim3A_304 = arith.constant 0.000000e+00 : f32
      %broadcast_in_dim3A_305 = vector.broadcast %broadcast_in_dim3A_304 : f32 to vector<16xf32>
      %swap3A_306 = arith.index_cast %scan3A_280 : i32 to index
      %swap3A_307 = arith.constant 80 : index
      %swap3A_308 = tpu.vector_load %arg9[%swap3A_306, %swap3A_307] {strides = array<i32>} : memref<32x128xf32, #tpu.memory_space<vmem>>, vector<16xf32>,
      tpu.vector_store %arg9[%swap3A_306, %swap3A_307], %broadcast_in_dim3A_305 {strides = array<i32>} : memref<32x128xf32, #tpu.memory_space<vmem>>, vector<16xf32>,
      %broadcast_in_dim3A_309 = arith.constant 0.000000e+00 : f32
      %broadcast_in_dim3A_310 = vector.broadcast %broadcast_in_dim3A_309 : f32 to vector<16xf32>
      %swap3A_311 = arith.index_cast %scan3A_280 : i32 to index
      %swap3A_312 = arith.constant 96 : index
      %swap3A_313 = tpu.vector_load %arg9[%swap3A_311, %swap3A_312] {strides = array<i32>} : memref<32x128xf32, #tpu.memory_space<vmem>>, vector<16xf32>,
      tpu.vector_store %arg9[%swap3A_311, %swap3A_312], %broadcast_in_dim3A_310 {strides = array<i32>} : memref<32x128xf32, #tpu.memory_space<vmem>>, vector<16xf32>,
      %broadcast_in_dim3A_314 = arith.constant 0.000000e+00 : f32
      %broadcast_in_dim3A_315 = vector.broadcast %broadcast_in_dim3A_314 : f32 to vector<16xf32>
      %swap3A_316 = arith.index_cast %scan3A_280 : i32 to index
      %swap3A_317 = arith.constant 112 : index
      %swap3A_318 = tpu.vector_load %arg9[%swap3A_316, %swap3A_317] {strides = array<i32>} : memref<32x128xf32, #tpu.memory_space<vmem>>, vector<16xf32>,
      tpu.vector_store %arg9[%swap3A_316, %swap3A_317], %broadcast_in_dim3A_315 {strides = array<i32>} : memref<32x128xf32, #tpu.memory_space<vmem>>, vector<16xf32>,
    }
    %scan3A_4 = arith.constant 32 : i32
    %mul3A_5 = arith.constant 640 : i32
    %mul3A_6 = arith.muli %arg1, %mul3A_5 : i32
    %add3A_7 = arith.constant 0 : i32
    %add3A_8 = arith.addi %mul3A_6, %add3A_7 : i32
    %dma_start3A = arith.constant 0 : i32
    %dma_start3A_9 = tpu.memref_slice %arg10[%add3A_8, %dma_start3A] : memref<10240x128xf32, #tpu.memory_space<vmem_shared>> -> memref<32x128xf32, #tpu.memory_space<vmem_shared>>
    %dma_start3A_10 = arith.constant 0 : i32
    %dma_start3A_11 = tpu.memref_slice %arg10[%add3A_8, %dma_start3A_10] : memref<10240x128xf32, #tpu.memory_space<vmem_shared>> -> memref<32x128xf32, #tpu.memory_space<vmem_shared>>
    tpu.enqueue_dma source(%arg9 : memref<32x128xf32, #tpu.memory_space<vmem>>) target(%dma_start3A_11 : memref<32x128xf32, #tpu.memory_space<vmem_shared>>) target_semaphore(%arg13 : memref<!tpu.dma_semaphore, #tpu.memory_space<semaphore_mem>>)
    %add3A_12 = arith.constant 32 : i32
    %add3A_13 = arith.addi %mul3A_6, %add3A_12 : i32
    %dma_start3A_14 = arith.constant 0 : i32
    %dma_start3A_15 = tpu.memref_slice %arg10[%add3A_13, %dma_start3A_14] : memref<10240x128xf32, #tpu.memory_space<vmem_shared>> -> memref<32x128xf32, #tpu.memory_space<vmem_shared>>
    %dma_start3A_16 = arith.constant 0 : i32
    %dma_start3A_17 = tpu.memref_slice %arg10[%add3A_13, %dma_start3A_16] : memref<10240x128xf32, #tpu.memory_space<vmem_shared>> -> memref<32x128xf32, #tpu.memory_space<vmem_shared>>
    tpu.enqueue_dma source(%arg9 : memref<32x128xf32, #tpu.memory_space<vmem>>) target(%dma_start3A_17 : memref<32x128xf32, #tpu.memory_space<vmem_shared>>) target_semaphore(%arg13 : memref<!tpu.dma_semaphore, #tpu.memory_space<semaphore_mem>>)
    %add3A_18 = arith.constant 64 : i32
    %add3A_19 = arith.addi %mul3A_6, %add3A_18 : i32
    %dma_start3A_20 = arith.constant 0 : i32
    %dma_start3A_21 = tpu.memref_slice %arg10[%add3A_19, %dma_start3A_20] : memref<10240x128xf32, #tpu.memory_space<vmem_shared>> -> memref<32x128xf32, #tpu.memory_space<vmem_shared>>
    %dma_start3A_22 = arith.constant 0 : i32
    %dma_start3A_23 = tpu.memref_slice %arg10[%add3A_19, %dma_start3A_22] : memref<10240x128xf32, #tpu.memory_space<vmem_shared>> -> memref<32x128xf32, #tpu.memory_space<vmem_shared>>
    tpu.enqueue_dma source(%arg9 : memref<32x128xf32, #tpu.memory_space<vmem>>) target(%dma_start3A_23 : memref<32x128xf32, #tpu.memory_space<vmem_shared>>) target_semaphore(%arg13 : memref<!tpu.dma_semaphore, #tpu.memory_space<semaphore_mem>>)
    %add3A_24 = arith.constant 96 : i32
    %add3A_25 = arith.addi %mul3A_6, %add3A_24 : i32
    %dma_start3A_26 = arith.constant 0 : i32
    %dma_start3A_27 = tpu.memref_slice %arg10[%add3A_25, %dma_start3A_26] : memref<10240x128xf32, #tpu.memory_space<vmem_shared>> -> memref<32x128xf32, #tpu.memory_space<vmem_shared>>
    %dma_start3A_28 = arith.constant 0 : i32
    %dma_start3A_29 = tpu.memref_slice %arg10[%add3A_25, %dma_start3A_28] : memref<10240x128xf32, #tpu.memory_space<vmem_shared>> -> memref<32x128xf32, #tpu.memory_space<vmem_shared>>
    tpu.enqueue_dma source(%arg9 : memref<32x128xf32, #tpu.memory_space<vmem>>) target(%dma_start3A_29 : memref<32x128xf32, #tpu.memory_space<vmem_shared>>) target_semaphore(%arg13 : memref<!tpu.dma_semaphore, #tpu.memory_space<semaphore_mem>>)
    %add3A_30 = arith.constant 128 : i32
    %add3A_31 = arith.addi %mul3A_6, %add3A_30 : i32
    %dma_start3A_32 = arith.constant 0 : i32
    %dma_start3A_33 = tpu.memref_slice %arg10[%add3A_31, %dma_start3A_32] : memref<10240x128xf32, #tpu.memory_space<vmem_shared>> -> memref<32x128xf32, #tpu.memory_space<vmem_shared>>
    %dma_start3A_34 = arith.constant 0 : i32
    %dma_start3A_35 = tpu.memref_slice %arg10[%add3A_31, %dma_start3A_34] : memref<10240x128xf32, #tpu.memory_space<vmem_shared>> -> memref<32x128xf32, #tpu.memory_space<vmem_shared>>
    tpu.enqueue_dma source(%arg9 : memref<32x128xf32, #tpu.memory_space<vmem>>) target(%dma_start3A_35 : memref<32x128xf32, #tpu.memory_space<vmem_shared>>) target_semaphore(%arg13 : memref<!tpu.dma_semaphore, #tpu.memory_space<semaphore_mem>>)
    %add3A_36 = arith.constant 160 : i32
    %add3A_37 = arith.addi %mul3A_6, %add3A_36 : i32
    %dma_start3A_38 = arith.constant 0 : i32
    %dma_start3A_39 = tpu.memref_slice %arg10[%add3A_37, %dma_start3A_38] : memref<10240x128xf32, #tpu.memory_space<vmem_shared>> -> memref<32x128xf32, #tpu.memory_space<vmem_shared>>
    %dma_start3A_40 = arith.constant 0 : i32
    %dma_start3A_41 = tpu.memref_slice %arg10[%add3A_37, %dma_start3A_40] : memref<10240x128xf32, #tpu.memory_space<vmem_shared>> -> memref<32x128xf32, #tpu.memory_space<vmem_shared>>
    tpu.enqueue_dma source(%arg9 : memref<32x128xf32, #tpu.memory_space<vmem>>) target(%dma_start3A_41 : memref<32x128xf32, #tpu.memory_space<vmem_shared>>) target_semaphore(%arg13 : memref<!tpu.dma_semaphore, #tpu.memory_space<semaphore_mem>>)
    %add3A_42 = arith.constant 192 : i32
    %add3A_43 = arith.addi %mul3A_6, %add3A_42 : i32
    %dma_start3A_44 = arith.constant 0 : i32
    %dma_start3A_45 = tpu.memref_slice %arg10[%add3A_43, %dma_start3A_44] : memref<10240x128xf32, #tpu.memory_space<vmem_shared>> -> memref<32x128xf32, #tpu.memory_space<vmem_shared>>
    %dma_start3A_46 = arith.constant 0 : i32
    %dma_start3A_47 = tpu.memref_slice %arg10[%add3A_43, %dma_start3A_46] : memref<10240x128xf32, #tpu.memory_space<vmem_shared>> -> memref<32x128xf32, #tpu.memory_space<vmem_shared>>
    tpu.enqueue_dma source(%arg9 : memref<32x128xf32, #tpu.memory_space<vmem>>) target(%dma_start3A_47 : memref<32x128xf32, #tpu.memory_space<vmem_shared>>) target_semaphore(%arg13 : memref<!tpu.dma_semaphore, #tpu.memory_space<semaphore_mem>>)
    %add3A_48 = arith.constant 224 : i32
    %add3A_49 = arith.addi %mul3A_6, %add3A_48 : i32
    %dma_start3A_50 = arith.constant 0 : i32
    %dma_start3A_51 = tpu.memref_slice %arg10[%add3A_49, %dma_start3A_50] : memref<10240x128xf32, #tpu.memory_space<vmem_shared>> -> memref<32x128xf32, #tpu.memory_space<vmem_shared>>
    %dma_start3A_52 = arith.constant 0 : i32
    %dma_start3A_53 = tpu.memref_slice %arg10[%add3A_49, %dma_start3A_52] : memref<10240x128xf32, #tpu.memory_space<vmem_shared>> -> memref<32x128xf32, #tpu.memory_space<vmem_shared>>
    tpu.enqueue_dma source(%arg9 : memref<32x128xf32, #tpu.memory_space<vmem>>) target(%dma_start3A_53 : memref<32x128xf32, #tpu.memory_space<vmem_shared>>) target_semaphore(%arg13 : memref<!tpu.dma_semaphore, #tpu.memory_space<semaphore_mem>>)
    %add3A_54 = arith.constant 256 : i32
    %add3A_55 = arith.addi %mul3A_6, %add3A_54 : i32
    %dma_start3A_56 = arith.constant 0 : i32
    %dma_start3A_57 = tpu.memref_slice %arg10[%add3A_55, %dma_start3A_56] : memref<10240x128xf32, #tpu.memory_space<vmem_shared>> -> memref<32x128xf32, #tpu.memory_space<vmem_shared>>
    %dma_start3A_58 = arith.constant 0 : i32
    %dma_start3A_59 = tpu.memref_slice %arg10[%add3A_55, %dma_start3A_58] : memref<10240x128xf32, #tpu.memory_space<vmem_shared>> -> memref<32x128xf32, #tpu.memory_space<vmem_shared>>
    tpu.enqueue_dma source(%arg9 : memref<32x128xf32, #tpu.memory_space<vmem>>) target(%dma_start3A_59 : memref<32x128xf32, #tpu.memory_space<vmem_shared>>) target_semaphore(%arg13 : memref<!tpu.dma_semaphore, #tpu.memory_space<semaphore_mem>>)
    %add3A_60 = arith.constant 288 : i32
    %add3A_61 = arith.addi %mul3A_6, %add3A_60 : i32
    %dma_start3A_62 = arith.constant 0 : i32
    %dma_start3A_63 = tpu.memref_slice %arg10[%add3A_61, %dma_start3A_62] : memref<10240x128xf32, #tpu.memory_space<vmem_shared>> -> memref<32x128xf32, #tpu.memory_space<vmem_shared>>
    %dma_start3A_64 = arith.constant 0 : i32
    %dma_start3A_65 = tpu.memref_slice %arg10[%add3A_61, %dma_start3A_64] : memref<10240x128xf32, #tpu.memory_space<vmem_shared>> -> memref<32x128xf32, #tpu.memory_space<vmem_shared>>
    tpu.enqueue_dma source(%arg9 : memref<32x128xf32, #tpu.memory_space<vmem>>) target(%dma_start3A_65 : memref<32x128xf32, #tpu.memory_space<vmem_shared>>) target_semaphore(%arg13 : memref<!tpu.dma_semaphore, #tpu.memory_space<semaphore_mem>>)
    %add3A_66 = arith.constant 320 : i32
    %add3A_67 = arith.addi %mul3A_6, %add3A_66 : i32
    %dma_start3A_68 = arith.constant 0 : i32
    %dma_start3A_69 = tpu.memref_slice %arg10[%add3A_67, %dma_start3A_68] : memref<10240x128xf32, #tpu.memory_space<vmem_shared>> -> memref<32x128xf32, #tpu.memory_space<vmem_shared>>
    %dma_start3A_70 = arith.constant 0 : i32
    %dma_start3A_71 = tpu.memref_slice %arg10[%add3A_67, %dma_start3A_70] : memref<10240x128xf32, #tpu.memory_space<vmem_shared>> -> memref<32x128xf32, #tpu.memory_space<vmem_shared>>
    tpu.enqueue_dma source(%arg9 : memref<32x128xf32, #tpu.memory_space<vmem>>) target(%dma_start3A_71 : memref<32x128xf32, #tpu.memory_space<vmem_shared>>) target_semaphore(%arg13 : memref<!tpu.dma_semaphore, #tpu.memory_space<semaphore_mem>>)
    %add3A_72 = arith.constant 352 : i32
    %add3A_73 = arith.addi %mul3A_6, %add3A_72 : i32
    %dma_start3A_74 = arith.constant 0 : i32
    %dma_start3A_75 = tpu.memref_slice %arg10[%add3A_73, %dma_start3A_74] : memref<10240x128xf32, #tpu.memory_space<vmem_shared>> -> memref<32x128xf32, #tpu.memory_space<vmem_shared>>
    %dma_start3A_76 = arith.constant 0 : i32
    %dma_start3A_77 = tpu.memref_slice %arg10[%add3A_73, %dma_start3A_76] : memref<10240x128xf32, #tpu.memory_space<vmem_shared>> -> memref<32x128xf32, #tpu.memory_space<vmem_shared>>
    tpu.enqueue_dma source(%arg9 : memref<32x128xf32, #tpu.memory_space<vmem>>) target(%dma_start3A_77 : memref<32x128xf32, #tpu.memory_space<vmem_shared>>) target_semaphore(%arg13 : memref<!tpu.dma_semaphore, #tpu.memory_space<semaphore_mem>>)
    %add3A_78 = arith.constant 384 : i32
    %add3A_79 = arith.addi %mul3A_6, %add3A_78 : i32
    %dma_start3A_80 = arith.constant 0 : i32
    %dma_start3A_81 = tpu.memref_slice %arg10[%add3A_79, %dma_start3A_80] : memref<10240x128xf32, #tpu.memory_space<vmem_shared>> -> memref<32x128xf32, #tpu.memory_space<vmem_shared>>
    %dma_start3A_82 = arith.constant 0 : i32
    %dma_start3A_83 = tpu.memref_slice %arg10[%add3A_79, %dma_start3A_82] : memref<10240x128xf32, #tpu.memory_space<vmem_shared>> -> memref<32x128xf32, #tpu.memory_space<vmem_shared>>
    tpu.enqueue_dma source(%arg9 : memref<32x128xf32, #tpu.memory_space<vmem>>) target(%dma_start3A_83 : memref<32x128xf32, #tpu.memory_space<vmem_shared>>) target_semaphore(%arg13 : memref<!tpu.dma_semaphore, #tpu.memory_space<semaphore_mem>>)
    %add3A_84 = arith.constant 416 : i32
    %add3A_85 = arith.addi %mul3A_6, %add3A_84 : i32
    %dma_start3A_86 = arith.constant 0 : i32
    %dma_start3A_87 = tpu.memref_slice %arg10[%add3A_85, %dma_start3A_86] : memref<10240x128xf32, #tpu.memory_space<vmem_shared>> -> memref<32x128xf32, #tpu.memory_space<vmem_shared>>
    %dma_start3A_88 = arith.constant 0 : i32
    %dma_start3A_89 = tpu.memref_slice %arg10[%add3A_85, %dma_start3A_88] : memref<10240x128xf32, #tpu.memory_space<vmem_shared>> -> memref<32x128xf32, #tpu.memory_space<vmem_shared>>
    tpu.enqueue_dma source(%arg9 : memref<32x128xf32, #tpu.memory_space<vmem>>) target(%dma_start3A_89 : memref<32x128xf32, #tpu.memory_space<vmem_shared>>) target_semaphore(%arg13 : memref<!tpu.dma_semaphore, #tpu.memory_space<semaphore_mem>>)
    %add3A_90 = arith.constant 448 : i32
    %add3A_91 = arith.addi %mul3A_6, %add3A_90 : i32
    %dma_start3A_92 = arith.constant 0 : i32
    %dma_start3A_93 = tpu.memref_slice %arg10[%add3A_91, %dma_start3A_92] : memref<10240x128xf32, #tpu.memory_space<vmem_shared>> -> memref<32x128xf32, #tpu.memory_space<vmem_shared>>
    %dma_start3A_94 = arith.constant 0 : i32
    %dma_start3A_95 = tpu.memref_slice %arg10[%add3A_91, %dma_start3A_94] : memref<10240x128xf32, #tpu.memory_space<vmem_shared>> -> memref<32x128xf32, #tpu.memory_space<vmem_shared>>
    tpu.enqueue_dma source(%arg9 : memref<32x128xf32, #tpu.memory_space<vmem>>) target(%dma_start3A_95 : memref<32x128xf32, #tpu.memory_space<vmem_shared>>) target_semaphore(%arg13 : memref<!tpu.dma_semaphore, #tpu.memory_space<semaphore_mem>>)
    %add3A_96 = arith.constant 480 : i32
    %add3A_97 = arith.addi %mul3A_6, %add3A_96 : i32
    %dma_start3A_98 = arith.constant 0 : i32
    %dma_start3A_99 = tpu.memref_slice %arg10[%add3A_97, %dma_start3A_98] : memref<10240x128xf32, #tpu.memory_space<vmem_shared>> -> memref<32x128xf32, #tpu.memory_space<vmem_shared>>
    %dma_start3A_100 = arith.constant 0 : i32
    %dma_start3A_101 = tpu.memref_slice %arg10[%add3A_97, %dma_start3A_100] : memref<10240x128xf32, #tpu.memory_space<vmem_shared>> -> memref<32x128xf32, #tpu.memory_space<vmem_shared>>
    tpu.enqueue_dma source(%arg9 : memref<32x128xf32, #tpu.memory_space<vmem>>) target(%dma_start3A_101 : memref<32x128xf32, #tpu.memory_space<vmem_shared>>) target_semaphore(%arg13 : memref<!tpu.dma_semaphore, #tpu.memory_space<semaphore_mem>>)
    %add3A_102 = arith.constant 512 : i32
    %add3A_103 = arith.addi %mul3A_6, %add3A_102 : i32
    %dma_start3A_104 = arith.constant 0 : i32
    %dma_start3A_105 = tpu.memref_slice %arg10[%add3A_103, %dma_start3A_104] : memref<10240x128xf32, #tpu.memory_space<vmem_shared>> -> memref<32x128xf32, #tpu.memory_space<vmem_shared>>
    %dma_start3A_106 = arith.constant 0 : i32
    %dma_start3A_107 = tpu.memref_slice %arg10[%add3A_103, %dma_start3A_106] : memref<10240x128xf32, #tpu.memory_space<vmem_shared>> -> memref<32x128xf32, #tpu.memory_space<vmem_shared>>
    tpu.enqueue_dma source(%arg9 : memref<32x128xf32, #tpu.memory_space<vmem>>) target(%dma_start3A_107 : memref<32x128xf32, #tpu.memory_space<vmem_shared>>) target_semaphore(%arg13 : memref<!tpu.dma_semaphore, #tpu.memory_space<semaphore_mem>>)
    %add3A_108 = arith.constant 544 : i32
    %add3A_109 = arith.addi %mul3A_6, %add3A_108 : i32
    %dma_start3A_110 = arith.constant 0 : i32
    %dma_start3A_111 = tpu.memref_slice %arg10[%add3A_109, %dma_start3A_110] : memref<10240x128xf32, #tpu.memory_space<vmem_shared>> -> memref<32x128xf32, #tpu.memory_space<vmem_shared>>
    %dma_start3A_112 = arith.constant 0 : i32
    %dma_start3A_113 = tpu.memref_slice %arg10[%add3A_109, %dma_start3A_112] : memref<10240x128xf32, #tpu.memory_space<vmem_shared>> -> memref<32x128xf32, #tpu.memory_space<vmem_shared>>
    tpu.enqueue_dma source(%arg9 : memref<32x128xf32, #tpu.memory_space<vmem>>) target(%dma_start3A_113 : memref<32x128xf32, #tpu.memory_space<vmem_shared>>) target_semaphore(%arg13 : memref<!tpu.dma_semaphore, #tpu.memory_space<semaphore_mem>>)
    %add3A_114 = arith.constant 576 : i32
    %add3A_115 = arith.addi %mul3A_6, %add3A_114 : i32
    %dma_start3A_116 = arith.constant 0 : i32
    %dma_start3A_117 = tpu.memref_slice %arg10[%add3A_115, %dma_start3A_116] : memref<10240x128xf32, #tpu.memory_space<vmem_shared>> -> memref<32x128xf32, #tpu.memory_space<vmem_shared>>
    %dma_start3A_118 = arith.constant 0 : i32
    %dma_start3A_119 = tpu.memref_slice %arg10[%add3A_115, %dma_start3A_118] : memref<10240x128xf32, #tpu.memory_space<vmem_shared>> -> memref<32x128xf32, #tpu.memory_space<vmem_shared>>
    tpu.enqueue_dma source(%arg9 : memref<32x128xf32, #tpu.memory_space<vmem>>) target(%dma_start3A_119 : memref<32x128xf32, #tpu.memory_space<vmem_shared>>) target_semaphore(%arg13 : memref<!tpu.dma_semaphore, #tpu.memory_space<semaphore_mem>>)
    %add3A_120 = arith.constant 608 : i32
    %add3A_121 = arith.addi %mul3A_6, %add3A_120 : i32
    %dma_start3A_122 = arith.constant 0 : i32
    %dma_start3A_123 = tpu.memref_slice %arg10[%add3A_121, %dma_start3A_122] : memref<10240x128xf32, #tpu.memory_space<vmem_shared>> -> memref<32x128xf32, #tpu.memory_space<vmem_shared>>
    %dma_start3A_124 = arith.constant 0 : i32
    %dma_start3A_125 = tpu.memref_slice %arg10[%add3A_121, %dma_start3A_124] : memref<10240x128xf32, #tpu.memory_space<vmem_shared>> -> memref<32x128xf32, #tpu.memory_space<vmem_shared>>
    tpu.enqueue_dma source(%arg9 : memref<32x128xf32, #tpu.memory_space<vmem>>) target(%dma_start3A_125 : memref<32x128xf32, #tpu.memory_space<vmem_shared>>) target_semaphore(%arg13 : memref<!tpu.dma_semaphore, #tpu.memory_space<semaphore_mem>>)
    %add3A_126 = arith.constant 0 : i32
    %add3A_127 = arith.addi %mul3A_6, %add3A_126 : i32
    %dma_wait3A = arith.constant 0 : i32
    %dma_wait3A_128 = tpu.memref_slice %arg10[%add3A_127, %dma_wait3A] : memref<10240x128xf32, #tpu.memory_space<vmem_shared>> -> memref<32x128xf32, #tpu.memory_space<vmem_shared>>
    %dma_wait3A_129 = arith.constant 0 : i32
    %dma_wait3A_130 = tpu.memref_slice %arg10[%add3A_127, %dma_wait3A_129] : memref<10240x128xf32, #tpu.memory_space<vmem_shared>> -> memref<32x128xf32, #tpu.memory_space<vmem_shared>>
    tpu.wait_dma2 semaphore(%arg13 : memref<!tpu.dma_semaphore, #tpu.memory_space<semaphore_mem>>) src(%arg9 : memref<32x128xf32, #tpu.memory_space<vmem>>) dst(%dma_wait3A_130 : memref<32x128xf32, #tpu.memory_space<vmem_shared>>)
    %add3A_131 = arith.constant 32 : i32
    %add3A_132 = arith.addi %mul3A_6, %add3A_131 : i32
    %dma_wait3A_133 = arith.constant 0 : i32
    %dma_wait3A_134 = tpu.memref_slice %arg10[%add3A_132, %dma_wait3A_133] : memref<10240x128xf32, #tpu.memory_space<vmem_shared>> -> memref<32x128xf32, #tpu.memory_space<vmem_shared>>
    %dma_wait3A_135 = arith.constant 0 : i32
    %dma_wait3A_136 = tpu.memref_slice %arg10[%add3A_132, %dma_wait3A_135] : memref<10240x128xf32, #tpu.memory_space<vmem_shared>> -> memref<32x128xf32, #tpu.memory_space<vmem_shared>>
    tpu.wait_dma2 semaphore(%arg13 : memref<!tpu.dma_semaphore, #tpu.memory_space<semaphore_mem>>) src(%arg9 : memref<32x128xf32, #tpu.memory_space<vmem>>) dst(%dma_wait3A_136 : memref<32x128xf32, #tpu.memory_space<vmem_shared>>)
    %add3A_137 = arith.constant 64 : i32
    %add3A_138 = arith.addi %mul3A_6, %add3A_137 : i32
    %dma_wait3A_139 = arith.constant 0 : i32
    %dma_wait3A_140 = tpu.memref_slice %arg10[%add3A_138, %dma_wait3A_139] : memref<10240x128xf32, #tpu.memory_space<vmem_shared>> -> memref<32x128xf32, #tpu.memory_space<vmem_shared>>
    %dma_wait3A_141 = arith.constant 0 : i32
    %dma_wait3A_142 = tpu.memref_slice %arg10[%add3A_138, %dma_wait3A_141] : memref<10240x128xf32, #tpu.memory_space<vmem_shared>> -> memref<32x128xf32, #tpu.memory_space<vmem_shared>>
    tpu.wait_dma2 semaphore(%arg13 : memref<!tpu.dma_semaphore, #tpu.memory_space<semaphore_mem>>) src(%arg9 : memref<32x128xf32, #tpu.memory_space<vmem>>) dst(%dma_wait3A_142 : memref<32x128xf32, #tpu.memory_space<vmem_shared>>)
    %add3A_143 = arith.constant 96 : i32
    %add3A_144 = arith.addi %mul3A_6, %add3A_143 : i32
    %dma_wait3A_145 = arith.constant 0 : i32
    %dma_wait3A_146 = tpu.memref_slice %arg10[%add3A_144, %dma_wait3A_145] : memref<10240x128xf32, #tpu.memory_space<vmem_shared>> -> memref<32x128xf32, #tpu.memory_space<vmem_shared>>
    %dma_wait3A_147 = arith.constant 0 : i32
    %dma_wait3A_148 = tpu.memref_slice %arg10[%add3A_144, %dma_wait3A_147] : memref<10240x128xf32, #tpu.memory_space<vmem_shared>> -> memref<32x128xf32, #tpu.memory_space<vmem_shared>>
    tpu.wait_dma2 semaphore(%arg13 : memref<!tpu.dma_semaphore, #tpu.memory_space<semaphore_mem>>) src(%arg9 : memref<32x128xf32, #tpu.memory_space<vmem>>) dst(%dma_wait3A_148 : memref<32x128xf32, #tpu.memory_space<vmem_shared>>)
    %add3A_149 = arith.constant 128 : i32
    %add3A_150 = arith.addi %mul3A_6, %add3A_149 : i32
    %dma_wait3A_151 = arith.constant 0 : i32
    %dma_wait3A_152 = tpu.memref_slice %arg10[%add3A_150, %dma_wait3A_151] : memref<10240x128xf32, #tpu.memory_space<vmem_shared>> -> memref<32x128xf32, #tpu.memory_space<vmem_shared>>
    %dma_wait3A_153 = arith.constant 0 : i32
    %dma_wait3A_154 = tpu.memref_slice %arg10[%add3A_150, %dma_wait3A_153] : memref<10240x128xf32, #tpu.memory_space<vmem_shared>> -> memref<32x128xf32, #tpu.memory_space<vmem_shared>>
    tpu.wait_dma2 semaphore(%arg13 : memref<!tpu.dma_semaphore, #tpu.memory_space<semaphore_mem>>) src(%arg9 : memref<32x128xf32, #tpu.memory_space<vmem>>) dst(%dma_wait3A_154 : memref<32x128xf32, #tpu.memory_space<vmem_shared>>)
    %add3A_155 = arith.constant 160 : i32
    %add3A_156 = arith.addi %mul3A_6, %add3A_155 : i32
    %dma_wait3A_157 = arith.constant 0 : i32
    %dma_wait3A_158 = tpu.memref_slice %arg10[%add3A_156, %dma_wait3A_157] : memref<10240x128xf32, #tpu.memory_space<vmem_shared>> -> memref<32x128xf32, #tpu.memory_space<vmem_shared>>
    %dma_wait3A_159 = arith.constant 0 : i32
    %dma_wait3A_160 = tpu.memref_slice %arg10[%add3A_156, %dma_wait3A_159] : memref<10240x128xf32, #tpu.memory_space<vmem_shared>> -> memref<32x128xf32, #tpu.memory_space<vmem_shared>>
    tpu.wait_dma2 semaphore(%arg13 : memref<!tpu.dma_semaphore, #tpu.memory_space<semaphore_mem>>) src(%arg9 : memref<32x128xf32, #tpu.memory_space<vmem>>) dst(%dma_wait3A_160 : memref<32x128xf32, #tpu.memory_space<vmem_shared>>)
    %add3A_161 = arith.constant 192 : i32
    %add3A_162 = arith.addi %mul3A_6, %add3A_161 : i32
    %dma_wait3A_163 = arith.constant 0 : i32
    %dma_wait3A_164 = tpu.memref_slice %arg10[%add3A_162, %dma_wait3A_163] : memref<10240x128xf32, #tpu.memory_space<vmem_shared>> -> memref<32x128xf32, #tpu.memory_space<vmem_shared>>
    %dma_wait3A_165 = arith.constant 0 : i32
    %dma_wait3A_166 = tpu.memref_slice %arg10[%add3A_162, %dma_wait3A_165] : memref<10240x128xf32, #tpu.memory_space<vmem_shared>> -> memref<32x128xf32, #tpu.memory_space<vmem_shared>>
    tpu.wait_dma2 semaphore(%arg13 : memref<!tpu.dma_semaphore, #tpu.memory_space<semaphore_mem>>) src(%arg9 : memref<32x128xf32, #tpu.memory_space<vmem>>) dst(%dma_wait3A_166 : memref<32x128xf32, #tpu.memory_space<vmem_shared>>)
    %add3A_167 = arith.constant 224 : i32
    %add3A_168 = arith.addi %mul3A_6, %add3A_167 : i32
    %dma_wait3A_169 = arith.constant 0 : i32
    %dma_wait3A_170 = tpu.memref_slice %arg10[%add3A_168, %dma_wait3A_169] : memref<10240x128xf32, #tpu.memory_space<vmem_shared>> -> memref<32x128xf32, #tpu.memory_space<vmem_shared>>
    %dma_wait3A_171 = arith.constant 0 : i32
    %dma_wait3A_172 = tpu.memref_slice %arg10[%add3A_168, %dma_wait3A_171] : memref<10240x128xf32, #tpu.memory_space<vmem_shared>> -> memref<32x128xf32, #tpu.memory_space<vmem_shared>>
    tpu.wait_dma2 semaphore(%arg13 : memref<!tpu.dma_semaphore, #tpu.memory_space<semaphore_mem>>) src(%arg9 : memref<32x128xf32, #tpu.memory_space<vmem>>) dst(%dma_wait3A_172 : memref<32x128xf32, #tpu.memory_space<vmem_shared>>)
    %add3A_173 = arith.constant 256 : i32
    %add3A_174 = arith.addi %mul3A_6, %add3A_173 : i32
    %dma_wait3A_175 = arith.constant 0 : i32
    %dma_wait3A_176 = tpu.memref_slice %arg10[%add3A_174, %dma_wait3A_175] : memref<10240x128xf32, #tpu.memory_space<vmem_shared>> -> memref<32x128xf32, #tpu.memory_space<vmem_shared>>
    %dma_wait3A_177 = arith.constant 0 : i32
    %dma_wait3A_178 = tpu.memref_slice %arg10[%add3A_174, %dma_wait3A_177] : memref<10240x128xf32, #tpu.memory_space<vmem_shared>> -> memref<32x128xf32, #tpu.memory_space<vmem_shared>>
    tpu.wait_dma2 semaphore(%arg13 : memref<!tpu.dma_semaphore, #tpu.memory_space<semaphore_mem>>) src(%arg9 : memref<32x128xf32, #tpu.memory_space<vmem>>) dst(%dma_wait3A_178 : memref<32x128xf32, #tpu.memory_space<vmem_shared>>)
    %add3A_179 = arith.constant 288 : i32
    %add3A_180 = arith.addi %mul3A_6, %add3A_179 : i32
    %dma_wait3A_181 = arith.constant 0 : i32
    %dma_wait3A_182 = tpu.memref_slice %arg10[%add3A_180, %dma_wait3A_181] : memref<10240x128xf32, #tpu.memory_space<vmem_shared>> -> memref<32x128xf32, #tpu.memory_space<vmem_shared>>
    %dma_wait3A_183 = arith.constant 0 : i32
    %dma_wait3A_184 = tpu.memref_slice %arg10[%add3A_180, %dma_wait3A_183] : memref<10240x128xf32, #tpu.memory_space<vmem_shared>> -> memref<32x128xf32, #tpu.memory_space<vmem_shared>>
    tpu.wait_dma2 semaphore(%arg13 : memref<!tpu.dma_semaphore, #tpu.memory_space<semaphore_mem>>) src(%arg9 : memref<32x128xf32, #tpu.memory_space<vmem>>) dst(%dma_wait3A_184 : memref<32x128xf32, #tpu.memory_space<vmem_shared>>)
    %add3A_185 = arith.constant 320 : i32
    %add3A_186 = arith.addi %mul3A_6, %add3A_185 : i32
    %dma_wait3A_187 = arith.constant 0 : i32
    %dma_wait3A_188 = tpu.memref_slice %arg10[%add3A_186, %dma_wait3A_187] : memref<10240x128xf32, #tpu.memory_space<vmem_shared>> -> memref<32x128xf32, #tpu.memory_space<vmem_shared>>
    %dma_wait3A_189 = arith.constant 0 : i32
    %dma_wait3A_190 = tpu.memref_slice %arg10[%add3A_186, %dma_wait3A_189] : memref<10240x128xf32, #tpu.memory_space<vmem_shared>> -> memref<32x128xf32, #tpu.memory_space<vmem_shared>>
    tpu.wait_dma2 semaphore(%arg13 : memref<!tpu.dma_semaphore, #tpu.memory_space<semaphore_mem>>) src(%arg9 : memref<32x128xf32, #tpu.memory_space<vmem>>) dst(%dma_wait3A_190 : memref<32x128xf32, #tpu.memory_space<vmem_shared>>)
    %add3A_191 = arith.constant 352 : i32
    %add3A_192 = arith.addi %mul3A_6, %add3A_191 : i32
    %dma_wait3A_193 = arith.constant 0 : i32
    %dma_wait3A_194 = tpu.memref_slice %arg10[%add3A_192, %dma_wait3A_193] : memref<10240x128xf32, #tpu.memory_space<vmem_shared>> -> memref<32x128xf32, #tpu.memory_space<vmem_shared>>
    %dma_wait3A_195 = arith.constant 0 : i32
    %dma_wait3A_196 = tpu.memref_slice %arg10[%add3A_192, %dma_wait3A_195] : memref<10240x128xf32, #tpu.memory_space<vmem_shared>> -> memref<32x128xf32, #tpu.memory_space<vmem_shared>>
    tpu.wait_dma2 semaphore(%arg13 : memref<!tpu.dma_semaphore, #tpu.memory_space<semaphore_mem>>) src(%arg9 : memref<32x128xf32, #tpu.memory_space<vmem>>) dst(%dma_wait3A_196 : memref<32x128xf32, #tpu.memory_space<vmem_shared>>)
    %add3A_197 = arith.constant 384 : i32
    %add3A_198 = arith.addi %mul3A_6, %add3A_197 : i32
    %dma_wait3A_199 = arith.constant 0 : i32
    %dma_wait3A_200 = tpu.memref_slice %arg10[%add3A_198, %dma_wait3A_199] : memref<10240x128xf32, #tpu.memory_space<vmem_shared>> -> memref<32x128xf32, #tpu.memory_space<vmem_shared>>
    %dma_wait3A_201 = arith.constant 0 : i32
    %dma_wait3A_202 = tpu.memref_slice %arg10[%add3A_198, %dma_wait3A_201] : memref<10240x128xf32, #tpu.memory_space<vmem_shared>> -> memref<32x128xf32, #tpu.memory_space<vmem_shared>>
    tpu.wait_dma2 semaphore(%arg13 : memref<!tpu.dma_semaphore, #tpu.memory_space<semaphore_mem>>) src(%arg9 : memref<32x128xf32, #tpu.memory_space<vmem>>) dst(%dma_wait3A_202 : memref<32x128xf32, #tpu.memory_space<vmem_shared>>)
    %add3A_203 = arith.constant 416 : i32
    %add3A_204 = arith.addi %mul3A_6, %add3A_203 : i32
    %dma_wait3A_205 = arith.constant 0 : i32
    %dma_wait3A_206 = tpu.memref_slice %arg10[%add3A_204, %dma_wait3A_205] : memref<10240x128xf32, #tpu.memory_space<vmem_shared>> -> memref<32x128xf32, #tpu.memory_space<vmem_shared>>
    %dma_wait3A_207 = arith.constant 0 : i32
    %dma_wait3A_208 = tpu.memref_slice %arg10[%add3A_204, %dma_wait3A_207] : memref<10240x128xf32, #tpu.memory_space<vmem_shared>> -> memref<32x128xf32, #tpu.memory_space<vmem_shared>>
    tpu.wait_dma2 semaphore(%arg13 : memref<!tpu.dma_semaphore, #tpu.memory_space<semaphore_mem>>) src(%arg9 : memref<32x128xf32, #tpu.memory_space<vmem>>) dst(%dma_wait3A_208 : memref<32x128xf32, #tpu.memory_space<vmem_shared>>)
    %add3A_209 = arith.constant 448 : i32
    %add3A_210 = arith.addi %mul3A_6, %add3A_209 : i32
    %dma_wait3A_211 = arith.constant 0 : i32
    %dma_wait3A_212 = tpu.memref_slice %arg10[%add3A_210, %dma_wait3A_211] : memref<10240x128xf32, #tpu.memory_space<vmem_shared>> -> memref<32x128xf32, #tpu.memory_space<vmem_shared>>
    %dma_wait3A_213 = arith.constant 0 : i32
    %dma_wait3A_214 = tpu.memref_slice %arg10[%add3A_210, %dma_wait3A_213] : memref<10240x128xf32, #tpu.memory_space<vmem_shared>> -> memref<32x128xf32, #tpu.memory_space<vmem_shared>>
    tpu.wait_dma2 semaphore(%arg13 : memref<!tpu.dma_semaphore, #tpu.memory_space<semaphore_mem>>) src(%arg9 : memref<32x128xf32, #tpu.memory_space<vmem>>) dst(%dma_wait3A_214 : memref<32x128xf32, #tpu.memory_space<vmem_shared>>)
    %add3A_215 = arith.constant 480 : i32
    %add3A_216 = arith.addi %mul3A_6, %add3A_215 : i32
    %dma_wait3A_217 = arith.constant 0 : i32
    %dma_wait3A_218 = tpu.memref_slice %arg10[%add3A_216, %dma_wait3A_217] : memref<10240x128xf32, #tpu.memory_space<vmem_shared>> -> memref<32x128xf32, #tpu.memory_space<vmem_shared>>
    %dma_wait3A_219 = arith.constant 0 : i32
    %dma_wait3A_220 = tpu.memref_slice %arg10[%add3A_216, %dma_wait3A_219] : memref<10240x128xf32, #tpu.memory_space<vmem_shared>> -> memref<32x128xf32, #tpu.memory_space<vmem_shared>>
    tpu.wait_dma2 semaphore(%arg13 : memref<!tpu.dma_semaphore, #tpu.memory_space<semaphore_mem>>) src(%arg9 : memref<32x128xf32, #tpu.memory_space<vmem>>) dst(%dma_wait3A_220 : memref<32x128xf32, #tpu.memory_space<vmem_shared>>)
    %add3A_221 = arith.constant 512 : i32
    %add3A_222 = arith.addi %mul3A_6, %add3A_221 : i32
    %dma_wait3A_223 = arith.constant 0 : i32
    %dma_wait3A_224 = tpu.memref_slice %arg10[%add3A_222, %dma_wait3A_223] : memref<10240x128xf32, #tpu.memory_space<vmem_shared>> -> memref<32x128xf32, #tpu.memory_space<vmem_shared>>
    %dma_wait3A_225 = arith.constant 0 : i32
    %dma_wait3A_226 = tpu.memref_slice %arg10[%add3A_222, %dma_wait3A_225] : memref<10240x128xf32, #tpu.memory_space<vmem_shared>> -> memref<32x128xf32, #tpu.memory_space<vmem_shared>>
    tpu.wait_dma2 semaphore(%arg13 : memref<!tpu.dma_semaphore, #tpu.memory_space<semaphore_mem>>) src(%arg9 : memref<32x128xf32, #tpu.memory_space<vmem>>) dst(%dma_wait3A_226 : memref<32x128xf32, #tpu.memory_space<vmem_shared>>)
    %add3A_227 = arith.constant 544 : i32
    %add3A_228 = arith.addi %mul3A_6, %add3A_227 : i32
    %dma_wait3A_229 = arith.constant 0 : i32
    %dma_wait3A_230 = tpu.memref_slice %arg10[%add3A_228, %dma_wait3A_229] : memref<10240x128xf32, #tpu.memory_space<vmem_shared>> -> memref<32x128xf32, #tpu.memory_space<vmem_shared>>
    %dma_wait3A_231 = arith.constant 0 : i32
    %dma_wait3A_232 = tpu.memref_slice %arg10[%add3A_228, %dma_wait3A_231] : memref<10240x128xf32, #tpu.memory_space<vmem_shared>> -> memref<32x128xf32, #tpu.memory_space<vmem_shared>>
    tpu.wait_dma2 semaphore(%arg13 : memref<!tpu.dma_semaphore, #tpu.memory_space<semaphore_mem>>) src(%arg9 : memref<32x128xf32, #tpu.memory_space<vmem>>) dst(%dma_wait3A_232 : memref<32x128xf32, #tpu.memory_space<vmem_shared>>)
    %add3A_233 = arith.constant 576 : i32
    %add3A_234 = arith.addi %mul3A_6, %add3A_233 : i32
    %dma_wait3A_235 = arith.constant 0 : i32
    %dma_wait3A_236 = tpu.memref_slice %arg10[%add3A_234, %dma_wait3A_235] : memref<10240x128xf32, #tpu.memory_space<vmem_shared>> -> memref<32x128xf32, #tpu.memory_space<vmem_shared>>
    %dma_wait3A_237 = arith.constant 0 : i32
    %dma_wait3A_238 = tpu.memref_slice %arg10[%add3A_234, %dma_wait3A_237] : memref<10240x128xf32, #tpu.memory_space<vmem_shared>> -> memref<32x128xf32, #tpu.memory_space<vmem_shared>>
    tpu.wait_dma2 semaphore(%arg13 : memref<!tpu.dma_semaphore, #tpu.memory_space<semaphore_mem>>) src(%arg9 : memref<32x128xf32, #tpu.memory_space<vmem>>) dst(%dma_wait3A_238 : memref<32x128xf32, #tpu.memory_space<vmem_shared>>)
    %add3A_239 = arith.constant 608 : i32
    %add3A_240 = arith.addi %mul3A_6, %add3A_239 : i32
    %dma_wait3A_241 = arith.constant 0 : i32
    %dma_wait3A_242 = tpu.memref_slice %arg10[%add3A_240, %dma_wait3A_241] : memref<10240x128xf32, #tpu.memory_space<vmem_shared>> -> memref<32x128xf32, #tpu.memory_space<vmem_shared>>
    %dma_wait3A_243 = arith.constant 0 : i32
    %dma_wait3A_244 = tpu.memref_slice %arg10[%add3A_240, %dma_wait3A_243] : memref<10240x128xf32, #tpu.memory_space<vmem_shared>> -> memref<32x128xf32, #tpu.memory_space<vmem_shared>>
    tpu.wait_dma2 semaphore(%arg13 : memref<!tpu.dma_semaphore, #tpu.memory_space<semaphore_mem>>) src(%arg9 : memref<32x128xf32, #tpu.memory_space<vmem>>) dst(%dma_wait3A_244 : memref<32x128xf32, #tpu.memory_space<vmem_shared>>)
    %barrier3A = arith.constant 0 : index
    tpu.barrier barrier_id(%barrier3A)
    %run_scoped3A = arith.constant 0 : i32
    "tpu.region"() ({
      %run_scoped3A_280 = tpu.sem_alloc : memref<!tpu.dma_semaphore, #tpu.memory_space<semaphore_mem>>
      %dma_start3A_281 = arith.constant 0 : i32
      %dma_start3A_282 = arith.constant 0 : i32
      %dma_start3A_283 = tpu.memref_slice %arg2[%add3A, %run_scoped3A, %dma_start3A_281, %dma_start3A_282] : memref<32x80x2x125xi32, #tpu.memory_space<hbm>> -> memref<1x1x2x125xi32, #tpu.memory_space<hbm>>
      %dma_start3A_284 = tpu.memref_squeeze %dma_start3A_283 : memref<1x1x2x125xi32, #tpu.memory_space<hbm>> -> memref<2x125xi32, #tpu.memory_space<hbm>>
      %dma_start3A_285 = arith.constant 0 : i32
      %dma_start3A_286 = arith.constant 0 : i32
      %dma_start3A_287 = tpu.memref_slice %arg2[%add3A, %run_scoped3A, %dma_start3A_285, %dma_start3A_286] : memref<32x80x2x125xi32, #tpu.memory_space<hbm>> -> memref<1x1x2x125xi32, #tpu.memory_space<hbm>>
      %dma_start3A_288 = tpu.memref_squeeze %dma_start3A_287 : memref<1x1x2x125xi32, #tpu.memory_space<hbm>> -> memref<2x125xi32, #tpu.memory_space<hbm>>
      tpu.enqueue_dma source(%dma_start3A_288 : memref<2x125xi32, #tpu.memory_space<hbm>>) target(%arg5 : memref<2x125xi32, #tpu.memory_space<vmem>>) target_semaphore(%run_scoped3A_280 : memref<!tpu.dma_semaphore, #tpu.memory_space<semaphore_mem>>)
      %dma_wait3A_289 = arith.constant 0 : i32
      %dma_wait3A_290 = arith.constant 0 : i32
      %dma_wait3A_291 = tpu.memref_slice %arg2[%add3A, %run_scoped3A, %dma_wait3A_289, %dma_wait3A_290] : memref<32x80x2x125xi32, #tpu.memory_space<hbm>> -> memref<1x1x2x125xi32, #tpu.memory_space<hbm>>
      %dma_wait3A_292 = tpu.memref_squeeze %dma_wait3A_291 : memref<1x1x2x125xi32, #tpu.memory_space<hbm>> -> memref<2x125xi32, #tpu.memory_space<hbm>>
      %dma_wait3A_293 = arith.constant 0 : i32
      %dma_wait3A_294 = arith.constant 0 : i32
      %dma_wait3A_295 = tpu.memref_slice %arg2[%add3A, %run_scoped3A, %dma_wait3A_293, %dma_wait3A_294] : memref<32x80x2x125xi32, #tpu.memory_space<hbm>> -> memref<1x1x2x125xi32, #tpu.memory_space<hbm>>
      %dma_wait3A_296 = tpu.memref_squeeze %dma_wait3A_295 : memref<1x1x2x125xi32, #tpu.memory_space<hbm>> -> memref<2x125xi32, #tpu.memory_space<hbm>>
      tpu.wait_dma2 semaphore(%run_scoped3A_280 : memref<!tpu.dma_semaphore, #tpu.memory_space<semaphore_mem>>) src(%dma_wait3A_296 : memref<2x125xi32, #tpu.memory_space<hbm>>) dst(%arg5 : memref<2x125xi32, #tpu.memory_space<vmem>>)
      tpu.yield
    }) : () -> ()
    %run_scoped3A_245 = arith.constant 1 : i32
    "tpu.region"() ({
      %run_scoped3A_280 = tpu.sem_alloc : memref<!tpu.dma_semaphore, #tpu.memory_space<semaphore_mem>>
      %dma_start3A_281 = arith.constant 0 : i32
      %dma_start3A_282 = arith.constant 0 : i32
      %dma_start3A_283 = tpu.memref_slice %arg2[%add3A, %run_scoped3A_245, %dma_start3A_281, %dma_start3A_282] : memref<32x80x2x125xi32, #tpu.memory_space<hbm>> -> memref<1x1x2x125xi32, #tpu.memory_space<hbm>>
      %dma_start3A_284 = tpu.memref_squeeze %dma_start3A_283 : memref<1x1x2x125xi32, #tpu.memory_space<hbm>> -> memref<2x125xi32, #tpu.memory_space<hbm>>
      %dma_start3A_285 = arith.constant 0 : i32
      %dma_start3A_286 = arith.constant 0 : i32
      %dma_start3A_287 = tpu.memref_slice %arg2[%add3A, %run_scoped3A_245, %dma_start3A_285, %dma_start3A_286] : memref<32x80x2x125xi32, #tpu.memory_space<hbm>> -> memref<1x1x2x125xi32, #tpu.memory_space<hbm>>
      %dma_start3A_288 = tpu.memref_squeeze %dma_start3A_287 : memref<1x1x2x125xi32, #tpu.memory_space<hbm>> -> memref<2x125xi32, #tpu.memory_space<hbm>>
      tpu.enqueue_dma source(%dma_start3A_288 : memref<2x125xi32, #tpu.memory_space<hbm>>) target(%arg6 : memref<2x125xi32, #tpu.memory_space<vmem>>) target_semaphore(%run_scoped3A_280 : memref<!tpu.dma_semaphore, #tpu.memory_space<semaphore_mem>>)
      %dma_wait3A_289 = arith.constant 0 : i32
      %dma_wait3A_290 = arith.constant 0 : i32
      %dma_wait3A_291 = tpu.memref_slice %arg2[%add3A, %run_scoped3A_245, %dma_wait3A_289, %dma_wait3A_290] : memref<32x80x2x125xi32, #tpu.memory_space<hbm>> -> memref<1x1x2x125xi32, #tpu.memory_space<hbm>>
      %dma_wait3A_292 = tpu.memref_squeeze %dma_wait3A_291 : memref<1x1x2x125xi32, #tpu.memory_space<hbm>> -> memref<2x125xi32, #tpu.memory_space<hbm>>
      %dma_wait3A_293 = arith.constant 0 : i32
      %dma_wait3A_294 = arith.constant 0 : i32
      %dma_wait3A_295 = tpu.memref_slice %arg2[%add3A, %run_scoped3A_245, %dma_wait3A_293, %dma_wait3A_294] : memref<32x80x2x125xi32, #tpu.memory_space<hbm>> -> memref<1x1x2x125xi32, #tpu.memory_space<hbm>>
      %dma_wait3A_296 = tpu.memref_squeeze %dma_wait3A_295 : memref<1x1x2x125xi32, #tpu.memory_space<hbm>> -> memref<2x125xi32, #tpu.memory_space<hbm>>
      tpu.wait_dma2 semaphore(%run_scoped3A_280 : memref<!tpu.dma_semaphore, #tpu.memory_space<semaphore_mem>>) src(%dma_wait3A_296 : memref<2x125xi32, #tpu.memory_space<hbm>>) dst(%arg6 : memref<2x125xi32, #tpu.memory_space<vmem>>)
      tpu.yield
    }) : () -> ()
    %dma_start3A_246 = arith.constant 0 : i32
    %dma_start3A_247 = arith.constant 0 : i32
    %dma_start3A_248 = tpu.memref_slice %arg5[%dma_start3A_246, %dma_start3A_247] : memref<2x125xi32, #tpu.memory_space<vmem>> -> memref<1x125xi32, #tpu.memory_space<vmem>>
    %dma_start3A_249 = tpu.memref_squeeze %dma_start3A_248 : memref<1x125xi32, #tpu.memory_space<vmem>> -> memref<125xi32, #tpu.memory_space<vmem>>
    %dma_start3A_250 = arith.constant 0 : i32
    %dma_start3A_251 = arith.constant 0 : i32
    %dma_start3A_252 = tpu.memref_slice %arg3[%dma_start3A_250, %dma_start3A_251] : memref<10240x128xf32, #tpu.memory_space<hbm>> -> memref<10240x128xf32, #tpu.memory_space<hbm>>
    tpu.enqueue_indirect_dma source(%dma_start3A_252 : memref<10240x128xf32, #tpu.memory_space<hbm>>) target(%arg7 : memref<125x128xf32, #tpu.memory_space<vmem>>) offsets(%dma_start3A_249 : memref<125xi32, #tpu.memory_space<vmem>>) semaphore(%arg11 : memref<!tpu.dma_semaphore, #tpu.memory_space<semaphore_mem>>)
    %dma_start3A_253 = arith.constant 0 : i32
    %dma_start3A_254 = arith.constant 0 : i32
    %dma_start3A_255 = tpu.memref_slice %arg6[%dma_start3A_253, %dma_start3A_254] : memref<2x125xi32, #tpu.memory_space<vmem>> -> memref<1x125xi32, #tpu.memory_space<vmem>>
    %dma_start3A_256 = tpu.memref_squeeze %dma_start3A_255 : memref<1x125xi32, #tpu.memory_space<vmem>> -> memref<125xi32, #tpu.memory_space<vmem>>
    %dma_start3A_257 = arith.constant 0 : i32
    %dma_start3A_258 = arith.constant 0 : i32
    %dma_start3A_259 = tpu.memref_slice %arg3[%dma_start3A_257, %dma_start3A_258] : memref<10240x128xf32, #tpu.memory_space<hbm>> -> memref<10240x128xf32, #tpu.memory_space<hbm>>
    tpu.enqueue_indirect_dma source(%dma_start3A_259 : memref<10240x128xf32, #tpu.memory_space<hbm>>) target(%arg8 : memref<125x128xf32, #tpu.memory_space<vmem>>) offsets(%dma_start3A_256 : memref<125xi32, #tpu.memory_space<vmem>>) semaphore(%arg12 : memref<!tpu.dma_semaphore, #tpu.memory_space<semaphore_mem>>)
    %scan3A_260 = arith.constant 0 : i32
    %scan3A_261 = arith.constant 40 : i32
    %scan3A_262 = arith.addi %scan3A_260, %scan3A_261 : i32
    %scan3A_263 = arith.constant 1 : i32
    scf.for %scan3A_280 = %scan3A_260 to %scan3A_262 step %scan3A_263  : i32 {
      %mul3A_281 = arith.constant 2 : i32
      %mul3A_282 = arith.muli %scan3A_280, %mul3A_281 : i32
      %add3A_283 = arith.constant 1 : i32
      %add3A_284 = arith.addi %mul3A_282, %add3A_283 : i32
      %dma_wait3A_285 = arith.constant 0 : i32
      %dma_wait3A_286 = arith.constant 0 : i32
      %dma_wait3A_287 = tpu.memref_slice %arg5[%dma_wait3A_285, %dma_wait3A_286] : memref<2x125xi32, #tpu.memory_space<vmem>> -> memref<1x125xi32, #tpu.memory_space<vmem>>
      %dma_wait3A_288 = tpu.memref_squeeze %dma_wait3A_287 : memref<1x125xi32, #tpu.memory_space<vmem>> -> memref<125xi32, #tpu.memory_space<vmem>>
      %dma_wait3A_289 = arith.constant 0 : i32
      %dma_wait3A_290 = arith.constant 0 : i32
      %dma_wait3A_291 = tpu.memref_slice %arg3[%dma_wait3A_289, %dma_wait3A_290] : memref<10240x128xf32, #tpu.memory_space<hbm>> -> memref<10240x128xf32, #tpu.memory_space<hbm>>
      tpu.wait_indirect_dma semaphore(%arg11 : memref<!tpu.dma_semaphore, #tpu.memory_space<semaphore_mem>>) src(%dma_wait3A_291 : memref<10240x128xf32, #tpu.memory_space<hbm>>) dst(%arg7 : memref<125x128xf32, #tpu.memory_space<vmem>>)
      %run_scoped3A_292 = arith.constant 1 : i32
      "tpu.region"() ({
        %run_scoped3A_356 = tpu.sem_alloc : memref<!tpu.dma_semaphore, #tpu.memory_space<semaphore_mem>>
        %dma_start3A_357 = arith.constant 0 : i32
        %dma_start3A_358 = tpu.memref_slice %arg5[%run_scoped3A_292, %dma_start3A_357] : memref<2x125xi32, #tpu.memory_space<vmem>> -> memref<1x125xi32, #tpu.memory_space<vmem>>
        %dma_start3A_359 = tpu.memref_squeeze %dma_start3A_358 : memref<1x125xi32, #tpu.memory_space<vmem>> -> memref<125xi32, #tpu.memory_space<vmem>>
        %dma_start3A_360 = arith.constant 0 : i32
        %dma_start3A_361 = arith.constant 0 : i32
        %dma_start3A_362 = tpu.memref_slice %arg10[%dma_start3A_360, %dma_start3A_361] : memref<10240x128xf32, #tpu.memory_space<vmem_shared>> -> memref<10240x128xf32, #tpu.memory_space<vmem_shared>>
        tpu.enqueue_indirect_dma source(%arg7 : memref<125x128xf32, #tpu.memory_space<vmem>>) target(%dma_start3A_362 : memref<10240x128xf32, #tpu.memory_space<vmem_shared>>) offsets(%dma_start3A_359 : memref<125xi32, #tpu.memory_space<vmem>>) semaphore(%run_scoped3A_356 : memref<!tpu.dma_semaphore, #tpu.memory_space<semaphore_mem>>) {add = true}
        %dma_wait3A_363 = arith.constant 0 : i32
        %dma_wait3A_364 = tpu.memref_slice %arg5[%run_scoped3A_292, %dma_wait3A_363] : memref<2x125xi32, #tpu.memory_space<vmem>> -> memref<1x125xi32, #tpu.memory_space<vmem>>
        %dma_wait3A_365 = tpu.memref_squeeze %dma_wait3A_364 : memref<1x125xi32, #tpu.memory_space<vmem>> -> memref<125xi32, #tpu.memory_space<vmem>>
        %dma_wait3A_366 = arith.constant 0 : i32
        %dma_wait3A_367 = arith.constant 0 : i32
        %dma_wait3A_368 = tpu.memref_slice %arg10[%dma_wait3A_366, %dma_wait3A_367] : memref<10240x128xf32, #tpu.memory_space<vmem_shared>> -> memref<10240x128xf32, #tpu.memory_space<vmem_shared>>
        tpu.wait_indirect_dma semaphore(%run_scoped3A_356 : memref<!tpu.dma_semaphore, #tpu.memory_space<semaphore_mem>>) src(%arg7 : memref<125x128xf32, #tpu.memory_space<vmem>>) dst(%dma_wait3A_368 : memref<10240x128xf32, #tpu.memory_space<vmem_shared>>)
        tpu.yield
      }) : () -> ()
      %add3A_293 = arith.constant 2 : i32
      %add3A_294 = arith.addi %mul3A_282, %add3A_293 : i32
      %min3A = arith.constant 79 : i32
      %min3A_295 = arith.minsi %add3A_294, %min3A : i32
      %dma_start3A_296 = arith.constant 0 : i32
      %dma_start3A_297 = arith.constant 0 : i32
      %dma_start3A_298 = tpu.memref_slice %arg2[%add3A, %min3A_295, %dma_start3A_296, %dma_start3A_297] : memref<32x80x2x125xi32, #tpu.memory_space<hbm>> -> memref<1x1x2x125xi32, #tpu.memory_space<hbm>>
      %dma_start3A_299 = tpu.memref_squeeze %dma_start3A_298 : memref<1x1x2x125xi32, #tpu.memory_space<hbm>> -> memref<2x125xi32, #tpu.memory_space<hbm>>
      %dma_start3A_300 = arith.constant 0 : i32
      %dma_start3A_301 = arith.constant 0 : i32
      %dma_start3A_302 = tpu.memref_slice %arg2[%add3A, %min3A_295, %dma_start3A_300, %dma_start3A_301] : memref<32x80x2x125xi32, #tpu.memory_space<hbm>> -> memref<1x1x2x125xi32, #tpu.memory_space<hbm>>
      %dma_start3A_303 = tpu.memref_squeeze %dma_start3A_302 : memref<1x1x2x125xi32, #tpu.memory_space<hbm>> -> memref<2x125xi32, #tpu.memory_space<hbm>>
      tpu.enqueue_dma source(%dma_start3A_303 : memref<2x125xi32, #tpu.memory_space<hbm>>) target(%arg5 : memref<2x125xi32, #tpu.memory_space<vmem>>) target_semaphore(%arg13 : memref<!tpu.dma_semaphore, #tpu.memory_space<semaphore_mem>>)
      %dma_wait3A_304 = arith.constant 0 : i32
      %dma_wait3A_305 = arith.constant 0 : i32
      %dma_wait3A_306 = tpu.memref_slice %arg6[%dma_wait3A_304, %dma_wait3A_305] : memref<2x125xi32, #tpu.memory_space<vmem>> -> memref<1x125xi32, #tpu.memory_space<vmem>>
      %dma_wait3A_307 = tpu.memref_squeeze %dma_wait3A_306 : memref<1x125xi32, #tpu.memory_space<vmem>> -> memref<125xi32, #tpu.memory_space<vmem>>
      %dma_wait3A_308 = arith.constant 0 : i32
      %dma_wait3A_309 = arith.constant 0 : i32
      %dma_wait3A_310 = tpu.memref_slice %arg3[%dma_wait3A_308, %dma_wait3A_309] : memref<10240x128xf32, #tpu.memory_space<hbm>> -> memref<10240x128xf32, #tpu.memory_space<hbm>>
      tpu.wait_indirect_dma semaphore(%arg12 : memref<!tpu.dma_semaphore, #tpu.memory_space<semaphore_mem>>) src(%dma_wait3A_310 : memref<10240x128xf32, #tpu.memory_space<hbm>>) dst(%arg8 : memref<125x128xf32, #tpu.memory_space<vmem>>)
      %run_scoped3A_311 = arith.constant 1 : i32
      "tpu.region"() ({
        %run_scoped3A_356 = tpu.sem_alloc : memref<!tpu.dma_semaphore, #tpu.memory_space<semaphore_mem>>
        %dma_start3A_357 = arith.constant 0 : i32
        %dma_start3A_358 = tpu.memref_slice %arg6[%run_scoped3A_311, %dma_start3A_357] : memref<2x125xi32, #tpu.memory_space<vmem>> -> memref<1x125xi32, #tpu.memory_space<vmem>>
        %dma_start3A_359 = tpu.memref_squeeze %dma_start3A_358 : memref<1x125xi32, #tpu.memory_space<vmem>> -> memref<125xi32, #tpu.memory_space<vmem>>
        %dma_start3A_360 = arith.constant 0 : i32
        %dma_start3A_361 = arith.constant 0 : i32
        %dma_start3A_362 = tpu.memref_slice %arg10[%dma_start3A_360, %dma_start3A_361] : memref<10240x128xf32, #tpu.memory_space<vmem_shared>> -> memref<10240x128xf32, #tpu.memory_space<vmem_shared>>
        tpu.enqueue_indirect_dma source(%arg8 : memref<125x128xf32, #tpu.memory_space<vmem>>) target(%dma_start3A_362 : memref<10240x128xf32, #tpu.memory_space<vmem_shared>>) offsets(%dma_start3A_359 : memref<125xi32, #tpu.memory_space<vmem>>) semaphore(%run_scoped3A_356 : memref<!tpu.dma_semaphore, #tpu.memory_space<semaphore_mem>>) {add = true}
        %dma_wait3A_363 = arith.constant 0 : i32
        %dma_wait3A_364 = tpu.memref_slice %arg6[%run_scoped3A_311, %dma_wait3A_363] : memref<2x125xi32, #tpu.memory_space<vmem>> -> memref<1x125xi32, #tpu.memory_space<vmem>>
        %dma_wait3A_365 = tpu.memref_squeeze %dma_wait3A_364 : memref<1x125xi32, #tpu.memory_space<vmem>> -> memref<125xi32, #tpu.memory_space<vmem>>
        %dma_wait3A_366 = arith.constant 0 : i32
        %dma_wait3A_367 = arith.constant 0 : i32
        %dma_wait3A_368 = tpu.memref_slice %arg10[%dma_wait3A_366, %dma_wait3A_367] : memref<10240x128xf32, #tpu.memory_space<vmem_shared>> -> memref<10240x128xf32, #tpu.memory_space<vmem_shared>>
        tpu.wait_indirect_dma semaphore(%run_scoped3A_356 : memref<!tpu.dma_semaphore, #tpu.memory_space<semaphore_mem>>) src(%arg8 : memref<125x128xf32, #tpu.memory_space<vmem>>) dst(%dma_wait3A_368 : memref<10240x128xf32, #tpu.memory_space<vmem_shared>>)
        tpu.yield
      }) : () -> ()
      %add3A_312 = arith.constant 2 : i32
      %add3A_313 = arith.addi %add3A_284, %add3A_312 : i32
      %min3A_314 = arith.constant 79 : i32
      %min3A_315 = arith.minsi %add3A_313, %min3A_314 : i32
      %dma_start3A_316 = arith.constant 0 : i32
      %dma_start3A_317 = arith.constant 0 : i32
      %dma_start3A_318 = tpu.memref_slice %arg2[%add3A, %min3A_315, %dma_start3A_316, %dma_start3A_317] : memref<32x80x2x125xi32, #tpu.memory_space<hbm>> -> memref<1x1x2x125xi32, #tpu.memory_space<hbm>>
      %dma_start3A_319 = tpu.memref_squeeze %dma_start3A_318 : memref<1x1x2x125xi32, #tpu.memory_space<hbm>> -> memref<2x125xi32, #tpu.memory_space<hbm>>
      %dma_start3A_320 = arith.constant 0 : i32
      %dma_start3A_321 = arith.constant 0 : i32
      %dma_start3A_322 = tpu.memref_slice %arg2[%add3A, %min3A_315, %dma_start3A_320, %dma_start3A_321] : memref<32x80x2x125xi32, #tpu.memory_space<hbm>> -> memref<1x1x2x125xi32, #tpu.memory_space<hbm>>
      %dma_start3A_323 = tpu.memref_squeeze %dma_start3A_322 : memref<1x1x2x125xi32, #tpu.memory_space<hbm>> -> memref<2x125xi32, #tpu.memory_space<hbm>>
      tpu.enqueue_dma source(%dma_start3A_323 : memref<2x125xi32, #tpu.memory_space<hbm>>) target(%arg6 : memref<2x125xi32, #tpu.memory_space<vmem>>) target_semaphore(%arg14 : memref<!tpu.dma_semaphore, #tpu.memory_space<semaphore_mem>>)
      %dma_wait3A_324 = arith.constant 0 : i32
      %dma_wait3A_325 = arith.constant 0 : i32
      %dma_wait3A_326 = arith.constant 0 : i32
      %dma_wait3A_327 = tpu.memref_slice %arg2[%add3A, %dma_wait3A_324, %dma_wait3A_325, %dma_wait3A_326] : memref<32x80x2x125xi32, #tpu.memory_space<hbm>> -> memref<1x1x2x125xi32, #tpu.memory_space<hbm>>
      %dma_wait3A_328 = tpu.memref_squeeze %dma_wait3A_327 : memref<1x1x2x125xi32, #tpu.memory_space<hbm>> -> memref<2x125xi32, #tpu.memory_space<hbm>>
      %dma_wait3A_329 = arith.constant 0 : i32
      %dma_wait3A_330 = arith.constant 0 : i32
      %dma_wait3A_331 = tpu.memref_slice %arg2[%add3A, %dma_wait3A_324, %dma_wait3A_329, %dma_wait3A_330] : memref<32x80x2x125xi32, #tpu.memory_space<hbm>> -> memref<1x1x2x125xi32, #tpu.memory_space<hbm>>
      %dma_wait3A_332 = tpu.memref_squeeze %dma_wait3A_331 : memref<1x1x2x125xi32, #tpu.memory_space<hbm>> -> memref<2x125xi32, #tpu.memory_space<hbm>>
      tpu.wait_dma2 semaphore(%arg13 : memref<!tpu.dma_semaphore, #tpu.memory_space<semaphore_mem>>) src(%dma_wait3A_332 : memref<2x125xi32, #tpu.memory_space<hbm>>) dst(%arg5 : memref<2x125xi32, #tpu.memory_space<vmem>>)
      %dma_start3A_333 = arith.constant 0 : i32
      %dma_start3A_334 = arith.constant 0 : i32
      %dma_start3A_335 = tpu.memref_slice %arg5[%dma_start3A_333, %dma_start3A_334] : memref<2x125xi32, #tpu.memory_space<vmem>> -> memref<1x125xi32, #tpu.memory_space<vmem>>
      %dma_start3A_336 = tpu.memref_squeeze %dma_start3A_335 : memref<1x125xi32, #tpu.memory_space<vmem>> -> memref<125xi32, #tpu.memory_space<vmem>>
      %dma_start3A_337 = arith.constant 0 : i32
      %dma_start3A_338 = arith.constant 0 : i32
      %dma_start3A_339 = tpu.memref_slice %arg3[%dma_start3A_337, %dma_start3A_338] : memref<10240x128xf32, #tpu.memory_space<hbm>> -> memref<10240x128xf32, #tpu.memory_space<hbm>>
      tpu.enqueue_indirect_dma source(%dma_start3A_339 : memref<10240x128xf32, #tpu.memory_space<hbm>>) target(%arg7 : memref<125x128xf32, #tpu.memory_space<vmem>>) offsets(%dma_start3A_336 : memref<125xi32, #tpu.memory_space<vmem>>) semaphore(%arg11 : memref<!tpu.dma_semaphore, #tpu.memory_space<semaphore_mem>>)
      %dma_wait3A_340 = arith.constant 0 : i32
      %dma_wait3A_341 = arith.constant 0 : i32
      %dma_wait3A_342 = arith.constant 0 : i32
      %dma_wait3A_343 = tpu.memref_slice %arg2[%add3A, %dma_wait3A_340, %dma_wait3A_341, %dma_wait3A_342] : memref<32x80x2x125xi32, #tpu.memory_space<hbm>> -> memref<1x1x2x125xi32, #tpu.memory_space<hbm>>
      %dma_wait3A_344 = tpu.memref_squeeze %dma_wait3A_343 : memref<1x1x2x125xi32, #tpu.memory_space<hbm>> -> memref<2x125xi32, #tpu.memory_space<hbm>>
      %dma_wait3A_345 = arith.constant 0 : i32
      %dma_wait3A_346 = arith.constant 0 : i32
      %dma_wait3A_347 = tpu.memref_slice %arg2[%add3A, %dma_wait3A_340, %dma_wait3A_345, %dma_wait3A_346] : memref<32x80x2x125xi32, #tpu.memory_space<hbm>> -> memref<1x1x2x125xi32, #tpu.memory_space<hbm>>
      %dma_wait3A_348 = tpu.memref_squeeze %dma_wait3A_347 : memref<1x1x2x125xi32, #tpu.memory_space<hbm>> -> memref<2x125xi32, #tpu.memory_space<hbm>>
      tpu.wait_dma2 semaphore(%arg14 : memref<!tpu.dma_semaphore, #tpu.memory_space<semaphore_mem>>) src(%dma_wait3A_348 : memref<2x125xi32, #tpu.memory_space<hbm>>) dst(%arg6 : memref<2x125xi32, #tpu.memory_space<vmem>>)
      %dma_start3A_349 = arith.constant 0 : i32
      %dma_start3A_350 = arith.constant 0 : i32
      %dma_start3A_351 = tpu.memref_slice %arg6[%dma_start3A_349, %dma_start3A_350] : memref<2x125xi32, #tpu.memory_space<vmem>> -> memref<1x125xi32, #tpu.memory_space<vmem>>
      %dma_start3A_352 = tpu.memref_squeeze %dma_start3A_351 : memref<1x125xi32, #tpu.memory_space<vmem>> -> memref<125xi32, #tpu.memory_space<vmem>>
      %dma_start3A_353 = arith.constant 0 : i32
      %dma_start3A_354 = arith.constant 0 : i32
      %dma_start3A_355 = tpu.memref_slice %arg3[%dma_start3A_353, %dma_start3A_354] : memref<10240x128xf32, #tpu.memory_space<hbm>> -> memref<10240x128xf32, #tpu.memory_space<hbm>>
      tpu.enqueue_indirect_dma source(%dma_start3A_355 : memref<10240x128xf32, #tpu.memory_space<hbm>>) target(%arg8 : memref<125x128xf32, #tpu.memory_space<vmem>>) offsets(%dma_start3A_352 : memref<125xi32, #tpu.memory_space<vmem>>) semaphore(%arg12 : memref<!tpu.dma_semaphore, #tpu.memory_space<semaphore_mem>>)
    }
    %scan3A_264 = arith.constant 40 : i32
    %dma_wait3A_265 = arith.constant 0 : i32
    %dma_wait3A_266 = arith.constant 0 : i32
    %dma_wait3A_267 = tpu.memref_slice %arg5[%dma_wait3A_265, %dma_wait3A_266] : memref<2x125xi32, #tpu.memory_space<vmem>> -> memref<1x125xi32, #tpu.memory_space<vmem>>
    %dma_wait3A_268 = tpu.memref_squeeze %dma_wait3A_267 : memref<1x125xi32, #tpu.memory_space<vmem>> -> memref<125xi32, #tpu.memory_space<vmem>>
    %dma_wait3A_269 = arith.constant 0 : i32
    %dma_wait3A_270 = arith.constant 0 : i32
    %dma_wait3A_271 = tpu.memref_slice %arg3[%dma_wait3A_269, %dma_wait3A_270] : memref<10240x128xf32, #tpu.memory_space<hbm>> -> memref<10240x128xf32, #tpu.memory_space<hbm>>
    tpu.wait_indirect_dma semaphore(%arg11 : memref<!tpu.dma_semaphore, #tpu.memory_space<semaphore_mem>>) src(%dma_wait3A_271 : memref<10240x128xf32, #tpu.memory_space<hbm>>) dst(%arg7 : memref<125x128xf32, #tpu.memory_space<vmem>>)
    %dma_wait3A_272 = arith.constant 0 : i32
    %dma_wait3A_273 = arith.constant 0 : i32
    %dma_wait3A_274 = tpu.memref_slice %arg6[%dma_wait3A_272, %dma_wait3A_273] : memref<2x125xi32, #tpu.memory_space<vmem>> -> memref<1x125xi32, #tpu.memory_space<vmem>>
    %dma_wait3A_275 = tpu.memref_squeeze %dma_wait3A_274 : memref<1x125xi32, #tpu.memory_space<vmem>> -> memref<125xi32, #tpu.memory_space<vmem>>
    %dma_wait3A_276 = arith.constant 0 : i32
    %dma_wait3A_277 = arith.constant 0 : i32
    %dma_wait3A_278 = tpu.memref_slice %arg3[%dma_wait3A_276, %dma_wait3A_277] : memref<10240x128xf32, #tpu.memory_space<hbm>> -> memref<10240x128xf32, #tpu.memory_space<hbm>>
    tpu.wait_indirect_dma semaphore(%arg12 : memref<!tpu.dma_semaphore, #tpu.memory_space<semaphore_mem>>) src(%dma_wait3A_278 : memref<10240x128xf32, #tpu.memory_space<hbm>>) dst(%arg8 : memref<125x128xf32, #tpu.memory_space<vmem>>)
    %barrier3A_279 = arith.constant 0 : index
    tpu.barrier barrier_id(%barrier3A_279)
    "tpu.region"() ({
      %run_scoped3A_280 = tpu.sem_alloc : memref<!tpu.dma_semaphore, #tpu.memory_space<semaphore_mem>>
      %dma_start3A_281 = arith.constant 0 : i32
      %dma_start3A_282 = tpu.memref_slice %arg4[%arg0, %mul3A_6, %dma_start3A_281] : memref<2x10240x128xf32, #tpu.memory_space<hbm>> -> memref<1x640x128xf32, #tpu.memory_space<hbm>>
      %dma_start3A_283 = tpu.memref_squeeze %dma_start3A_282 : memref<1x640x128xf32, #tpu.memory_space<hbm>> -> memref<640x128xf32, #tpu.memory_space<hbm>>
      %dma_start3A_284 = arith.constant 0 : i32
      %dma_start3A_285 = tpu.memref_slice %arg10[%mul3A_6, %dma_start3A_284] : memref<10240x128xf32, #tpu.memory_space<vmem_shared>> -> memref<640x128xf32, #tpu.memory_space<vmem_shared>>
      tpu.enqueue_dma source(%dma_start3A_285 : memref<640x128xf32, #tpu.memory_space<vmem_shared>>) target(%dma_start3A_283 : memref<640x128xf32, #tpu.memory_space<hbm>>) target_semaphore(%run_scoped3A_280 : memref<!tpu.dma_semaphore, #tpu.memory_space<semaphore_mem>>)
      %dma_wait3A_286 = arith.constant 0 : i32
      %dma_wait3A_287 = tpu.memref_slice %arg4[%arg0, %mul3A_6, %dma_wait3A_286] : memref<2x10240x128xf32, #tpu.memory_space<hbm>> -> memref<1x640x128xf32, #tpu.memory_space<hbm>>
      %dma_wait3A_288 = tpu.memref_squeeze %dma_wait3A_287 : memref<1x640x128xf32, #tpu.memory_space<hbm>> -> memref<640x128xf32, #tpu.memory_space<hbm>>
      %dma_wait3A_289 = arith.constant 0 : i32
      %dma_wait3A_290 = tpu.memref_slice %arg10[%mul3A_6, %dma_wait3A_289] : memref<10240x128xf32, #tpu.memory_space<vmem_shared>> -> memref<640x128xf32, #tpu.memory_space<vmem_shared>>
      tpu.wait_dma2 semaphore(%run_scoped3A_280 : memref<!tpu.dma_semaphore, #tpu.memory_space<semaphore_mem>>) src(%dma_wait3A_290 : memref<640x128xf32, #tpu.memory_space<vmem_shared>>) dst(%dma_wait3A_288 : memref<640x128xf32, #tpu.memory_space<hbm>>)
      tpu.yield
    }) : () -> ()
    return
  }
}

module attributes {stable_mosaic.version = 14 : i64} {
  func.func @_feat_body(%arg0: memref<2x20480xf32, #tpu.memory_space<vmem>>, %arg1: memref<10000x128xf32, #tpu.memory_space<vmem>>, %arg2: memref<128x128xf32, #tpu.memory_space<vmem>>, %arg3: memref<10240x128xf32, #tpu.memory_space<vmem>>, %arg4: memref<10240x1xf32, #tpu.memory_space<vmem>>) attributes {dimension_semantics = [], scalar_prefetch = 0 : i64, scratch_operands = 0 : i64, tpu.core_type = #tpu.core_type<tc>} {
    %get3A = arith.constant 0 : index
    %get3A_0 = arith.constant 0 : index
    %get3A_1 = vector.load %arg0[%get3A, %get3A_0] : memref<2x20480xf32, #tpu.memory_space<vmem>>, vector<1x20480xf32>
    %get3A_2 = vector.shape_cast %get3A_1 : vector<1x20480xf32> to vector<20480xf32>
    %get3A_3 = arith.constant 1 : index
    %get3A_4 = arith.constant 0 : index
    %get3A_5 = vector.load %arg0[%get3A_3, %get3A_4] : memref<2x20480xf32, #tpu.memory_space<vmem>>, vector<1x20480xf32>
    %get3A_6 = vector.shape_cast %get3A_5 : vector<1x20480xf32> to vector<20480xf32>
    %add3A = arith.addf %get3A_2, %get3A_6 : vector<20480xf32>
    %slice3A = vector.extract_strided_slice %add3A {offsets = [0], sizes = [10240], strides = [1]} : vector<20480xf32> to vector<10240xf32>
    %slice3A_7 = vector.extract_strided_slice %add3A {offsets = [10240], sizes = [10240], strides = [1]} : vector<20480xf32> to vector<10240xf32>
    %gt3A = arith.constant 0.000000e+00 : f32
    %gt3A_8 = vector.broadcast %gt3A : f32 to vector<10240xf32>
    %gt3A_9 = arith.cmpf ogt, %slice3A, %gt3A_8 : vector<10240xf32>
    %max3A = arith.constant 1.000000e+00 : f32
    %max3A_10 = vector.broadcast %max3A : f32 to vector<10240xf32>
    %max3A_11 = arith.maximumf %slice3A, %max3A_10 : vector<10240xf32>
    %rsqrt3A = math.rsqrt %max3A_11 : vector<10240xf32>
    %jit3A = arith.constant 0.000000e+00 : f32
    %broadcast_in_dim3A = vector.broadcast %jit3A : f32 to vector<10240xf32>
    %select_n3A = arith.select %gt3A_9, %rsqrt3A, %broadcast_in_dim3A : vector<10240xi1>, vector<10240xf32>
    %gt3A_12 = arith.constant 0.000000e+00 : f32
    %gt3A_13 = vector.broadcast %gt3A_12 : f32 to vector<10240xf32>
    %gt3A_14 = arith.cmpf ogt, %slice3A_7, %gt3A_13 : vector<10240xf32>
    %max3A_15 = arith.constant 1.000000e+00 : f32
    %max3A_16 = vector.broadcast %max3A_15 : f32 to vector<10240xf32>
    %max3A_17 = arith.maximumf %slice3A_7, %max3A_16 : vector<10240xf32>
    %rsqrt3A_18 = math.rsqrt %max3A_17 : vector<10240xf32>
    %jit3A_19 = arith.constant 0.000000e+00 : f32
    %broadcast_in_dim3A_20 = vector.broadcast %jit3A_19 : f32 to vector<10240xf32>
    %select_n3A_21 = arith.select %gt3A_14, %rsqrt3A_18, %broadcast_in_dim3A_20 : vector<10240xi1>, vector<10240xf32>
    %get3A_22 = arith.constant 0 : index
    %get3A_23 = arith.constant 0 : index
    %get3A_24 = vector.load %arg1[%get3A_22, %get3A_23] : memref<10000x128xf32, #tpu.memory_space<vmem>>, vector<10000x128xf32>
    %slice3A_25 = vector.extract_strided_slice %select_n3A {offsets = [0], sizes = [10000], strides = [1]} : vector<10240xf32> to vector<10000xf32>
    %broadcast_in_dim3A_26 = vector.shape_cast %slice3A_25 : vector<10000xf32> to vector<10000x1xf32>
    %mul3A = vector.broadcast %broadcast_in_dim3A_26 : vector<10000x1xf32> to vector<10000x128xf32>
    %mul3A_27 = arith.mulf %get3A_24, %mul3A : vector<10000x128xf32>
    %get3A_28 = arith.constant 0 : index
    %get3A_29 = arith.constant 0 : index
    %get3A_30 = vector.load %arg2[%get3A_28, %get3A_29] : memref<128x128xf32, #tpu.memory_space<vmem>>, vector<128x128xf32>
    %dot_general3A = arith.constant dense<0.000000e+00> : vector<10000x128xf32>
    %dot_general3A_31 = tpu.matmul %mul3A_27, %get3A_30, %dot_general3A {dimension_numbers = #tpu.dot_dimension_numbers<[1], [0], [0], [1], [0, 0, 1, 1], [], []>, transpose_lhs_hint = false} : vector<10000x128xf32>, vector<128x128xf32>, vector<10000x128xf32> -> vector<10000x128xf32>
    %swap3A = arith.constant 0 : index
    %swap3A_32 = arith.constant 0 : index
    %swap3A_33 = vector.load %arg3[%swap3A, %swap3A_32] : memref<10240x128xf32, #tpu.memory_space<vmem>>, vector<10000x128xf32>
    tpu.vector_store %arg3[%swap3A, %swap3A_32], %dot_general3A_31 {strides = array<i32>} : memref<10240x128xf32, #tpu.memory_space<vmem>>, vector<10000x128xf32>,
    %broadcast_in_dim3A_34 = arith.constant 0.000000e+00 : f32
    %broadcast_in_dim3A_35 = vector.broadcast %broadcast_in_dim3A_34 : f32 to vector<240x128xf32>
    %swap3A_36 = arith.constant 10000 : index
    %swap3A_37 = arith.constant 0 : index
    %swap3A_38 = vector.load %arg3[%swap3A_36, %swap3A_37] : memref<10240x128xf32, #tpu.memory_space<vmem>>, vector<240x128xf32>
    tpu.vector_store %arg3[%swap3A_36, %swap3A_37], %broadcast_in_dim3A_35 {strides = array<i32>} : memref<10240x128xf32, #tpu.memory_space<vmem>>, vector<240x128xf32>,
    %broadcast_in_dim3A_39 = vector.shape_cast %select_n3A_21 : vector<10240xf32> to vector<10240x1xf32>
    %swap3A_40 = arith.constant 0 : index
    %swap3A_41 = arith.constant 0 : index
    %swap3A_42 = vector.load %arg4[%swap3A_40, %swap3A_41] : memref<10240x1xf32, #tpu.memory_space<vmem>>, vector<10240x1xf32>
    tpu.vector_store %arg4[%swap3A_40, %swap3A_41], %broadcast_in_dim3A_39 {strides = array<i32>} : memref<10240x1xf32, #tpu.memory_space<vmem>>, vector<10240x1xf32>,
    return
  }
}

module attributes {stable_mosaic.version = 14 : i64} {
  func.func @_out_body(%arg0: i32, %arg1: memref<2x1000x128xf32, #tpu.memory_space<vmem>>, %arg2: memref<1000x1xf32, #tpu.memory_space<vmem>>, %arg3: memref<1x128xf32, #tpu.memory_space<vmem>>, %arg4: memref<1000x128xf32, #tpu.memory_space<vmem>>) attributes {dimension_semantics = [#tpu.dimension_semantics<arbitrary>], iteration_bounds = array<i64: 10>, scalar_prefetch = 0 : i64, scratch_operands = 0 : i64, tpu.core_type = #tpu.core_type<tc>, window_params = [{transform_indices = @transform_0, window_bounds = array<i64: 2, 1000, 128>}, {transform_indices = @transform_1, window_bounds = array<i64: 1000, 1>}, {pipeline_mode = #tpu.pipeline_mode<synchronous>, transform_indices = @transform_2, window_bounds = array<i64: 1, 128>}, {transform_indices = @transform_3, window_bounds = array<i64: 1000, 128>}]} {
    %get3A = arith.constant 0 : index
    %get3A_0 = arith.constant 0 : index
    %get3A_1 = arith.constant 0 : index
    %get3A_2 = vector.load %arg1[%get3A, %get3A_0, %get3A_1] : memref<2x1000x128xf32, #tpu.memory_space<vmem>>, vector<1x1000x128xf32>
    %get3A_3 = vector.shape_cast %get3A_2 : vector<1x1000x128xf32> to vector<1000x128xf32>
    %get3A_4 = arith.constant 1 : index
    %get3A_5 = arith.constant 0 : index
    %get3A_6 = arith.constant 0 : index
    %get3A_7 = vector.load %arg1[%get3A_4, %get3A_5, %get3A_6] : memref<2x1000x128xf32, #tpu.memory_space<vmem>>, vector<1x1000x128xf32>
    %get3A_8 = vector.shape_cast %get3A_7 : vector<1x1000x128xf32> to vector<1000x128xf32>
    %add3A = arith.addf %get3A_3, %get3A_8 : vector<1000x128xf32>
    %get3A_9 = arith.constant 0 : index
    %get3A_10 = arith.constant 0 : index
    %get3A_11 = vector.load %arg2[%get3A_9, %get3A_10] : memref<1000x1xf32, #tpu.memory_space<vmem>>, vector<1000x1xf32>
    %mul3A = vector.broadcast %get3A_11 : vector<1000x1xf32> to vector<1000x128xf32>
    %mul3A_12 = arith.mulf %add3A, %mul3A : vector<1000x128xf32>
    %get3A_13 = arith.constant 0 : index
    %get3A_14 = arith.constant 0 : index
    %get3A_15 = vector.load %arg3[%get3A_13, %get3A_14] : memref<1x128xf32, #tpu.memory_space<vmem>>, vector<1x128xf32>
    %add3A_16 = vector.broadcast %get3A_15 : vector<1x128xf32> to vector<1000x128xf32>
    %add3A_17 = arith.addf %mul3A_12, %add3A_16 : vector<1000x128xf32>
    %max3A = arith.constant 0.000000e+00 : f32
    %max3A_18 = vector.broadcast %max3A : f32 to vector<1000x128xf32>
    %max3A_19 = arith.maximumf %add3A_17, %max3A_18 : vector<1000x128xf32>
    %swap3A = arith.constant 0 : index
    %swap3A_20 = arith.constant 0 : index
    %swap3A_21 = vector.load %arg4[%swap3A, %swap3A_20] : memref<1000x128xf32, #tpu.memory_space<vmem>>, vector<1000x128xf32>
    tpu.vector_store %arg4[%swap3A, %swap3A_20], %max3A_19 {strides = array<i32>} : memref<1000x128xf32, #tpu.memory_space<vmem>>, vector<1000x128xf32>,
    return
  }
  func.func @transform_0(%arg0: i32) -> (i32, i32, i32) {
    %c0_i32 = arith.constant 0 : i32
    %c0_i32_0 = arith.constant 0 : i32
    %c0_i32_1 = arith.constant 0 : i32
    return %c0_i32, %arg0, %c0_i32_0 : i32, i32, i32
  }
  func.func @transform_1(%arg0: i32) -> (i32, i32) {
    %c0_i32 = arith.constant 0 : i32
    %c0_i32_0 = arith.constant 0 : i32
    return %arg0, %c0_i32 : i32, i32
  }
  func.func @transform_2(%arg0: i32) -> (i32, i32) {
    %c0_i32 = arith.constant 0 : i32
    %c0_i32_0 = arith.constant 0 : i32
    %c0_i32_1 = arith.constant 0 : i32
    return %c0_i32, %c0_i32_0 : i32, i32
  }
  func.func @transform_3(%arg0: i32) -> (i32, i32) {
    %c0_i32 = arith.constant 0 : i32
    %c0_i32_0 = arith.constant 0 : i32
    return %arg0, %c0_i32 : i32, i32
  }
}

</mosaic_0001>

<sc_bundles>
// kernel: kernel.6.cloned.1.call-start
scs
__scs_entry_jumppad:
0x0: {  	(pc) =	sbr.rel $0x88, $3  }
0x1: {  	(tag) =	ssettag $0x0;
	lr =	simm.s32 $0x1  }
0x2: {  	[smem:$0x3F9D] =	sst lr;
	_ =	strace $0xD0000000  }
0x3: {  	_ = 	snop  }
0x4: {  	_ = 	snop  }
0x5: {  	_ = 	snop  }
0x6: {  	_ = 	snop  }
0x7: {  	_ = 	snop  }
__scs_overlays_trampoline_lowered:
0x8: {  	[smem:$0x3FAC] =	sst s0  }
0x9: {  	[smem:$0x3FAD] =	sst s1  }
0xa: {  	[smem:$0x3FAE] =	sst s2  }
0xb: {  	[smem:$0x3FAF] =	sst s3  }
0xc: {  	[smem:$0x3FB0] =	sst s4  }
0xd: {  	[smem:$0x3FB1] =	sst s5  }
0xe: {  	[smem:$0x3FB2] =	sst s6  }
0xf: {  	[smem:$0x3FB3] =	sst s7  }
0x10: {  	[smem:$0x3FB4] =	sst s8  }
0x11: {  	[smem:$0x3FB5] =	sst s9;
	s0 =	simm.s32 @!p0 $0x0  }
0x12: {  	s1 =	sld [smem:$0x3F9B];
	s0 =	simm.s32 @p0 $0x1  }
0x13: {  	[smem:$0x3FB6] =	sst s0;
	s0 =	simm.s32 @!p1 $0x0  }
0x14: {  	s2 =	sld [smem:$0x3F9A];
	s0 =	simm.s32 @p1 $0x1  }
0x15: {  	[smem:$0x3FB7] =	sst s0;
	s0 =	simm.s32 @!p2 $0x0  }
0x16: {  	s3 =	sld [smem:$0x3FDB];
	s0 =	simm.s32 @p2 $0x1  }
0x17: {  	s4 =	simm.s32 $0x1BF5;
	[smem:$0x3FB9] =	sst s0  }
0x18: {  	s0 =	sld [smem:$0x3F9C];
	_ =	swait.ge [sflag:s4], $0x0  }
0x19: {  	s7 =	sld [smem:$0x3F9D]  }
0x1a: {  	s8 =	sadd.s32 $0xFFFFE003, lr  }
0x1b: {  	s9 =	sadd.s32 $0xFFFFFEF7, lr;
	s5 =	simm.s32 $0xFFFFFFFF;
	p2 =	slt.u32 s8, $0xFFFFF086  }
0x1c: {  	p1 =	slt.u32 s9, $0xF7A;
	s5 =	simm.s32 @!p2 $0x0  }
0x1d: {  	s5 =	simm.s32 @p1 $0x1;
	p0 =	seq.s32 s7, s2  }
0x1e: {  	s7 =	smul.u32 @!p0 $0xF7A, s2;
	p2 =	seq.s32 @!p0 s5, $0x0  }
0x1f: {  	s9 =	smul.u32 $0xF7A, s1;
	s8 =	simm.s32 @!p0 $0x1BF5;
	p2 =	por !p2, p0  }
0x20: {  	[sflag:s8] =	ssyncset.s32 @!p0 $0xFFFFF086;
	s6 =	sadd.s32 @!p0 s3, s7;
	s7 =	simm.s32 @!p0 $0x108  }
0x21: {  	s3 =	sadd.s32 s3, s9;
	s6 =	sadd.s32 @!p0 $0x88, s6;
	s7 =	simm.s32 @p2 $0x1082  }
0x22: {  	[simem:s7], [sflag:s8] =	dma.local @!p0 [hbm:s6], $0xF7A  }
0x23: {  	s9 =	sor.u32 $0xD0000000, s2;
	s6 =	simm.s32 $0x108;
	_ =	swait.ge @!p0 [sflag:s8], $0x0  }
0x24: {  	s3 =	sadd.s32 $0x88, s3;
	s6 =	simm.s32 @!p1 $0x1082;
	[sflag:s4] =	ssyncset.s32 $0xFFFFF086  }
0x25: {  	[simem:s6], [sflag:s4] =	dma.local [hbm:s3], $0xF7A  }
0x26: {  	[smem:$0x3F9D] =	sst s1;
	(tag) =	ssettag s2;
	_ =	strace s9  }
0x27: {  	s1 =	sld [smem:$0x3FAD]  }
0x28: {  	s2 =	sld [smem:$0x3FAE]  }
0x29: {  	s4 =	sld [smem:$0x3FB0]  }
0x2a: {  	p0 =	seq.s32 s5, $0x0;
	s5 =	sld [smem:$0x3FB1]  }
0x2b: {  	s6 =	sld [smem:$0x3FB2]  }
0x2c: {  	s7 =	sld [smem:$0x3FB3]  }
0x2d: {  	s3 =	simm.s32 $0x108;
	s8 =	sld [smem:$0x3FB4]  }
0x2e: {  	s3 =	simm.s32 @!p0 $0x1082;
	s9 =	sld [smem:$0x3FB5]  }
0x2f: {  	lr =	sadd.s32 s0, s3;
	s0 =	sld [smem:$0x3FAC]  }
0x30: {  	s3 =	sld [smem:$0x3FAF]  }
0x31: {  	[smem:$0x3FB8] =	sst s10  }
0x32: {  	s10 =	sld [smem:$0x3FB6];
	_ =	sdelay $0x3  }
0x33: {  	p0 =	seq.s32 s10, $0x1;
	s10 =	sld [smem:$0x3FB8];
	_ =	sdelay $0x3  }
0x34: {  	[smem:$0x3FB8] =	sst s10  }
0x35: {  	s10 =	sld [smem:$0x3FB7];
	_ =	sdelay $0x3  }
0x36: {  	p1 =	seq.s32 s10, $0x1;
	s10 =	sld [smem:$0x3FB8];
	_ =	sdelay $0x3  }
0x37: {  	[smem:$0x3FB8] =	sst s10  }
0x38: {  	s10 =	sld [smem:$0x3FB9]  }
0x39: {  	_ = 	snop;
	(pc) =	sbr.ind lr, $3  }
0x3a: {  	_ = 	snop  }
0x3b: {  	_ = 	snop  }
0x3c: {  	p2 =	seq.s32 s10, $0x1;
	s10 =	sld [smem:$0x3FB8]  }
0x3d: {  	_ =	shalt  }
0x3e: {  	_ =	shalt  }
0x3f: {  	_ =	shalt  }
0x40: {  	_ =	shalt  }
0x41: {  	_ =	shalt  }
0x42: {  	_ =	shalt  }
0x43: {  	_ =	shalt  }
0x44: {  	_ =	shalt  }
0x45: {  	_ =	shalt  }
0x46: {  	_ =	shalt  }
0x47: {  	_ =	shalt  }
0x48: {  	_ =	shalt  }
0x49: {  	_ =	shalt  }
0x4a: {  	_ =	shalt  }
0x4b: {  	_ =	shalt  }
0x4c: {  	_ =	shalt  }
0x4d: {  	_ =	shalt  }
0x4e: {  	_ =	shalt  }
0x4f: {  	_ =	shalt  }
0x50: {  	_ =	shalt  }
0x51: {  	_ =	shalt  }
0x52: {  	_ =	shalt  }
0x53: {  	_ =	shalt  }
0x54: {  	_ =	shalt  }
0x55: {  	_ =	shalt  }
0x56: {  	_ =	shalt  }
0x57: {  	_ =	shalt  }
0x58: {  	_ =	shalt  }
0x59: {  	_ =	shalt  }
0x5a: {  	_ =	shalt  }
0x5b: {  	_ =	shalt  }
0x5c: {  	_ =	shalt  }
0x5d: {  	_ =	shalt  }
0x5e: {  	_ =	shalt  }
0x5f: {  	_ =	shalt  }
0x60: {  	_ =	shalt  }
0x61: {  	_ =	shalt  }
0x62: {  	_ =	shalt  }
0x63: {  	_ =	shalt  }
0x64: {  	_ =	shalt  }
0x65: {  	_ =	shalt  }
0x66: {  	_ =	shalt  }
0x67: {  	_ =	shalt  }
0x68: {  	_ =	shalt  }
0x69: {  	_ =	shalt  }
0x6a: {  	_ =	shalt  }
0x6b: {  	_ =	shalt  }
0x6c: {  	_ =	shalt  }
0x6d: {  	_ =	shalt  }
0x6e: {  	_ =	shalt  }
0x6f: {  	_ =	shalt  }
0x70: {  	_ =	shalt  }
0x71: {  	_ =	shalt  }
0x72: {  	_ =	shalt  }
0x73: {  	_ =	shalt  }
0x74: {  	_ =	shalt  }
0x75: {  	_ =	shalt  }
0x76: {  	_ =	shalt  }
0x77: {  	_ =	shalt  }
0x78: {  	_ =	shalt  }
0x79: {  	_ =	shalt  }
0x7a: {  	_ =	shalt  }
0x7b: {  	_ =	shalt  }
0x7c: {  	_ =	shalt  }
0x7d: {  	_ =	shalt  }
0x7e: {  	_ =	shalt  }
0x7f: {  	_ =	shalt  }
0x80: {  	_ =	shalt  }
0x81: {  	_ =	shalt  }
0x82: {  	_ =	shalt  }
0x83: {  	_ =	shalt  }
0x84: {  	_ =	shalt  }
0x85: {  	_ =	shalt  }
0x86: {  	_ =	shalt  }
0x87: {  	_ =	shalt  }
.Lfunc_end0:
.L_simem_size_0:
called_computation_lowered:
.L_overlay_start_0:
0x88: {  	s2 =	sld [smem:$0x3FD9]  }
0x89: {  	s3 =	sld [smem:$0x3FFE];
	_ =	sdelay $0x1  }
0x8a: {  	s1 =	srdreg.scid  }
0x8b: {  	s0 =	sand.u32 $0x1, s1  }
0x8c: {  	s16 =	sshll.u32 s0, $0xA;
	s2 =	sadd.s32 s3, s2  }
0x8d: {  	s2 =	sadd.s32 s2, s16  }
0x8e: {  	[smem:$0x3FC4] =	sst s2  }
0x8f: {  	_ = 	snop  }
0x90: {  	(tm) =	ssettm $0x1  }
0x91: {  	s17 =	sld [smem:$0x3FFB];
	_ =	sdelay $0x3  }
0x92: {  	_ =	strace s17  }
0x93: {  	s2 =	sld [smem:$0x3FFC];
	_ =	sdelay $0x3  }
0x94: {  	_ =	strace s2  }
0x95: {  	s2 =	sld [smem:$0x3FFD];
	_ =	sdelay $0x3  }
0x96: {  	_ =	strace s2  }
0x97: {  	_ =	strace $0x8FFFFFFF  }
0x98: {  	s18 =	sld [smem:$0x3FDB];
	_ =	sdelay $0x1  }
0x99: {  	s19 =	simm.s32 $_scs_section_size  }
0x9a: {  	s4 =	simm.s32 $_size__tile_overlayer_lowered;
	s5 =	simm.s32 $_tile_overlayer_lowered  }
0x9b: {  	s22 =	simm.s32 $0x1BFF;
	s21 =	sshll.u32 s5, $0x1;
	s2 =	sadd.s32 s19, s18  }
0x9c: {  	s6 =	simm.s32 $0x0;
	s20 =	sshll.u32 s4, $0x1;
	s4 =	sadd.s32 s21, s2  }
0x9d: {  	[timem:s6], [sflag:s22] =	dma.local [hbm:s4], s20  }
0x9e: {  	_ =	swait.ge [sflag:s22], s20  }
0x9f: {  	s3 =	ssub.s32 $0x0, s20;
	[sflag:s22] =	ssyncset.done $0x0  }
0xa0: {  	[sflag:s22] =	ssyncadd.s32 s3;
	_ =	sdelay $0x1  }
0xa1: {  	s23 =	simm.s32 $0x1B8B  }
0xa2: {  	_ =	swait.ge [sflag:s23], $0x1  }
0xa3: {  	[sflag:s23] =	ssyncset.done $0x0  }
0xa4: {  	s25 =	simm.s32 $0x1B8E;
	s24 =	sld [smem:$0x3FFE];
	[sflag:s23] =	ssyncadd.s32 $0xFFFFFFFF  }
0xa5: {  	s26 =	simm.s32 $execute0_lowered;
	[smem:$0x3FD2] =	sst s25  }
0xa6: {  	s4 =	sshll.u32 s26, $0x1;
	_ =	strace $0x80000046;
	[dreg:$0x1] =	wrdreg $0xFFFFFFFF  }
0xa7: {  	s28 =	simm.s32 $_size_execute0_lowered;
	s2 =	sadd.s32 s2, s4;
	[dreg:$0x0] =	wrdreg $0x0  }
0xa8: {  	s4 =	sshll.u32 s28, $0x1;
	[dreg:$0x2] =	wrdreg s2  }
0xa9: {  	[dreg:$0x3] =	wrdreg s4  }
0xaa: {  	[dreg:$0x4] =	wrdreg $0xC0  }
0xab: {  	_ =	task [dreg:s6], $0x5FFFF  }
0xac: {  	[dreg:$0x1] =	wrdreg $0xFFFFFFFF  }
0xad: {  	[dreg:$0x0] =	wrdreg $0x60  }
0xae: {  	[dreg:$0x2] =	wrdreg s24  }
0xaf: {  	[dreg:$0x3] =	wrdreg $0x1A8100  }
0xb0: {  	[dreg:$0x4] =	wrdreg $0x9  }
0xb1: {  	_ =	task.clear_ibuf [dreg:s6], $0x5FFFF;
	_ =	strace $0x90000046  }
0xb2: {  	s29 =	simm.s32 $0x9;
	_ =	strace $0x80000048  }
0xb3: {  	_ =	swait.ge [sflag:s29], $0x1  }
0xb4: {  	[sflag:s29] =	ssyncadd.s32 $0xFFFFFFFF  }
0xb5: {  	_ =	strace $0x90000048  }
0xb6: {  	_ =	sfence  }
0xb7: {  	s30 =	sld [smem:$0x0];
	_ =	sdelay $0x2  }
0xb8: {  	s31 =	sshll.u32 s1, $0xD;
	s1 =	sshrl.u32 s1, $0x2  }
0xb9: {  	s3 =	sand.u32 $0x4000, s31;
	s1 =	sadd.s32 s1, s30  }
0xba: {  	s0 =	sor.u32 s3, s0;
	s1 =	sshll.u32 s1, $0x11  }
0xbb: {  	s0 =	sor.u32 s1, s0  }
0xbc: {  	s0 =	sadd.s32 $0x8F2B, s0  }
0xbd: {  	[sflag:s0] =	ssyncadd.remote.s32 $0x1  }
0xbe: {  	_ =	sfence.sel $0xFFFF  }
0xbf: {  	[dreg:$0x0] =	wrdreg $0xFFFFFFFF;
	(pc) =	sbr.abs _section_cstart, $3  }
0xc0: {  	[dreg:$0x1] =	wrdreg $0xFFFFFFFF  }
0xc1: {  	_ =	task.clear_ibuf [dreg:s6], $0x2FFFF;
	_ =	strace $0x9FFFFFFF  }
0xc2: {  	(tm) =	ssettm $0x7FFFFFFF  }
0xc3: {  	_ =	shalt  }
tec
execute0_lowered:
.L_overlay_start_1:
0x0: {  	(tag) =	ssettag $0x1  }
0x1: {  	s1 =	srdreg.scid  }
0x2: {  	s0 =	stileid.u32;
	s4 =	rddreg [dreg:$0x0]  }
0x3: {  	s5 =	rddreg [dreg:$0x1];
	s2 =	simm.s32 $0x0;
	s13 =	simm.s32 $0x1  }
0x4: {  	s14 =	simm.s32 $0x2710;
	s15 =	simm.s32 $0x16710;
	s16 =	simm.s32 $0x140  }
0x5: {  	s17 =	simm.s32 $0x5000;
	s18 =	simm.s32 $0x18F10;
	s19 =	simm.s32 $0x1A310  }
0x6: {  	s20 =	simm.s32 $0x0;
	s3 =	sand.u32 $0x1, s1;
	s7 =	smul.u32 $0x500, s0  }
0x7: {  	s30 =	sshll.u32 s0, $0x1;
	[smem:$0x7FF] =	sst s2;
	s9 =	smul.u32 $0x14000, s0  }
0x8: {  	s1 =	sor.u32 s3, s30;
	s8 =	smul.u32 $0x5000, s3;
	s3 =	ssub.s32 $0x2, s3  }
0x9: {  	s6 =	smul.u32 $0x2710, s1;
	s1 =	rddreg [dreg:$0x2];
	_ =	strace $0x80000047  }
0xa: {  	s10 =	sshrl.u32 s3, $0x1;
	s31 =	sshrl.u32 s9, $0x2;
	s8 =	sadd.s32 s7, s8  }
0xb: {  	s12 =	ssub.s32 s3, s10;
	s6 =	sshrl.u32 s6, $0x3;
	s8 =	sshrl.u32 s8, $0x3  }
0xc: {  	s12 =	smax.u32 s12, $0x1;
	s6 =	sadd.s32 s6, s4;
	s11 =	sadd.s32 s8, s4  }
0xd: {  	v1 =	vlaneseq.u32;
	s4 =	sadd.s32 s31, s5;
	s5 =	sadd.s32 s7, s5;
	s3 =	sadd.s32 $0x1400, s6  }
0xe: {  	v0 =	vimm.f32 $0.0e+00;
	v1 =	vand.u32 $0x7, v1;
	s6 =	sadd.s32 $0xB040, s6;
	s7 =	sadd.s32 $0x2800, s4;
	s8 =	sadd.s32 $0x140, s5  }
0xf: {  	v2 =	vimm.f32 $1.000000000e+00;
	vm0 =	vcmask $0x3F20;
	v1 =	vmul.u32 $0x2800, v1;
	s9 =	sadd.s32 $0x280, s5;
	s10 =	sadd.s32 $0x3C0, s5;
	s11 =	sadd.s32 $0x14E00, s11  }
.LBB2_1:
0x10: {  	[tilespmem:s2], [sflag:$0x1] =	stream.linear.gather [hbm4b:s3+s2], $0x2710, $0x38;
	[tilespmem:$0x1F810] =	vst v63  }
0x11: {  	_ =	swait.ge [sflag:s13], $0x2710  }
0x12: {  	[sflag:s13] =	ssyncset.done $0x0  }
0x13: {  	s21 =	simm.s32 $0x0;
	s22 =	simm.s32 $0x40;
	[sflag:s13] =	ssyncadd.s32 $0xFFFFD8F0  }
.LBB2_2:
0x14: {  	p0 =	sne.s32 s22, $0x9FC0;
	[tilespmem:s21+$0x13F10] =	vst v0  }
0x15: {  	[tilespmem:s21+$0x2710] =	vst v0  }
0x16: {  	[tilespmem:s21+$0x4F10] =	vst v0  }
.Ltmp0:
0x17: {  	[tilespmem:s21+$0x7710] =	vst v0;
	(pc) =	sbr.rel @p0 .LBB2_2-.Ltmp0, $4  }
0x18: {  	[tilespmem:s21+$0x9F10] =	vst v0  }
0x19: {  	[tilespmem:s21+$0xC710] =	vst v0  }
0x1a: {  	[tilespmem:s21+$0xEF10] =	vst v0  }
0x1b: {  	[tilespmem:s21+$0x11710] =	vst v0;
	s21 =	sshra.s32 s22, $0x2;
	s22 =	sadd.s32 $0x40, s22  }
0x1c: {  	[tilespmem:s21+$0x13F10] =	vst v0  }
0x1d: {  	[tilespmem:s21+$0x2710] =	vst v0  }
0x1e: {  	[tilespmem:s21+$0x4F10] =	vst v0  }
0x1f: {  	[tilespmem:s21+$0x7710] =	vst v0  }
0x20: {  	[tilespmem:s21+$0x9F10] =	vst v0  }
0x21: {  	[tilespmem:s21+$0xC710] =	vst v0  }
0x22: {  	[tilespmem:s21+$0xEF10] =	vst v0  }
0x23: {  	s22 =	simm.s32 $0x0;
	[tilespmem:s21+$0x11710] =	vst v0  }
.LBB2_4:
0x24: {  	s21 =	sshra.s32 s22, $0x2  }
0x25: {  	v3 =	vld [tilespmem:s21+$0x0];
	_ =	sdelay $0x4  }
0x26: {  	v3 =	vadd.s32 v1, v3;
	_ =	sdelay $0x4  }
0x27: {  	[tilespmem:v3+s14+$0x0] =	vst.idx.add.f32.msk $0xff, v2  }
0x28: {  	[tilespmem:v3+s14+$0x0] =	vst.idx.add.f32.msk vm0, v2  }
0x29: {  	v3 =	vld [tilespmem:s21+$0x10];
	_ =	sdelay $0x4  }
0x2a: {  	v3 =	vadd.s32 v1, v3;
	_ =	sdelay $0x4  }
0x2b: {  	[tilespmem:v3+s14+$0x0] =	vst.idx.add.f32.msk $0xff, v2  }
0x2c: {  	[tilespmem:v3+s14+$0x0] =	vst.idx.add.f32.msk vm0, v2  }
0x2d: {  	v3 =	vld [tilespmem:s21+$0x20];
	_ =	sdelay $0x4  }
0x2e: {  	v3 =	vadd.s32 v1, v3;
	_ =	sdelay $0x4  }
0x2f: {  	[tilespmem:v3+s14+$0x0] =	vst.idx.add.f32.msk $0xff, v2  }
0x30: {  	[tilespmem:v3+s14+$0x0] =	vst.idx.add.f32.msk vm0, v2  }
0x31: {  	v3 =	vld [tilespmem:s21+$0x30];
	_ =	sdelay $0x4  }
0x32: {  	v3 =	vadd.s32 v1, v3;
	_ =	sdelay $0x4  }
0x33: {  	[tilespmem:v3+s14+$0x0] =	vst.idx.add.f32.msk $0xff, v2  }
0x34: {  	[tilespmem:v3+s14+$0x0] =	vst.idx.add.f32.msk vm0, v2  }
0x35: {  	v3 =	vld [tilespmem:s21+$0x40];
	_ =	sdelay $0x4  }
0x36: {  	v3 =	vadd.s32 v1, v3  }
0x37: {  	p0 =	sne.s32 s22, $0x9B00  }
.Ltmp1:
0x38: {  	_ = 	snop;
	(pc) =	sbr.rel @p0 .LBB2_4-.Ltmp1, $3  }
0x39: {  	_ =	sdelay $0x1  }
0x3a: {  	[tilespmem:v3+s14+$0x0] =	vst.idx.add.f32.msk $0xff, v2  }
0x3b: {  	s22 =	sadd.s32 $0x140, s22;
	[tilespmem:v3+s14+$0x0] =	vst.idx.add.f32.msk vm0, v2  }
0x3c: {  	s22 =	simm.s32 $0x0  }
0x3d: {  	v3 =	vld [tilespmem:s22+$0x2710]  }
0x3e: {  	v4 =	vld [tilespmem:s22+$0x4F10];
	_ =	sdelay $0x1  }
0x3f: {  	v5 =	vld [tilespmem:s22+$0x7710];
	_ =	sdelay $0x1  }
0x40: {  	v6 =	vld [tilespmem:s22+$0x9F10]  }
0x41: {  	v7 =	vld [tilespmem:s22+$0xEF10];
	v3 =	vadd.f32 v4, v3  }
0x42: {  	s21 =	simm.s32 $0x10;
	v4 =	vld [tilespmem:s22+$0xC710]  }
0x43: {  	v8 =	vld [tilespmem:s21+$0x2710];
	v3 =	vadd.f32 v5, v3  }
0x44: {  	v9 =	vld [tilespmem:s21+$0x4F10]  }
0x45: {  	v10 =	vld [tilespmem:s22+$0x11710];
	v3 =	vadd.f32 v6, v3  }
0x46: {  	v11 =	vld [tilespmem:s21+$0x7710]  }
0x47: {  	v5 =	vld [tilespmem:s22+$0x13F10];
	v6 =	vadd.f32 v4, v3  }
0x48: {  	v4 =	vld [tilespmem:s21+$0x9F10]  }
0x49: {  	v8 =	vadd.f32 v9, v8;
	v3 =	vld [tilespmem:s21+$0xEF10];
	v9 =	vadd.f32 v7, v6  }
0x4a: {  	s23 =	simm.s32 $0x20;
	v6 =	vld [tilespmem:s21+$0xC710]  }
0x4b: {  	s24 =	simm.s32 $0xC0;
	v8 =	vadd.f32 v11, v8;
	v7 =	vld [tilespmem:s23+$0x2710];
	v9 =	vadd.f32 v10, v9  }
.LBB2_6:
0x4c: {  	p0 =	sne.s32 s24, $0x9FC0;
	v10 =	vld [tilespmem:s23+$0x4F10]  }
0x4d: {  	v4 =	vadd.f32 v4, v8;
	v11 =	vld [tilespmem:s21+$0x11710];
	v8 =	vadd.f32 v5, v9  }
0x4e: {  	v9 =	vld [tilespmem:s23+$0x7710]  }
.Ltmp2:
0x4f: {  	v6 =	vadd.f32 v6, v4;
	v5 =	vld [tilespmem:s21+$0x13F10];
	[tilespmem:s22+$0x16710] =	vst v8;
	s22 =	smov.u32 s21;
	s21 =	smov.u32 s23;
	(pc) =	sbr.rel @p0 .LBB2_6-.Ltmp2, $4  }
0x50: {  	v4 =	vld [tilespmem:s21+$0x9F10]  }
0x51: {  	v8 =	vadd.f32 v10, v7;
	v10 =	vadd.f32 v3, v6;
	v3 =	vld [tilespmem:s21+$0xEF10]  }
0x52: {  	s23 =	sshra.s32 s24, $0x2;
	v6 =	vld [tilespmem:s21+$0xC710]  }
0x53: {  	s24 =	sadd.s32 $0x40, s24;
	v7 =	vld [tilespmem:s23+$0x2710];
	v8 =	vadd.f32 v9, v8;
	v9 =	vadd.f32 v11, v10  }
0x54: {  	v10 =	vld [tilespmem:s23+$0x4F10]  }
0x55: {  	v11 =	vld [tilespmem:s21+$0x11710];
	v5 =	vadd.f32 v5, v9  }
0x56: {  	v59 =	vld [tilespmem:s23+$0x7710]  }
0x57: {  	v12 =	vld [tilespmem:s21+$0x13F10];
	[tilespmem:s22+$0x16710] =	vst v5  }
0x58: {  	v5 =	vld [tilespmem:s23+$0x9F10]  }
0x59: {  	v7 =	vadd.f32 v10, v7  }
0x5a: {  	v60 =	vld [tilespmem:s23+$0xC710]  }
0x5b: {  	v7 =	vadd.f32 v59, v7  }
0x5c: {  	v4 =	vadd.f32 v4, v8;
	v61 =	vld [tilespmem:s23+$0xEF10]  }
0x5d: {  	v5 =	vadd.f32 v5, v7  }
0x5e: {  	v4 =	vadd.f32 v6, v4;
	v62 =	vld [tilespmem:s23+$0x11710]  }
0x5f: {  	v5 =	vadd.f32 v60, v5  }
0x60: {  	v63 =	vld [tilespmem:s23+$0x13F10];
	v3 =	vadd.f32 v3, v4  }
0x61: {  	v5 =	vadd.f32 v61, v5  }
0x62: {  	v3 =	vadd.f32 v11, v3  }
0x63: {  	v5 =	vadd.f32 v62, v5  }
0x64: {  	v3 =	vadd.f32 v12, v3  }
0x65: {  	v4 =	vadd.f32 v63, v5  }
0x66: {  	[tilespmem:s21+$0x16710] =	vst v3  }
0x67: {  	[tilespmem:s23+$0x16710] =	vst v4  }
0x68: {  	[spmem:s4] =	stream.linear.scatter [tilespmem:s15], [sflag:$0x1], $0x2800, $0x38;
	[tilespmem:$0x1F810] =	vst v63  }
0x69: {  	_ =	swait.ge [sflag:s13], $0x2800  }
0x6a: {  	[sflag:s13] =	ssyncset.done $0x0  }
0x6b: {  	s21 =	simm.s32 $0x0;
	[sflag:s13] =	ssyncadd.s32 $0xFFFFD800  }
0x6c: {  	[tilespmem:s21], [sflag:$0x1] =	stream.linear.gather [hbm4b:s6+s21], $0x2710, $0x38;
	[tilespmem:$0x1F810] =	vst v63  }
0x6d: {  	_ =	swait.ge [sflag:s13], $0x2710  }
0x6e: {  	[sflag:s13] =	ssyncset.done $0x0  }
0x6f: {  	s22 =	simm.s32 $0x0;
	s23 =	simm.s32 $0x40;
	[sflag:s13] =	ssyncadd.s32 $0xFFFFD8F0  }
.LBB2_8:
0x70: {  	p0 =	sne.s32 s23, $0x9FC0;
	[tilespmem:s22+$0x13F10] =	vst v0  }
0x71: {  	[tilespmem:s22+$0x2710] =	vst v0  }
0x72: {  	[tilespmem:s22+$0x4F10] =	vst v0  }
.Ltmp3:
0x73: {  	[tilespmem:s22+$0x7710] =	vst v0;
	(pc) =	sbr.rel @p0 .LBB2_8-.Ltmp3, $4  }
0x74: {  	[tilespmem:s22+$0x9F10] =	vst v0  }
0x75: {  	[tilespmem:s22+$0xC710] =	vst v0  }
0x76: {  	[tilespmem:s22+$0xEF10] =	vst v0  }
0x77: {  	[tilespmem:s22+$0x11710] =	vst v0;
	s22 =	sshra.s32 s23, $0x2;
	s23 =	sadd.s32 $0x40, s23  }
0x78: {  	[tilespmem:s22+$0x13F10] =	vst v0  }
0x79: {  	[tilespmem:s22+$0x2710] =	vst v0  }
0x7a: {  	[tilespmem:s22+$0x4F10] =	vst v0  }
0x7b: {  	[tilespmem:s22+$0x7710] =	vst v0  }
0x7c: {  	[tilespmem:s22+$0x9F10] =	vst v0  }
0x7d: {  	[tilespmem:s22+$0xC710] =	vst v0  }
0x7e: {  	[tilespmem:s22+$0xEF10] =	vst v0  }
0x7f: {  	[tilespmem:s22+$0x11710] =	vst v0  }
.LBB2_10:
0x80: {  	s22 =	sshra.s32 s21, $0x2  }
0x81: {  	v3 =	vld [tilespmem:s22+$0x0];
	_ =	sdelay $0x4  }
0x82: {  	v3 =	vadd.s32 v1, v3;
	_ =	sdelay $0x4  }
0x83: {  	[tilespmem:v3+s14+$0x0] =	vst.idx.add.f32.msk $0xff, v2  }
0x84: {  	[tilespmem:v3+s14+$0x0] =	vst.idx.add.f32.msk vm0, v2  }
0x85: {  	v3 =	vld [tilespmem:s22+$0x10];
	_ =	sdelay $0x4  }
0x86: {  	v3 =	vadd.s32 v1, v3;
	_ =	sdelay $0x4  }
0x87: {  	[tilespmem:v3+s14+$0x0] =	vst.idx.add.f32.msk $0xff, v2  }
0x88: {  	[tilespmem:v3+s14+$0x0] =	vst.idx.add.f32.msk vm0, v2  }
0x89: {  	v3 =	vld [tilespmem:s22+$0x20];
	_ =	sdelay $0x4  }
0x8a: {  	v3 =	vadd.s32 v1, v3;
	_ =	sdelay $0x4  }
0x8b: {  	[tilespmem:v3+s14+$0x0] =	vst.idx.add.f32.msk $0xff, v2  }
0x8c: {  	[tilespmem:v3+s14+$0x0] =	vst.idx.add.f32.msk vm0, v2  }
0x8d: {  	v3 =	vld [tilespmem:s22+$0x30];
	_ =	sdelay $0x4  }
0x8e: {  	v3 =	vadd.s32 v1, v3;
	_ =	sdelay $0x4  }
0x8f: {  	[tilespmem:v3+s14+$0x0] =	vst.idx.add.f32.msk $0xff, v2  }
0x90: {  	[tilespmem:v3+s14+$0x0] =	vst.idx.add.f32.msk vm0, v2  }
0x91: {  	v3 =	vld [tilespmem:s22+$0x40];
	_ =	sdelay $0x4  }
0x92: {  	v3 =	vadd.s32 v1, v3  }
0x93: {  	p0 =	sne.s32 s21, $0x9B00  }
.Ltmp4:
0x94: {  	_ = 	snop;
	(pc) =	sbr.rel @p0 .LBB2_10-.Ltmp4, $3  }
0x95: {  	_ =	sdelay $0x1  }
0x96: {  	[tilespmem:v3+s14+$0x0] =	vst.idx.add.f32.msk $0xff, v2  }
0x97: {  	s21 =	sadd.s32 $0x140, s21;
	[tilespmem:v3+s14+$0x0] =	vst.idx.add.f32.msk vm0, v2  }
0x98: {  	s22 =	simm.s32 $0x0  }
0x99: {  	v3 =	vld [tilespmem:s22+$0x2710]  }
0x9a: {  	v4 =	vld [tilespmem:s22+$0x4F10];
	_ =	sdelay $0x1  }
0x9b: {  	v5 =	vld [tilespmem:s22+$0x7710];
	_ =	sdelay $0x1  }
0x9c: {  	v6 =	vld [tilespmem:s22+$0x9F10]  }
0x9d: {  	v7 =	vld [tilespmem:s22+$0xEF10];
	v3 =	vadd.f32 v4, v3  }
0x9e: {  	s21 =	simm.s32 $0x10;
	v4 =	vld [tilespmem:s22+$0xC710]  }
0x9f: {  	v8 =	vld [tilespmem:s21+$0x2710];
	v3 =	vadd.f32 v5, v3  }
0xa0: {  	v9 =	vld [tilespmem:s21+$0x4F10]  }
0xa1: {  	v10 =	vld [tilespmem:s22+$0x11710];
	v3 =	vadd.f32 v6, v3  }
0xa2: {  	v11 =	vld [tilespmem:s21+$0x7710]  }
0xa3: {  	v5 =	vld [tilespmem:s22+$0x13F10];
	v6 =	vadd.f32 v4, v3  }
0xa4: {  	v4 =	vld [tilespmem:s21+$0x9F10]  }
0xa5: {  	v8 =	vadd.f32 v9, v8;
	v3 =	vld [tilespmem:s21+$0xEF10];
	v9 =	vadd.f32 v7, v6  }
0xa6: {  	s23 =	simm.s32 $0x20;
	v6 =	vld [tilespmem:s21+$0xC710]  }
0xa7: {  	s24 =	simm.s32 $0xC0;
	v8 =	vadd.f32 v11, v8;
	v7 =	vld [tilespmem:s23+$0x2710];
	v9 =	vadd.f32 v10, v9  }
.LBB2_12:
0xa8: {  	p0 =	sne.s32 s24, $0x9FC0;
	v10 =	vld [tilespmem:s23+$0x4F10]  }
0xa9: {  	v4 =	vadd.f32 v4, v8;
	v11 =	vld [tilespmem:s21+$0x11710];
	v8 =	vadd.f32 v5, v9  }
0xaa: {  	v9 =	vld [tilespmem:s23+$0x7710]  }
.Ltmp5:
0xab: {  	v6 =	vadd.f32 v6, v4;
	v5 =	vld [tilespmem:s21+$0x13F10];
	[tilespmem:s22+$0x16710] =	vst v8;
	s22 =	smov.u32 s21;
	s21 =	smov.u32 s23;
	(pc) =	sbr.rel @p0 .LBB2_12-.Ltmp5, $4  }
0xac: {  	v4 =	vld [tilespmem:s21+$0x9F10]  }
0xad: {  	v8 =	vadd.f32 v10, v7;
	v10 =	vadd.f32 v3, v6;
	v3 =	vld [tilespmem:s21+$0xEF10]  }
0xae: {  	s23 =	sshra.s32 s24, $0x2;
	v6 =	vld [tilespmem:s21+$0xC710]  }
0xaf: {  	s24 =	sadd.s32 $0x40, s24;
	v7 =	vld [tilespmem:s23+$0x2710];
	v8 =	vadd.f32 v9, v8;
	v9 =	vadd.f32 v11, v10  }
0xb0: {  	v10 =	vld [tilespmem:s23+$0x4F10]  }
0xb1: {  	v11 =	vld [tilespmem:s21+$0x11710];
	v5 =	vadd.f32 v5, v9  }
0xb2: {  	v9 =	vld [tilespmem:s23+$0x7710]  }
0xb3: {  	v12 =	vld [tilespmem:s21+$0x13F10];
	[tilespmem:s22+$0x16710] =	vst v5  }
0xb4: {  	v5 =	vld [tilespmem:s23+$0x9F10]  }
0xb5: {  	v7 =	vadd.f32 v10, v7  }
0xb6: {  	v10 =	vld [tilespmem:s23+$0xC710]  }
0xb7: {  	v7 =	vadd.f32 v9, v7  }
0xb8: {  	v4 =	vadd.f32 v4, v8;
	v8 =	vld [tilespmem:s23+$0xEF10]  }
0xb9: {  	v5 =	vadd.f32 v5, v7  }
0xba: {  	v4 =	vadd.f32 v6, v4;
	v6 =	vld [tilespmem:s23+$0x11710]  }
0xbb: {  	v5 =	vadd.f32 v10, v5  }
0xbc: {  	v3 =	vadd.f32 v3, v4;
	v4 =	vld [tilespmem:s23+$0x13F10]  }
0xbd: {  	v5 =	vadd.f32 v8, v5  }
0xbe: {  	v3 =	vadd.f32 v11, v3  }
0xbf: {  	v5 =	vadd.f32 v6, v5  }
0xc0: {  	v3 =	vadd.f32 v12, v3  }
0xc1: {  	v4 =	vadd.f32 v4, v5  }
0xc2: {  	[tilespmem:s21+$0x16710] =	vst v3  }
0xc3: {  	[tilespmem:s23+$0x16710] =	vst v4  }
0xc4: {  	[spmem:s7] =	stream.linear.scatter [tilespmem:s15], [sflag:$0x1], $0x2800, $0x38;
	[tilespmem:$0x1F810] =	vst v63  }
0xc5: {  	_ =	swait.ge [sflag:s13], $0x2800  }
0xc6: {  	[sflag:s13] =	ssyncset.done $0x0  }
0xc7: {  	[sflag:s13] =	ssyncadd.s32 $0xFFFFD800  }
0xc8: {  	[bflag:$0x0] =	sbarrier.arrive $0xFFFF  }
0xc9: {  	[tilespmem:s18], [sflag:$0x1] =	stream.strided.gather [spmem:s5], $0x1400, s17, s16, $0x38;
	[tilespmem:$0x1F810] =	vst v63  }
0xca: {  	_ =	swait.ge [sflag:s13], $0x1400  }
0xcb: {  	[sflag:s13] =	ssyncset.done $0x0  }
0xcc: {  	s22 =	simm.s32 $0x0;
	[sflag:s13] =	ssyncadd.s32 $0xFFFFEC00  }
0xcd: {  	v3 =	vld [tilespmem:s22+$0x18F10]  }
0xce: {  	v4 =	vld [tilespmem:s22+$0x19050];
	_ =	sdelay $0x1  }
0xcf: {  	v5 =	vld [tilespmem:s22+$0x19190];
	_ =	sdelay $0x1  }
0xd0: {  	v6 =	vld [tilespmem:s22+$0x192D0]  }
0xd1: {  	v3 =	vadd.f32 v4, v3  }
0xd2: {  	v4 =	vld [tilespmem:s22+$0x19410]  }
0xd3: {  	v3 =	vadd.f32 v5, v3  }
0xd4: {  	v5 =	vld [tilespmem:s22+$0x19550]  }
0xd5: {  	v3 =	vadd.f32 v6, v3  }
0xd6: {  	v6 =	vld [tilespmem:s22+$0x19690]  }
0xd7: {  	v3 =	vadd.f32 v4, v3  }
0xd8: {  	v4 =	vld [tilespmem:s22+$0x197D0]  }
0xd9: {  	s21 =	simm.s32 $0x10;
	v7 =	vld [tilespmem:s22+$0x19910];
	v3 =	vadd.f32 v5, v3  }
0xda: {  	v8 =	vld [tilespmem:s21+$0x18F10]  }
0xdb: {  	v5 =	vld [tilespmem:s22+$0x19A50];
	v3 =	vadd.f32 v6, v3  }
0xdc: {  	v6 =	vld [tilespmem:s21+$0x19050]  }
0xdd: {  	v9 =	vld [tilespmem:s21+$0x19190];
	v3 =	vadd.f32 v4, v3  }
0xde: {  	v4 =	vld [tilespmem:s22+$0x19B90]  }
0xdf: {  	v10 =	vld [tilespmem:s21+$0x192D0];
	v3 =	vadd.f32 v7, v3  }
0xe0: {  	v7 =	vld [tilespmem:s22+$0x19CD0]  }
0xe1: {  	v6 =	vadd.f32 v6, v8;
	v8 =	vld [tilespmem:s21+$0x19410];
	v3 =	vadd.f32 v5, v3  }
0xe2: {  	v5 =	vld [tilespmem:s22+$0x19E10]  }
0xe3: {  	v6 =	vadd.f32 v9, v6;
	v9 =	vld [tilespmem:s21+$0x19550];
	v3 =	vadd.f32 v4, v3  }
0xe4: {  	v4 =	vld [tilespmem:s22+$0x19F50]  }
0xe5: {  	v11 =	vld [tilespmem:s21+$0x19690];
	v6 =	vadd.f32 v10, v6;
	v3 =	vadd.f32 v7, v3  }
0xe6: {  	v10 =	vld [tilespmem:s22+$0x1A090]  }
0xe7: {  	v7 =	vadd.f32 v8, v6;
	v6 =	vld [tilespmem:s21+$0x197D0];
	v8 =	vadd.f32 v5, v3  }
0xe8: {  	v5 =	vld [tilespmem:s22+$0x1A1D0]  }
0xe9: {  	v3 =	vld [tilespmem:s21+$0x19A50];
	v9 =	vadd.f32 v9, v7;
	v63 =	vadd.f32 v4, v8  }
0xea: {  	s23 =	simm.s32 $0x20;
	v7 =	vld [tilespmem:s21+$0x19910]  }
0xeb: {  	s24 =	simm.s32 $0xC0;
	v4 =	vld [tilespmem:s23+$0x18F10];
	v8 =	vadd.f32 v11, v9;
	v9 =	vadd.f32 v10, v63  }
.LBB2_14:
0xec: {  	p0 =	sne.s32 s24, $0x4C0;
	v10 =	vld [tilespmem:s23+$0x19050]  }
0xed: {  	v6 =	vadd.f32 v6, v8;
	v8 =	vld [tilespmem:s21+$0x19B90];
	v5 =	vadd.f32 v5, v9  }
0xee: {  	v9 =	vld [tilespmem:s23+$0x19190]  }
0xef: {  	v6 =	vadd.f32 v7, v6;
	v7 =	vld [tilespmem:s21+$0x19CD0];
	[tilespmem:s22+$0x1A310] =	vst v5;
	s22 =	smov.u32 s21;
	s21 =	smov.u32 s23  }
0xf0: {  	v5 =	vld [tilespmem:s21+$0x192D0]  }
0xf1: {  	v4 =	vadd.f32 v10, v4;
	v3 =	vadd.f32 v3, v6;
	v6 =	vld [tilespmem:s22+$0x19E10]  }
0xf2: {  	v10 =	vld [tilespmem:s21+$0x19410]  }
0xf3: {  	v4 =	vadd.f32 v9, v4;
	v3 =	vadd.f32 v8, v3;
	v8 =	vld [tilespmem:s22+$0x19F50]  }
0xf4: {  	v9 =	vld [tilespmem:s21+$0x19550]  }
0xf5: {  	v4 =	vadd.f32 v5, v4;
	v3 =	vadd.f32 v7, v3;
	v11 =	vld [tilespmem:s22+$0x1A090]  }
0xf6: {  	v12 =	vld [tilespmem:s21+$0x19690]  }
.Ltmp6:
0xf7: {  	v4 =	vadd.f32 v10, v4;
	v7 =	vadd.f32 v6, v3;
	v5 =	vld [tilespmem:s22+$0x1A1D0];
	(pc) =	sbr.rel @p0 .LBB2_14-.Ltmp6, $4  }
0xf8: {  	v6 =	vld [tilespmem:s21+$0x197D0]  }
0xf9: {  	v9 =	vadd.f32 v9, v4;
	v3 =	vld [tilespmem:s21+$0x19A50];
	v10 =	vadd.f32 v8, v7  }
0xfa: {  	s23 =	sshra.s32 s24, $0x2;
	v7 =	vld [tilespmem:s21+$0x19910]  }
0xfb: {  	s24 =	sadd.s32 $0x40, s24;
	v4 =	vld [tilespmem:s23+$0x18F10];
	v8 =	vadd.f32 v12, v9;
	v9 =	vadd.f32 v11, v10  }
0xfc: {  	v10 =	vld [tilespmem:s23+$0x19050]  }
0xfd: {  	v11 =	vld [tilespmem:s21+$0x19B90];
	v5 =	vadd.f32 v5, v9  }
0xfe: {  	v9 =	vld [tilespmem:s23+$0x19190]  }
0xff: {  	v12 =	vld [tilespmem:s21+$0x19CD0];
	v6 =	vadd.f32 v6, v8;
	[tilespmem:s22+$0x1A310] =	vst v5  }
0x100: {  	v5 =	vld [tilespmem:s23+$0x192D0]  }
0x101: {  	v6 =	vadd.f32 v7, v6;
	v4 =	vadd.f32 v10, v4  }
0x102: {  	v7 =	vld [tilespmem:s23+$0x19410]  }
0x103: {  	v8 =	vld [tilespmem:s23+$0x19550];
	v3 =	vadd.f32 v3, v6;
	v4 =	vadd.f32 v9, v4  }
0x104: {  	v6 =	vld [tilespmem:s21+$0x19E10]  }
0x105: {  	v3 =	vadd.f32 v11, v3;
	v9 =	vld [tilespmem:s21+$0x19F50];
	v4 =	vadd.f32 v5, v4  }
0x106: {  	v5 =	vld [tilespmem:s23+$0x19690]  }
0x107: {  	v10 =	vld [tilespmem:s21+$0x1A090];
	v3 =	vadd.f32 v12, v3;
	v4 =	vadd.f32 v7, v4  }
0x108: {  	v7 =	vld [tilespmem:s23+$0x197D0]  }
0x109: {  	v3 =	vadd.f32 v6, v3;
	v6 =	vld [tilespmem:s21+$0x1A1D0];
	v4 =	vadd.f32 v8, v4  }
0x10a: {  	v8 =	vld [tilespmem:s23+$0x19910]  }
0x10b: {  	v3 =	vadd.f32 v9, v3;
	v4 =	vadd.f32 v5, v4  }
0x10c: {  	v5 =	vld [tilespmem:s23+$0x19A50]  }
0x10d: {  	v3 =	vadd.f32 v10, v3;
	v4 =	vadd.f32 v7, v4  }
0x10e: {  	v7 =	vld [tilespmem:s23+$0x19B90]  }
0x10f: {  	v3 =	vadd.f32 v6, v3;
	v4 =	vadd.f32 v8, v4  }
0x110: {  	v6 =	vld [tilespmem:s23+$0x19CD0]  }
0x111: {  	[tilespmem:s21+$0x1A310] =	vst v3;
	v3 =	vadd.f32 v5, v4  }
0x112: {  	v4 =	vld [tilespmem:s23+$0x19E10]  }
0x113: {  	v3 =	vadd.f32 v7, v3  }
0x114: {  	v5 =	vld [tilespmem:s23+$0x19F50]  }
0x115: {  	v3 =	vadd.f32 v6, v3  }
0x116: {  	v6 =	vld [tilespmem:s23+$0x1A090]  }
0x117: {  	v3 =	vadd.f32 v4, v3  }
0x118: {  	v4 =	vld [tilespmem:s23+$0x1A1D0]  }
0x119: {  	v3 =	vadd.f32 v5, v3;
	_ =	sdelay $0x1  }
0x11a: {  	v3 =	vadd.f32 v6, v3;
	_ =	sdelay $0x1  }
0x11b: {  	v3 =	vadd.f32 v4, v3;
	_ =	sdelay $0x1  }
0x11c: {  	[tilespmem:s23+$0x1A310] =	vst v3  }
0x11d: {  	[tilespmem:s18], [sflag:$0x1] =	stream.strided.gather [spmem:s8], $0x1400, s17, s16, $0x38;
	[tilespmem:$0x1F810] =	vst v63  }
0x11e: {  	_ =	swait.ge [sflag:s13], $0x1400  }
0x11f: {  	[sflag:s13] =	ssyncset.done $0x0  }
0x120: {  	s22 =	simm.s32 $0x0;
	[sflag:s13] =	ssyncadd.s32 $0xFFFFEC00  }
0x121: {  	v3 =	vld [tilespmem:s22+$0x18F10]  }
0x122: {  	v4 =	vld [tilespmem:s22+$0x19050];
	_ =	sdelay $0x1  }
0x123: {  	v5 =	vld [tilespmem:s22+$0x19190];
	_ =	sdelay $0x1  }
0x124: {  	v6 =	vld [tilespmem:s22+$0x192D0]  }
0x125: {  	v3 =	vadd.f32 v4, v3  }
0x126: {  	v4 =	vld [tilespmem:s22+$0x19410]  }
0x127: {  	v3 =	vadd.f32 v5, v3  }
0x128: {  	v5 =	vld [tilespmem:s22+$0x19550]  }
0x129: {  	v3 =	vadd.f32 v6, v3  }
0x12a: {  	v6 =	vld [tilespmem:s22+$0x19690]  }
0x12b: {  	v3 =	vadd.f32 v4, v3  }
0x12c: {  	v4 =	vld [tilespmem:s22+$0x197D0]  }
0x12d: {  	s21 =	simm.s32 $0x10;
	v7 =	vld [tilespmem:s22+$0x19910];
	v3 =	vadd.f32 v5, v3  }
0x12e: {  	v8 =	vld [tilespmem:s21+$0x18F10]  }
0x12f: {  	v5 =	vld [tilespmem:s22+$0x19A50];
	v3 =	vadd.f32 v6, v3  }
0x130: {  	v6 =	vld [tilespmem:s21+$0x19050]  }
0x131: {  	v9 =	vld [tilespmem:s21+$0x19190];
	v3 =	vadd.f32 v4, v3  }
0x132: {  	v4 =	vld [tilespmem:s22+$0x19B90]  }
0x133: {  	v10 =	vld [tilespmem:s21+$0x192D0];
	v3 =	vadd.f32 v7, v3  }
0x134: {  	v7 =	vld [tilespmem:s22+$0x19CD0]  }
0x135: {  	v6 =	vadd.f32 v6, v8;
	v8 =	vld [tilespmem:s21+$0x19410];
	v3 =	vadd.f32 v5, v3  }
0x136: {  	v5 =	vld [tilespmem:s22+$0x19E10]  }
0x137: {  	v6 =	vadd.f32 v9, v6;
	v9 =	vld [tilespmem:s21+$0x19550];
	v3 =	vadd.f32 v4, v3  }
0x138: {  	v4 =	vld [tilespmem:s22+$0x19F50]  }
0x139: {  	v11 =	vld [tilespmem:s21+$0x19690];
	v6 =	vadd.f32 v10, v6;
	v3 =	vadd.f32 v7, v3  }
0x13a: {  	v10 =	vld [tilespmem:s22+$0x1A090]  }
0x13b: {  	v7 =	vadd.f32 v8, v6;
	v6 =	vld [tilespmem:s21+$0x197D0];
	v8 =	vadd.f32 v5, v3  }
0x13c: {  	v5 =	vld [tilespmem:s22+$0x1A1D0]  }
0x13d: {  	v3 =	vld [tilespmem:s21+$0x19A50];
	v9 =	vadd.f32 v9, v7;
	v63 =	vadd.f32 v4, v8  }
0x13e: {  	s23 =	simm.s32 $0x20;
	v7 =	vld [tilespmem:s21+$0x19910]  }
0x13f: {  	s24 =	simm.s32 $0xC0;
	v4 =	vld [tilespmem:s23+$0x18F10];
	v8 =	vadd.f32 v11, v9;
	v9 =	vadd.f32 v10, v63  }
.LBB2_16:
0x140: {  	p0 =	sne.s32 s24, $0x4C0;
	v10 =	vld [tilespmem:s23+$0x19050]  }
0x141: {  	v6 =	vadd.f32 v6, v8;
	v8 =	vld [tilespmem:s21+$0x19B90];
	v5 =	vadd.f32 v5, v9  }
0x142: {  	v9 =	vld [tilespmem:s23+$0x19190]  }
0x143: {  	v6 =	vadd.f32 v7, v6;
	v7 =	vld [tilespmem:s21+$0x19CD0];
	[tilespmem:s22+$0x1A450] =	vst v5;
	s22 =	smov.u32 s21;
	s21 =	smov.u32 s23  }
0x144: {  	v5 =	vld [tilespmem:s21+$0x192D0]  }
0x145: {  	v4 =	vadd.f32 v10, v4;
	v3 =	vadd.f32 v3, v6;
	v6 =	vld [tilespmem:s22+$0x19E10]  }
0x146: {  	v10 =	vld [tilespmem:s21+$0x19410]  }
0x147: {  	v4 =	vadd.f32 v9, v4;
	v3 =	vadd.f32 v8, v3;
	v8 =	vld [tilespmem:s22+$0x19F50]  }
0x148: {  	v9 =	vld [tilespmem:s21+$0x19550]  }
0x149: {  	v4 =	vadd.f32 v5, v4;
	v3 =	vadd.f32 v7, v3;
	v11 =	vld [tilespmem:s22+$0x1A090]  }
0x14a: {  	v12 =	vld [tilespmem:s21+$0x19690]  }
.Ltmp7:
0x14b: {  	v4 =	vadd.f32 v10, v4;
	v7 =	vadd.f32 v6, v3;
	v5 =	vld [tilespmem:s22+$0x1A1D0];
	(pc) =	sbr.rel @p0 .LBB2_16-.Ltmp7, $4  }
0x14c: {  	v6 =	vld [tilespmem:s21+$0x197D0]  }
0x14d: {  	v9 =	vadd.f32 v9, v4;
	v3 =	vld [tilespmem:s21+$0x19A50];
	v10 =	vadd.f32 v8, v7  }
0x14e: {  	s23 =	sshra.s32 s24, $0x2;
	v7 =	vld [tilespmem:s21+$0x19910]  }
0x14f: {  	s24 =	sadd.s32 $0x40, s24;
	v4 =	vld [tilespmem:s23+$0x18F10];
	v8 =	vadd.f32 v12, v9;
	v9 =	vadd.f32 v11, v10  }
0x150: {  	v10 =	vld [tilespmem:s23+$0x19050]  }
0x151: {  	v11 =	vld [tilespmem:s21+$0x19B90];
	v5 =	vadd.f32 v5, v9  }
0x152: {  	v9 =	vld [tilespmem:s23+$0x19190]  }
0x153: {  	v12 =	vld [tilespmem:s21+$0x19CD0];
	v6 =	vadd.f32 v6, v8;
	[tilespmem:s22+$0x1A450] =	vst v5  }
0x154: {  	v5 =	vld [tilespmem:s23+$0x192D0]  }
0x155: {  	v6 =	vadd.f32 v7, v6;
	v4 =	vadd.f32 v10, v4  }
0x156: {  	v7 =	vld [tilespmem:s23+$0x19410]  }
0x157: {  	v8 =	vld [tilespmem:s23+$0x19550];
	v3 =	vadd.f32 v3, v6;
	v4 =	vadd.f32 v9, v4  }
0x158: {  	v6 =	vld [tilespmem:s21+$0x19E10]  }
0x159: {  	v3 =	vadd.f32 v11, v3;
	v9 =	vld [tilespmem:s21+$0x19F50];
	v4 =	vadd.f32 v5, v4  }
0x15a: {  	v5 =	vld [tilespmem:s23+$0x19690]  }
0x15b: {  	v10 =	vld [tilespmem:s21+$0x1A090];
	v3 =	vadd.f32 v12, v3;
	v4 =	vadd.f32 v7, v4  }
0x15c: {  	v7 =	vld [tilespmem:s23+$0x197D0]  }
0x15d: {  	v3 =	vadd.f32 v6, v3;
	v6 =	vld [tilespmem:s21+$0x1A1D0];
	v4 =	vadd.f32 v8, v4  }
0x15e: {  	v8 =	vld [tilespmem:s23+$0x19910]  }
0x15f: {  	v3 =	vadd.f32 v9, v3;
	v4 =	vadd.f32 v5, v4  }
0x160: {  	v5 =	vld [tilespmem:s23+$0x19A50]  }
0x161: {  	v3 =	vadd.f32 v10, v3;
	v4 =	vadd.f32 v7, v4  }
0x162: {  	v7 =	vld [tilespmem:s23+$0x19B90]  }
0x163: {  	v3 =	vadd.f32 v6, v3;
	v4 =	vadd.f32 v8, v4  }
0x164: {  	v6 =	vld [tilespmem:s23+$0x19CD0]  }
0x165: {  	[tilespmem:s21+$0x1A450] =	vst v3;
	v3 =	vadd.f32 v5, v4  }
0x166: {  	v4 =	vld [tilespmem:s23+$0x19E10]  }
0x167: {  	v3 =	vadd.f32 v7, v3  }
0x168: {  	v5 =	vld [tilespmem:s23+$0x19F50]  }
0x169: {  	v3 =	vadd.f32 v6, v3  }
0x16a: {  	v6 =	vld [tilespmem:s23+$0x1A090]  }
0x16b: {  	v3 =	vadd.f32 v4, v3  }
0x16c: {  	v4 =	vld [tilespmem:s23+$0x1A1D0]  }
0x16d: {  	v3 =	vadd.f32 v5, v3;
	_ =	sdelay $0x1  }
0x16e: {  	v3 =	vadd.f32 v6, v3;
	_ =	sdelay $0x1  }
0x16f: {  	v3 =	vadd.f32 v4, v3;
	_ =	sdelay $0x1  }
0x170: {  	[tilespmem:s23+$0x1A450] =	vst v3  }
0x171: {  	[tilespmem:s18], [sflag:$0x1] =	stream.strided.gather [spmem:s9], $0x1400, s17, s16, $0x38;
	[tilespmem:$0x1F810] =	vst v63  }
0x172: {  	_ =	swait.ge [sflag:s13], $0x1400  }
0x173: {  	[sflag:s13] =	ssyncset.done $0x0  }
0x174: {  	s22 =	simm.s32 $0x0;
	[sflag:s13] =	ssyncadd.s32 $0xFFFFEC00  }
0x175: {  	v3 =	vld [tilespmem:s22+$0x18F10]  }
0x176: {  	v4 =	vld [tilespmem:s22+$0x19050];
	_ =	sdelay $0x1  }
0x177: {  	v5 =	vld [tilespmem:s22+$0x19190];
	_ =	sdelay $0x1  }
0x178: {  	v6 =	vld [tilespmem:s22+$0x192D0]  }
0x179: {  	v3 =	vadd.f32 v4, v3  }
0x17a: {  	v4 =	vld [tilespmem:s22+$0x19410]  }
0x17b: {  	v3 =	vadd.f32 v5, v3  }
0x17c: {  	v5 =	vld [tilespmem:s22+$0x19550]  }
0x17d: {  	v3 =	vadd.f32 v6, v3  }
0x17e: {  	v6 =	vld [tilespmem:s22+$0x19690]  }
0x17f: {  	v3 =	vadd.f32 v4, v3  }
0x180: {  	v4 =	vld [tilespmem:s22+$0x197D0]  }
0x181: {  	s21 =	simm.s32 $0x10;
	v7 =	vld [tilespmem:s22+$0x19910];
	v3 =	vadd.f32 v5, v3  }
0x182: {  	v8 =	vld [tilespmem:s21+$0x18F10]  }
0x183: {  	v5 =	vld [tilespmem:s22+$0x19A50];
	v3 =	vadd.f32 v6, v3  }
0x184: {  	v6 =	vld [tilespmem:s21+$0x19050]  }
0x185: {  	v9 =	vld [tilespmem:s21+$0x19190];
	v3 =	vadd.f32 v4, v3  }
0x186: {  	v4 =	vld [tilespmem:s22+$0x19B90]  }
0x187: {  	v10 =	vld [tilespmem:s21+$0x192D0];
	v3 =	vadd.f32 v7, v3  }
0x188: {  	v7 =	vld [tilespmem:s22+$0x19CD0]  }
0x189: {  	v6 =	vadd.f32 v6, v8;
	v8 =	vld [tilespmem:s21+$0x19410];
	v3 =	vadd.f32 v5, v3  }
0x18a: {  	v5 =	vld [tilespmem:s22+$0x19E10]  }
0x18b: {  	v6 =	vadd.f32 v9, v6;
	v9 =	vld [tilespmem:s21+$0x19550];
	v3 =	vadd.f32 v4, v3  }
0x18c: {  	v4 =	vld [tilespmem:s22+$0x19F50]  }
0x18d: {  	v11 =	vld [tilespmem:s21+$0x19690];
	v6 =	vadd.f32 v10, v6;
	v3 =	vadd.f32 v7, v3  }
0x18e: {  	v10 =	vld [tilespmem:s22+$0x1A090]  }
0x18f: {  	v7 =	vadd.f32 v8, v6;
	v6 =	vld [tilespmem:s21+$0x197D0];
	v8 =	vadd.f32 v5, v3  }
0x190: {  	v5 =	vld [tilespmem:s22+$0x1A1D0]  }
0x191: {  	v3 =	vld [tilespmem:s21+$0x19A50];
	v9 =	vadd.f32 v9, v7;
	v63 =	vadd.f32 v4, v8  }
0x192: {  	s23 =	simm.s32 $0x20;
	v7 =	vld [tilespmem:s21+$0x19910]  }
0x193: {  	s24 =	simm.s32 $0xC0;
	v4 =	vld [tilespmem:s23+$0x18F10];
	v8 =	vadd.f32 v11, v9;
	v9 =	vadd.f32 v10, v63  }
.LBB2_18:
0x194: {  	p0 =	sne.s32 s24, $0x4C0;
	v10 =	vld [tilespmem:s23+$0x19050]  }
0x195: {  	v6 =	vadd.f32 v6, v8;
	v8 =	vld [tilespmem:s21+$0x19B90];
	v5 =	vadd.f32 v5, v9  }
0x196: {  	v9 =	vld [tilespmem:s23+$0x19190]  }
0x197: {  	v6 =	vadd.f32 v7, v6;
	v7 =	vld [tilespmem:s21+$0x19CD0];
	[tilespmem:s22+$0x1A590] =	vst v5;
	s22 =	smov.u32 s21;
	s21 =	smov.u32 s23  }
0x198: {  	v5 =	vld [tilespmem:s21+$0x192D0]  }
0x199: {  	v4 =	vadd.f32 v10, v4;
	v3 =	vadd.f32 v3, v6;
	v6 =	vld [tilespmem:s22+$0x19E10]  }
0x19a: {  	v10 =	vld [tilespmem:s21+$0x19410]  }
0x19b: {  	v4 =	vadd.f32 v9, v4;
	v3 =	vadd.f32 v8, v3;
	v8 =	vld [tilespmem:s22+$0x19F50]  }
0x19c: {  	v9 =	vld [tilespmem:s21+$0x19550]  }
0x19d: {  	v4 =	vadd.f32 v5, v4;
	v3 =	vadd.f32 v7, v3;
	v11 =	vld [tilespmem:s22+$0x1A090]  }
0x19e: {  	v12 =	vld [tilespmem:s21+$0x19690]  }
.Ltmp8:
0x19f: {  	v4 =	vadd.f32 v10, v4;
	v7 =	vadd.f32 v6, v3;
	v5 =	vld [tilespmem:s22+$0x1A1D0];
	(pc) =	sbr.rel @p0 .LBB2_18-.Ltmp8, $4  }
0x1a0: {  	v6 =	vld [tilespmem:s21+$0x197D0]  }
0x1a1: {  	v9 =	vadd.f32 v9, v4;
	v3 =	vld [tilespmem:s21+$0x19A50];
	v10 =	vadd.f32 v8, v7  }
0x1a2: {  	s23 =	sshra.s32 s24, $0x2;
	v7 =	vld [tilespmem:s21+$0x19910]  }
0x1a3: {  	s24 =	sadd.s32 $0x40, s24;
	v4 =	vld [tilespmem:s23+$0x18F10];
	v8 =	vadd.f32 v12, v9;
	v9 =	vadd.f32 v11, v10  }
0x1a4: {  	v10 =	vld [tilespmem:s23+$0x19050]  }
0x1a5: {  	v11 =	vld [tilespmem:s21+$0x19B90];
	v5 =	vadd.f32 v5, v9  }
0x1a6: {  	v9 =	vld [tilespmem:s23+$0x19190]  }
0x1a7: {  	v12 =	vld [tilespmem:s21+$0x19CD0];
	v6 =	vadd.f32 v6, v8;
	[tilespmem:s22+$0x1A590] =	vst v5  }
0x1a8: {  	v5 =	vld [tilespmem:s23+$0x192D0]  }
0x1a9: {  	v6 =	vadd.f32 v7, v6;
	v4 =	vadd.f32 v10, v4  }
0x1aa: {  	v7 =	vld [tilespmem:s23+$0x19410]  }
0x1ab: {  	v8 =	vld [tilespmem:s23+$0x19550];
	v3 =	vadd.f32 v3, v6;
	v4 =	vadd.f32 v9, v4  }
0x1ac: {  	v6 =	vld [tilespmem:s21+$0x19E10]  }
0x1ad: {  	v3 =	vadd.f32 v11, v3;
	v9 =	vld [tilespmem:s21+$0x19F50];
	v4 =	vadd.f32 v5, v4  }
0x1ae: {  	v5 =	vld [tilespmem:s23+$0x19690]  }
0x1af: {  	v10 =	vld [tilespmem:s21+$0x1A090];
	v3 =	vadd.f32 v12, v3;
	v4 =	vadd.f32 v7, v4  }
0x1b0: {  	v7 =	vld [tilespmem:s23+$0x197D0]  }
0x1b1: {  	v3 =	vadd.f32 v6, v3;
	v6 =	vld [tilespmem:s21+$0x1A1D0];
	v4 =	vadd.f32 v8, v4  }
0x1b2: {  	v8 =	vld [tilespmem:s23+$0x19910]  }
0x1b3: {  	v3 =	vadd.f32 v9, v3;
	v4 =	vadd.f32 v5, v4  }
0x1b4: {  	v5 =	vld [tilespmem:s23+$0x19A50]  }
0x1b5: {  	v3 =	vadd.f32 v10, v3;
	v4 =	vadd.f32 v7, v4  }
0x1b6: {  	v7 =	vld [tilespmem:s23+$0x19B90]  }
0x1b7: {  	v3 =	vadd.f32 v6, v3;
	v4 =	vadd.f32 v8, v4  }
0x1b8: {  	v6 =	vld [tilespmem:s23+$0x19CD0]  }
0x1b9: {  	[tilespmem:s21+$0x1A590] =	vst v3;
	v3 =	vadd.f32 v5, v4  }
0x1ba: {  	v4 =	vld [tilespmem:s23+$0x19E10]  }
0x1bb: {  	v3 =	vadd.f32 v7, v3  }
0x1bc: {  	v5 =	vld [tilespmem:s23+$0x19F50]  }
0x1bd: {  	v3 =	vadd.f32 v6, v3  }
0x1be: {  	v6 =	vld [tilespmem:s23+$0x1A090]  }
0x1bf: {  	v3 =	vadd.f32 v4, v3  }
0x1c0: {  	v4 =	vld [tilespmem:s23+$0x1A1D0]  }
0x1c1: {  	v3 =	vadd.f32 v5, v3;
	_ =	sdelay $0x1  }
0x1c2: {  	v3 =	vadd.f32 v6, v3;
	_ =	sdelay $0x1  }
0x1c3: {  	v3 =	vadd.f32 v4, v3;
	_ =	sdelay $0x1  }
0x1c4: {  	[tilespmem:s23+$0x1A590] =	vst v3  }
0x1c5: {  	[tilespmem:s18], [sflag:$0x1] =	stream.strided.gather [spmem:s10], $0x1400, s17, s16, $0x38;
	[tilespmem:$0x1F810] =	vst v63  }
0x1c6: {  	_ =	swait.ge [sflag:s13], $0x1400  }
0x1c7: {  	[sflag:s13] =	ssyncset.done $0x0  }
0x1c8: {  	s22 =	simm.s32 $0x0;
	[sflag:s13] =	ssyncadd.s32 $0xFFFFEC00  }
0x1c9: {  	v3 =	vld [tilespmem:s22+$0x18F10]  }
0x1ca: {  	v4 =	vld [tilespmem:s22+$0x19050];
	_ =	sdelay $0x1  }
0x1cb: {  	v5 =	vld [tilespmem:s22+$0x19190];
	_ =	sdelay $0x1  }
0x1cc: {  	v6 =	vld [tilespmem:s22+$0x192D0]  }
0x1cd: {  	v3 =	vadd.f32 v4, v3  }
0x1ce: {  	v4 =	vld [tilespmem:s22+$0x19410]  }
0x1cf: {  	v3 =	vadd.f32 v5, v3  }
0x1d0: {  	v5 =	vld [tilespmem:s22+$0x19550]  }
0x1d1: {  	v3 =	vadd.f32 v6, v3  }
0x1d2: {  	v6 =	vld [tilespmem:s22+$0x19690]  }
0x1d3: {  	v3 =	vadd.f32 v4, v3  }
0x1d4: {  	v4 =	vld [tilespmem:s22+$0x197D0]  }
0x1d5: {  	s21 =	simm.s32 $0x10;
	v7 =	vld [tilespmem:s22+$0x19910];
	v3 =	vadd.f32 v5, v3  }
0x1d6: {  	v8 =	vld [tilespmem:s21+$0x18F10]  }
0x1d7: {  	v5 =	vld [tilespmem:s22+$0x19A50];
	v3 =	vadd.f32 v6, v3  }
0x1d8: {  	v6 =	vld [tilespmem:s21+$0x19050]  }
0x1d9: {  	v9 =	vld [tilespmem:s21+$0x19190];
	v3 =	vadd.f32 v4, v3  }
0x1da: {  	v4 =	vld [tilespmem:s22+$0x19B90]  }
0x1db: {  	v10 =	vld [tilespmem:s21+$0x192D0];
	v3 =	vadd.f32 v7, v3  }
0x1dc: {  	v7 =	vld [tilespmem:s22+$0x19CD0]  }
0x1dd: {  	v6 =	vadd.f32 v6, v8;
	v8 =	vld [tilespmem:s21+$0x19410];
	v3 =	vadd.f32 v5, v3  }
0x1de: {  	v5 =	vld [tilespmem:s22+$0x19E10]  }
0x1df: {  	v6 =	vadd.f32 v9, v6;
	v9 =	vld [tilespmem:s21+$0x19550];
	v3 =	vadd.f32 v4, v3  }
0x1e0: {  	v4 =	vld [tilespmem:s22+$0x19F50]  }
0x1e1: {  	v11 =	vld [tilespmem:s21+$0x19690];
	v6 =	vadd.f32 v10, v6;
	v3 =	vadd.f32 v7, v3  }
0x1e2: {  	v10 =	vld [tilespmem:s22+$0x1A090]  }
0x1e3: {  	v7 =	vadd.f32 v8, v6;
	v6 =	vld [tilespmem:s21+$0x197D0];
	v8 =	vadd.f32 v5, v3  }
0x1e4: {  	v5 =	vld [tilespmem:s22+$0x1A1D0]  }
0x1e5: {  	v3 =	vld [tilespmem:s21+$0x19A50];
	v9 =	vadd.f32 v9, v7;
	v63 =	vadd.f32 v4, v8  }
0x1e6: {  	s23 =	simm.s32 $0x20;
	v7 =	vld [tilespmem:s21+$0x19910]  }
0x1e7: {  	s24 =	simm.s32 $0xC0;
	v4 =	vld [tilespmem:s23+$0x18F10];
	v8 =	vadd.f32 v11, v9;
	v9 =	vadd.f32 v10, v63  }
.LBB2_20:
0x1e8: {  	p0 =	sne.s32 s24, $0x4C0;
	v10 =	vld [tilespmem:s23+$0x19050]  }
0x1e9: {  	v6 =	vadd.f32 v6, v8;
	v8 =	vld [tilespmem:s21+$0x19B90];
	v5 =	vadd.f32 v5, v9  }
0x1ea: {  	v9 =	vld [tilespmem:s23+$0x19190]  }
0x1eb: {  	v6 =	vadd.f32 v7, v6;
	v7 =	vld [tilespmem:s21+$0x19CD0];
	[tilespmem:s22+$0x1A6D0] =	vst v5;
	s22 =	smov.u32 s21;
	s21 =	smov.u32 s23  }
0x1ec: {  	v5 =	vld [tilespmem:s21+$0x192D0]  }
0x1ed: {  	v4 =	vadd.f32 v10, v4;
	v3 =	vadd.f32 v3, v6;
	v6 =	vld [tilespmem:s22+$0x19E10]  }
0x1ee: {  	v10 =	vld [tilespmem:s21+$0x19410]  }
0x1ef: {  	v4 =	vadd.f32 v9, v4;
	v3 =	vadd.f32 v8, v3;
	v8 =	vld [tilespmem:s22+$0x19F50]  }
0x1f0: {  	v9 =	vld [tilespmem:s21+$0x19550]  }
0x1f1: {  	v4 =	vadd.f32 v5, v4;
	v3 =	vadd.f32 v7, v3;
	v11 =	vld [tilespmem:s22+$0x1A090]  }
0x1f2: {  	v12 =	vld [tilespmem:s21+$0x19690]  }
.Ltmp9:
0x1f3: {  	v4 =	vadd.f32 v10, v4;
	v7 =	vadd.f32 v6, v3;
	v5 =	vld [tilespmem:s22+$0x1A1D0];
	(pc) =	sbr.rel @p0 .LBB2_20-.Ltmp9, $4  }
0x1f4: {  	v6 =	vld [tilespmem:s21+$0x197D0]  }
0x1f5: {  	v9 =	vadd.f32 v9, v4;
	v3 =	vld [tilespmem:s21+$0x19A50];
	v10 =	vadd.f32 v8, v7  }
0x1f6: {  	s23 =	sshra.s32 s24, $0x2;
	v7 =	vld [tilespmem:s21+$0x19910]  }
0x1f7: {  	s24 =	sadd.s32 $0x40, s24;
	v4 =	vld [tilespmem:s23+$0x18F10];
	v8 =	vadd.f32 v12, v9;
	v9 =	vadd.f32 v11, v10  }
0x1f8: {  	v10 =	vld [tilespmem:s23+$0x19050]  }
0x1f9: {  	v11 =	vld [tilespmem:s21+$0x19B90];
	v5 =	vadd.f32 v5, v9  }
0x1fa: {  	v47 =	vld [tilespmem:s23+$0x19190]  }
0x1fb: {  	v12 =	vld [tilespmem:s21+$0x19CD0];
	v6 =	vadd.f32 v6, v8;
	[tilespmem:s22+$0x1A6D0] =	vst v5  }
0x1fc: {  	v5 =	vld [tilespmem:s23+$0x192D0]  }
0x1fd: {  	v6 =	vadd.f32 v7, v6;
	v4 =	vadd.f32 v10, v4  }
0x1fe: {  	v48 =	vld [tilespmem:s23+$0x19410]  }
0x1ff: {  	v49 =	vld [tilespmem:s21+$0x19E10];
	v3 =	vadd.f32 v3, v6;
	v4 =	vadd.f32 v47, v4  }
0x200: {  	v50 =	vld [tilespmem:s23+$0x19550]  }
0x201: {  	v51 =	vld [tilespmem:s21+$0x19F50];
	v3 =	vadd.f32 v11, v3;
	v4 =	vadd.f32 v5, v4  }
0x202: {  	v52 =	vld [tilespmem:s23+$0x19690]  }
0x203: {  	v53 =	vld [tilespmem:s21+$0x1A090];
	v3 =	vadd.f32 v12, v3;
	v4 =	vadd.f32 v48, v4  }
0x204: {  	v54 =	vld [tilespmem:s23+$0x197D0]  }
0x205: {  	v55 =	vld [tilespmem:s21+$0x1A1D0];
	v3 =	vadd.f32 v49, v3;
	v4 =	vadd.f32 v50, v4  }
0x206: {  	v56 =	vld [tilespmem:s23+$0x19910]  }
0x207: {  	v3 =	vadd.f32 v51, v3;
	v4 =	vadd.f32 v52, v4  }
0x208: {  	v57 =	vld [tilespmem:s23+$0x19A50]  }
0x209: {  	v3 =	vadd.f32 v53, v3;
	v4 =	vadd.f32 v54, v4  }
0x20a: {  	v58 =	vld [tilespmem:s23+$0x19B90]  }
0x20b: {  	v3 =	vadd.f32 v55, v3;
	v4 =	vadd.f32 v56, v4  }
0x20c: {  	v59 =	vld [tilespmem:s23+$0x19CD0]  }
0x20d: {  	[tilespmem:s21+$0x1A6D0] =	vst v3;
	v3 =	vadd.f32 v57, v4  }
0x20e: {  	v60 =	vld [tilespmem:s23+$0x19E10]  }
0x20f: {  	v3 =	vadd.f32 v58, v3  }
0x210: {  	v61 =	vld [tilespmem:s23+$0x19F50]  }
0x211: {  	v3 =	vadd.f32 v59, v3  }
0x212: {  	v62 =	vld [tilespmem:s23+$0x1A090]  }
0x213: {  	v3 =	vadd.f32 v60, v3  }
0x214: {  	v63 =	vld [tilespmem:s23+$0x1A1D0]  }
0x215: {  	v3 =	vadd.f32 v61, v3;
	_ =	sdelay $0x1  }
0x216: {  	v3 =	vadd.f32 v62, v3;
	_ =	sdelay $0x1  }
0x217: {  	s20 =	sadd.s32 $0x1, s20;
	v3 =	vadd.f32 v63, v3  }
0x218: {  	p0 =	sne.s32 s20, s12  }
.Ltmp10:
0x219: {  	[tilespmem:s23+$0x1A6D0] =	vst v3;
	(pc) =	sbr.rel @p0 .LBB2_1-.Ltmp10, $4  }
0x21a: {  	[hbm4b:s11+s2] =	stream.linear.scatter [tilespmem:s19], [sflag:$0x1], $0x500, $0x38;
	[tilespmem:$0x1F810] =	vst v63  }
0x21b: {  	_ =	swait.ge [sflag:s13], $0x500  }
0x21c: {  	[sflag:s13] =	ssyncset.done $0x0  }
0x21d: {  	[sflag:s13] =	ssyncadd.s32 $0xFFFFFB00  }
0x21e: {  	_ =	sfence.sel $0x180000  }
0x21f: {  	[bflag:$0x0] =	sbarrier.arrive $0xFFFF  }
0x220: {  	p0 =	sne.s32 s0, $0x0;
	_ =	strace $0x90000047  }
0x221: {  	s0 =	sadd.s32 @!p0 $0x100000, s1;
	[bflag:$0x2] =	sbarrier.arrive $0xFFFF  }
0x222: {  	[sflag:s0] =	ssyncadd.tile.s32 @!p0 $0x1;
	_ =	shalt  }
.Lfunc_end2:
_tile_overlayer_lowered:
.L_overlay_start_2:
0x223: {  	(tag) =	ssettag $0x2  }
0x224: {  	s0 =	rddreg [dreg:$0x0];
	s2 =	stileid.u32  }
0x225: {  	s1 =	rddreg [dreg:$0x1];
	p0 =	sne.s32 s2, $0x0  }
0x226: {  	s3 =	rddreg [dreg:$0x2];
	[bflag:$0x3] =	sbarrier.arrive $0xFFFF;
	s2 =	simm.s32 @!p0 $0x1C01  }
0x227: {  	[timem:s3], [sflag:s2] =	dma.local @!p0 [hbm:s0], s1  }
0x228: {  	s0 =	simm.s32 @!p0 $0x1  }
0x229: {  	_ =	swait.ge @!p0 [sflag:s0], s1  }
0x22a: {  	s1 =	ssub.s32 @!p0 $0x0, s1;
	[sflag:s0] =	ssyncset.done @!p0 $0x0  }
0x22b: {  	[sflag:s0] =	ssyncadd.s32 @!p0 s1  }
0x22c: {  	[bflag:$0x3] =	sbarrier.arrive $0xFFFF  }
0x22d: {  	_ =	shalt  }

// kernel: kernel.9.cloned.1.call-start
scs
__scs_entry_jumppad:
0x0: {  	(pc) =	sbr.rel $0x88, $3  }
0x1: {  	(tag) =	ssettag $0x0;
	lr =	simm.s32 $0x1  }
0x2: {  	[smem:$0x3F9D] =	sst lr;
	_ =	strace $0xD0000000  }
0x3: {  	_ = 	snop  }
0x4: {  	_ = 	snop  }
0x5: {  	_ = 	snop  }
0x6: {  	_ = 	snop  }
0x7: {  	_ = 	snop  }
__scs_overlays_trampoline_lowered:
0x8: {  	[smem:$0x3FAC] =	sst s0  }
0x9: {  	[smem:$0x3FAD] =	sst s1  }
0xa: {  	[smem:$0x3FAE] =	sst s2  }
0xb: {  	[smem:$0x3FAF] =	sst s3  }
0xc: {  	[smem:$0x3FB0] =	sst s4  }
0xd: {  	[smem:$0x3FB1] =	sst s5  }
0xe: {  	[smem:$0x3FB2] =	sst s6  }
0xf: {  	[smem:$0x3FB3] =	sst s7  }
0x10: {  	[smem:$0x3FB4] =	sst s8  }
0x11: {  	[smem:$0x3FB5] =	sst s9;
	s0 =	simm.s32 @!p0 $0x0  }
0x12: {  	s1 =	sld [smem:$0x3F9B];
	s0 =	simm.s32 @p0 $0x1  }
0x13: {  	[smem:$0x3FB6] =	sst s0;
	s0 =	simm.s32 @!p1 $0x0  }
0x14: {  	s2 =	sld [smem:$0x3F9A];
	s0 =	simm.s32 @p1 $0x1  }
0x15: {  	[smem:$0x3FB7] =	sst s0;
	s0 =	simm.s32 @!p2 $0x0  }
0x16: {  	s3 =	sld [smem:$0x3FDB];
	s0 =	simm.s32 @p2 $0x1  }
0x17: {  	s4 =	simm.s32 $0x1BF5;
	[smem:$0x3FB9] =	sst s0  }
0x18: {  	s0 =	sld [smem:$0x3F9C];
	_ =	swait.ge [sflag:s4], $0x0  }
0x19: {  	s7 =	sld [smem:$0x3F9D]  }
0x1a: {  	s8 =	sadd.s32 $0xFFFFE003, lr  }
0x1b: {  	s9 =	sadd.s32 $0xFFFFFEF7, lr;
	s5 =	simm.s32 $0xFFFFFFFF;
	p2 =	slt.u32 s8, $0xFFFFF086  }
0x1c: {  	p1 =	slt.u32 s9, $0xF7A;
	s5 =	simm.s32 @!p2 $0x0  }
0x1d: {  	s5 =	simm.s32 @p1 $0x1;
	p0 =	seq.s32 s7, s2  }
0x1e: {  	s7 =	smul.u32 @!p0 $0xF7A, s2;
	p2 =	seq.s32 @!p0 s5, $0x0  }
0x1f: {  	s9 =	smul.u32 $0xF7A, s1;
	s8 =	simm.s32 @!p0 $0x1BF5;
	p2 =	por !p2, p0  }
0x20: {  	[sflag:s8] =	ssyncset.s32 @!p0 $0xFFFFF086;
	s6 =	sadd.s32 @!p0 s3, s7;
	s7 =	simm.s32 @!p0 $0x108  }
0x21: {  	s3 =	sadd.s32 s3, s9;
	s6 =	sadd.s32 @!p0 $0x88, s6;
	s7 =	simm.s32 @p2 $0x1082  }
0x22: {  	[simem:s7], [sflag:s8] =	dma.local @!p0 [hbm:s6], $0xF7A  }
0x23: {  	s9 =	sor.u32 $0xD0000000, s2;
	s6 =	simm.s32 $0x108;
	_ =	swait.ge @!p0 [sflag:s8], $0x0  }
0x24: {  	s3 =	sadd.s32 $0x88, s3;
	s6 =	simm.s32 @!p1 $0x1082;
	[sflag:s4] =	ssyncset.s32 $0xFFFFF086  }
0x25: {  	[simem:s6], [sflag:s4] =	dma.local [hbm:s3], $0xF7A  }
0x26: {  	[smem:$0x3F9D] =	sst s1;
	(tag) =	ssettag s2;
	_ =	strace s9  }
0x27: {  	s1 =	sld [smem:$0x3FAD]  }
0x28: {  	s2 =	sld [smem:$0x3FAE]  }
0x29: {  	s4 =	sld [smem:$0x3FB0]  }
0x2a: {  	p0 =	seq.s32 s5, $0x0;
	s5 =	sld [smem:$0x3FB1]  }
0x2b: {  	s6 =	sld [smem:$0x3FB2]  }
0x2c: {  	s7 =	sld [smem:$0x3FB3]  }
0x2d: {  	s3 =	simm.s32 $0x108;
	s8 =	sld [smem:$0x3FB4]  }
0x2e: {  	s3 =	simm.s32 @!p0 $0x1082;
	s9 =	sld [smem:$0x3FB5]  }
0x2f: {  	lr =	sadd.s32 s0, s3;
	s0 =	sld [smem:$0x3FAC]  }
0x30: {  	s3 =	sld [smem:$0x3FAF]  }
0x31: {  	[smem:$0x3FB8] =	sst s10  }
0x32: {  	s10 =	sld [smem:$0x3FB6];
	_ =	sdelay $0x3  }
0x33: {  	p0 =	seq.s32 s10, $0x1;
	s10 =	sld [smem:$0x3FB8];
	_ =	sdelay $0x3  }
0x34: {  	[smem:$0x3FB8] =	sst s10  }
0x35: {  	s10 =	sld [smem:$0x3FB7];
	_ =	sdelay $0x3  }
0x36: {  	p1 =	seq.s32 s10, $0x1;
	s10 =	sld [smem:$0x3FB8];
	_ =	sdelay $0x3  }
0x37: {  	[smem:$0x3FB8] =	sst s10  }
0x38: {  	s10 =	sld [smem:$0x3FB9]  }
0x39: {  	_ = 	snop;
	(pc) =	sbr.ind lr, $3  }
0x3a: {  	_ = 	snop  }
0x3b: {  	_ = 	snop  }
0x3c: {  	p2 =	seq.s32 s10, $0x1;
	s10 =	sld [smem:$0x3FB8]  }
0x3d: {  	_ =	shalt  }
0x3e: {  	_ =	shalt  }
0x3f: {  	_ =	shalt  }
0x40: {  	_ =	shalt  }
0x41: {  	_ =	shalt  }
0x42: {  	_ =	shalt  }
0x43: {  	_ =	shalt  }
0x44: {  	_ =	shalt  }
0x45: {  	_ =	shalt  }
0x46: {  	_ =	shalt  }
0x47: {  	_ =	shalt  }
0x48: {  	_ =	shalt  }
0x49: {  	_ =	shalt  }
0x4a: {  	_ =	shalt  }
0x4b: {  	_ =	shalt  }
0x4c: {  	_ =	shalt  }
0x4d: {  	_ =	shalt  }
0x4e: {  	_ =	shalt  }
0x4f: {  	_ =	shalt  }
0x50: {  	_ =	shalt  }
0x51: {  	_ =	shalt  }
0x52: {  	_ =	shalt  }
0x53: {  	_ =	shalt  }
0x54: {  	_ =	shalt  }
0x55: {  	_ =	shalt  }
0x56: {  	_ =	shalt  }
0x57: {  	_ =	shalt  }
0x58: {  	_ =	shalt  }
0x59: {  	_ =	shalt  }
0x5a: {  	_ =	shalt  }
0x5b: {  	_ =	shalt  }
0x5c: {  	_ =	shalt  }
0x5d: {  	_ =	shalt  }
0x5e: {  	_ =	shalt  }
0x5f: {  	_ =	shalt  }
0x60: {  	_ =	shalt  }
0x61: {  	_ =	shalt  }
0x62: {  	_ =	shalt  }
0x63: {  	_ =	shalt  }
0x64: {  	_ =	shalt  }
0x65: {  	_ =	shalt  }
0x66: {  	_ =	shalt  }
0x67: {  	_ =	shalt  }
0x68: {  	_ =	shalt  }
0x69: {  	_ =	shalt  }
0x6a: {  	_ =	shalt  }
0x6b: {  	_ =	shalt  }
0x6c: {  	_ =	shalt  }
0x6d: {  	_ =	shalt  }
0x6e: {  	_ =	shalt  }
0x6f: {  	_ =	shalt  }
0x70: {  	_ =	shalt  }
0x71: {  	_ =	shalt  }
0x72: {  	_ =	shalt  }
0x73: {  	_ =	shalt  }
0x74: {  	_ =	shalt  }
0x75: {  	_ =	shalt  }
0x76: {  	_ =	shalt  }
0x77: {  	_ =	shalt  }
0x78: {  	_ =	shalt  }
0x79: {  	_ =	shalt  }
0x7a: {  	_ =	shalt  }
0x7b: {  	_ =	shalt  }
0x7c: {  	_ =	shalt  }
0x7d: {  	_ =	shalt  }
0x7e: {  	_ =	shalt  }
0x7f: {  	_ =	shalt  }
0x80: {  	_ =	shalt  }
0x81: {  	_ =	shalt  }
0x82: {  	_ =	shalt  }
0x83: {  	_ =	shalt  }
0x84: {  	_ =	shalt  }
0x85: {  	_ =	shalt  }
0x86: {  	_ =	shalt  }
0x87: {  	_ =	shalt  }
.Lfunc_end0:
.L_simem_size_0:
called_computation.1_lowered:
.L_overlay_start_0:
0x88: {  	s2 =	sld [smem:$0x3FD9]  }
0x89: {  	s3 =	sld [smem:$0x3FFE];
	_ =	sdelay $0x1  }
0x8a: {  	s1 =	srdreg.scid  }
0x8b: {  	s0 =	sand.u32 $0x1, s1  }
0x8c: {  	s17 =	sshll.u32 s0, $0xA;
	s2 =	sadd.s32 s3, s2  }
0x8d: {  	s2 =	sadd.s32 s2, s17  }
0x8e: {  	[smem:$0x3FC4] =	sst s2  }
0x8f: {  	_ = 	snop  }
0x90: {  	s2 =	sld [smem:$0x3FD0];
	(tm) =	ssettm $0x1  }
0x91: {  	s18 =	sld [smem:$0x3FFB];
	_ =	sdelay $0x3  }
0x92: {  	_ =	strace s18  }
0x93: {  	s3 =	sld [smem:$0x3FFC];
	_ =	sdelay $0x3  }
0x94: {  	_ =	strace s3  }
0x95: {  	s3 =	sld [smem:$0x3FFD];
	_ =	sdelay $0x3  }
0x96: {  	_ =	strace s3  }
0x97: {  	_ =	strace $0x8FFFFFFF  }
0x98: {  	s19 =	sld [smem:$0x3FDB];
	_ =	sdelay $0x1  }
0x99: {  	s4 =	simm.s32 $_scs_section_size  }
0x9a: {  	s5 =	simm.s32 $_size__tile_overlayer_lowered;
	s6 =	simm.s32 $_tile_overlayer_lowered  }
0x9b: {  	s22 =	simm.s32 $0x1BFF;
	s21 =	sshll.u32 s6, $0x1;
	s3 =	sadd.s32 s4, s19  }
0x9c: {  	s7 =	simm.s32 $0x0;
	s20 =	sshll.u32 s5, $0x1;
	s5 =	sadd.s32 s21, s3  }
0x9d: {  	[timem:s7], [sflag:s22] =	dma.local [hbm:s5], s20  }
0x9e: {  	_ =	swait.ge [sflag:s22], s20  }
0x9f: {  	s4 =	ssub.s32 $0x0, s20;
	[sflag:s22] =	ssyncset.done $0x0  }
0xa0: {  	[sflag:s22] =	ssyncadd.s32 s4;
	_ =	sdelay $0x1  }
0xa1: {  	s23 =	simm.s32 $0x1B8B  }
0xa2: {  	_ =	swait.ge [sflag:s23], $0x1  }
0xa3: {  	[sflag:s23] =	ssyncset.done $0x0  }
0xa4: {  	s25 =	simm.s32 $0x1B8E;
	s24 =	sld [smem:$0x3FFE];
	[sflag:s23] =	ssyncadd.s32 $0xFFFFFFFF  }
0xa5: {  	s26 =	simm.s32 $execute0_lowered;
	[smem:$0x3FD2] =	sst s25  }
0xa6: {  	s5 =	sshll.u32 s26, $0x1;
	_ =	strace $0x80000049;
	[dreg:$0x1] =	wrdreg $0xFFFFFFFF  }
0xa7: {  	s28 =	simm.s32 $_size_execute0_lowered;
	s3 =	sadd.s32 s3, s5;
	[dreg:$0x0] =	wrdreg $0x0  }
0xa8: {  	s5 =	sshll.u32 s28, $0x1;
	[dreg:$0x2] =	wrdreg s3  }
0xa9: {  	[dreg:$0x3] =	wrdreg s5  }
0xaa: {  	[dreg:$0x4] =	wrdreg $0xC0  }
0xab: {  	_ =	task [dreg:s7], $0x5FFFF  }
0xac: {  	[dreg:$0x1] =	wrdreg $0xFFFFFFFF  }
0xad: {  	[dreg:$0x0] =	wrdreg $0x60  }
0xae: {  	[dreg:$0x2] =	wrdreg s2  }
0xaf: {  	[dreg:$0x3] =	wrdreg s24  }
0xb0: {  	[dreg:$0x4] =	wrdreg $0x8F000  }
0xb1: {  	[dreg:$0x5] =	wrdreg $0x9  }
0xb2: {  	_ =	task.clear_ibuf [dreg:s7], $0x6FFFF;
	_ =	strace $0x90000049  }
0xb3: {  	s29 =	simm.s32 $0x9;
	_ =	strace $0x8000004B  }
0xb4: {  	_ =	swait.ge [sflag:s29], $0x1  }
0xb5: {  	[sflag:s29] =	ssyncadd.s32 $0xFFFFFFFF  }
0xb6: {  	_ =	strace $0x9000004B  }
0xb7: {  	_ =	sfence  }
0xb8: {  	s30 =	sld [smem:$0x0];
	_ =	sdelay $0x2  }
0xb9: {  	s31 =	sshll.u32 s1, $0xD;
	s1 =	sshrl.u32 s1, $0x2  }
0xba: {  	s3 =	sand.u32 $0x4000, s31;
	s1 =	sadd.s32 s1, s30  }
0xbb: {  	s0 =	sor.u32 s3, s0;
	s1 =	sshll.u32 s1, $0x11  }
0xbc: {  	s0 =	sor.u32 s1, s0  }
0xbd: {  	s0 =	sadd.s32 $0x8F2B, s0  }
0xbe: {  	[sflag:s0] =	ssyncadd.remote.s32 $0x1  }
0xbf: {  	_ =	sfence.sel $0xFFFF  }
0xc0: {  	[dreg:$0x0] =	wrdreg $0xFFFFFFFF;
	(pc) =	sbr.abs _section_cstart, $3  }
0xc1: {  	[dreg:$0x1] =	wrdreg $0xFFFFFFFF  }
0xc2: {  	_ =	task.clear_ibuf [dreg:s7], $0x2FFFF;
	_ =	strace $0x9FFFFFFF  }
0xc3: {  	(tm) =	ssettm $0x7FFFFFFF  }
tec
execute0_lowered:
.L_overlay_start_1:
0x0: {  	(tag) =	ssettag $0x1  }
0x1: {  	s10 =	stileid.u32  }
0x2: {  	s0 =	rddreg [dreg:$0x0];
	s8 =	smul.u32 $0x50000, s10  }
0x3: {  	s1 =	rddreg [dreg:$0x1];
	s3 =	srdreg.scid  }
0x4: {  	s2 =	rddreg [dreg:$0x2];
	s6 =	sand.u32 $0x1, s3;
	s8 =	sshrl.u32 s8, $0x2  }
0x5: {  	s5 =	smul.u32 $0x14000, s10;
	s3 =	simm.s32 $0x0;
	s8 =	sadd.s32 s8, s2  }
0x6: {  	s25 =	sshll.u32 s10, $0x1;
	[smem:$0x7FF] =	sst s3;
	s11 =	sadd.s32 $0x1000, s8  }
0x7: {  	_ =	strace $0x8000004A;
	s26 =	sadd.s32 $0x2000, s8;
	[dreg:$0x4] =	wrdreg s11  }
0x8: {  	s10 =	smul.u32 $0xA000, s10;
	s12 =	sadd.s32 $0x3000, s8;
	[dreg:$0x5] =	wrdreg s26  }
0x9: {  	s4 =	smul.u32 $0x140000, s6;
	s13 =	sadd.s32 $0x4000, s8;
	[dreg:$0x6] =	wrdreg s12  }
0xa: {  	s9 =	ssub.s32 $0x2, s6;
	s14 =	sadd.s32 $0x5000, s8;
	[dreg:$0x7] =	wrdreg s13  }
0xb: {  	s24 =	sshrl.u32 s9, $0x1;
	s15 =	sadd.s32 $0x6000, s8;
	[dreg:$0x8] =	wrdreg s14  }
0xc: {  	s7 =	sadd.s32 s5, s4;
	s16 =	sadd.s32 $0x7000, s8;
	[dreg:$0x9] =	wrdreg s15  }
0xd: {  	s4 =	sadd.s32 $0x1400, s1;
	s17 =	sadd.s32 $0x8000, s8;
	[dreg:$0xa] =	wrdreg s16  }
0xe: {  	s5 =	sadd.s32 s5, s2;
	s18 =	sadd.s32 $0x9000, s8;
	[dreg:$0xb] =	wrdreg s17  }
0xf: {  	s7 =	sshrl.u32 s7, $0x3;
	s19 =	sadd.s32 $0xA000, s8;
	[dreg:$0xc] =	wrdreg s18  }
0x10: {  	s20 =	sadd.s32 $0xB000, s8;
	s21 =	sadd.s32 $0xC000, s8;
	[dreg:$0xd] =	wrdreg s19  }
0x11: {  	s22 =	sadd.s32 $0xD000, s8;
	s28 =	sadd.s32 $0x13000, s8;
	[dreg:$0xe] =	wrdreg s20  }
0x12: {  	s1 =	sadd.s32 s7, s1;
	s7 =	ssub.s32 s9, s24;
	[dreg:$0xf] =	wrdreg s21  }
0x13: {  	s9 =	sor.u32 s6, s25;
	s6 =	smul.u32 $0x5000, s6;
	[dreg:$0x10] =	wrdreg s22  }
0x14: {  	s24 =	sadd.s32 $0xE000, s8;
	s25 =	sadd.s32 $0xF000, s8;
	s26 =	sadd.s32 $0x10000, s8  }
0x15: {  	s11 =	simm.s32 $0x200;
	s12 =	simm.s32 $0x4080;
	s13 =	simm.s32 $0x1  }
0x16: {  	s14 =	simm.s32 $0x80;
	s15 =	simm.s32 $0x2;
	[dreg:$0x11] =	wrdreg s24  }
0x17: {  	s16 =	simm.s32 $0x180;
	s17 =	simm.s32 $0x4;
	[dreg:$0x12] =	wrdreg s25  }
0x18: {  	s18 =	simm.s32 $0x0;
	s9 =	smul.u32 $0x5000, s9;
	[dreg:$0x13] =	wrdreg s26  }
0x19: {  	s25 =	sadd.s32 $0x11000, s8;
	s26 =	sadd.s32 $0x12000, s8;
	s29 =	sadd.s32 $0x29400, s1  }
0x1a: {  	s30 =	smax.u32 s7, $0x1;
	s7 =	simm.s32 $0x3;
	s6 =	sadd.s32 s6, s10  }
0x1b: {  	s8 =	simm.s32 $0x5;
	s23 =	sor.u32 $0x200, s6;
	s6 =	sor.u32 $0x300, s6  }
0x1c: {  	s9 =	sshrl.u32 s9, $0x3;
	s10 =	sshrl.u32 s23, $0x3;
	s6 =	sshrl.u32 s6, $0x3  }
0x1d: {  	s19 =	sadd.s32 s0, s9;
	s9 =	simm.s32 $0x100;
	s20 =	sadd.s32 s10, s0  }
0x1e: {  	s21 =	sadd.s32 s6, s0;
	s31 =	sadd.s32 $0x20, s19;
	s1 =	sadd.s32 $0x9E0, s19  }
0x1f: {  	v0 =	vimm.f32 $0.0e+00;
	s0 =	sadd.s32 $0x9C0, s19;
	s6 =	simm.s32 $0x7F00;
	s10 =	simm.s32 $0x7D  }
.LBB2_1:
0x20: {  	s22 =	simm.s32 $0x0;
	s23 =	simm.s32 $0x200  }
.LBB2_2:
0x21: {  	p0 =	sne.s32 s23, $0x3E00;
	[tilespmem:s22+$0x7F70] =	vst v0  }
0x22: {  	[tilespmem:s22+$0x7F00] =	vst v0  }
0x23: {  	[tilespmem:s22+$0x7F10] =	vst v0  }
.Ltmp0:
0x24: {  	[tilespmem:s22+$0x7F20] =	vst v0;
	(pc) =	sbr.rel @p0 .LBB2_2-.Ltmp0, $4  }
0x25: {  	[tilespmem:s22+$0x7F30] =	vst v0  }
0x26: {  	[tilespmem:s22+$0x7F40] =	vst v0  }
0x27: {  	[tilespmem:s22+$0x7F50] =	vst v0  }
0x28: {  	[tilespmem:s22+$0x7F60] =	vst v0;
	s22 =	sshra.s32 s23, $0x2;
	s23 =	sadd.s32 $0x200, s23  }
0x29: {  	[tilespmem:s22+$0x7F70] =	vst v0  }
0x2a: {  	[tilespmem:s22+$0x7F00] =	vst v0  }
0x2b: {  	[tilespmem:s22+$0x7F10] =	vst v0  }
0x2c: {  	[tilespmem:s22+$0x7F20] =	vst v0  }
0x2d: {  	[tilespmem:s22+$0x7F30] =	vst v0  }
0x2e: {  	[tilespmem:s22+$0x7F40] =	vst v0  }
0x2f: {  	[tilespmem:s22+$0x7F50] =	vst v0  }
0x30: {  	[tilespmem:s22+$0x7F60] =	vst v0  }
0x31: {  	[spmem:s5] =	stream.linear.scatter [tilespmem:s6], [sflag:$0x3], $0x1000, $0x38;
	[tilespmem:$0x1CF00] =	vst v63  }
0x32: {  	s24 =	rddreg [dreg:$0x4]  }
0x33: {  	[spmem:s24] =	stream.linear.scatter [tilespmem:s6], [sflag:$0x3], $0x1000, $0x38;
	[tilespmem:$0x1CF00] =	vst v63  }
0x34: {  	s23 =	rddreg [dreg:$0x5]  }
0x35: {  	[spmem:s23] =	stream.linear.scatter [tilespmem:s6], [sflag:$0x3], $0x1000, $0x38;
	[tilespmem:$0x1CF00] =	vst v63  }
0x36: {  	s24 =	rddreg [dreg:$0x6]  }
0x37: {  	[spmem:s24] =	stream.linear.scatter [tilespmem:s6], [sflag:$0x3], $0x1000, $0x38;
	[tilespmem:$0x1CF00] =	vst v63  }
0x38: {  	s23 =	rddreg [dreg:$0x7]  }
0x39: {  	[spmem:s23] =	stream.linear.scatter [tilespmem:s6], [sflag:$0x3], $0x1000, $0x38;
	[tilespmem:$0x1CF00] =	vst v63  }
0x3a: {  	s24 =	rddreg [dreg:$0x8]  }
0x3b: {  	[spmem:s24] =	stream.linear.scatter [tilespmem:s6], [sflag:$0x3], $0x1000, $0x38;
	[tilespmem:$0x1CF00] =	vst v63  }
0x3c: {  	s23 =	rddreg [dreg:$0x9]  }
0x3d: {  	[spmem:s23] =	stream.linear.scatter [tilespmem:s6], [sflag:$0x3], $0x1000, $0x38;
	[tilespmem:$0x1CF00] =	vst v63  }
0x3e: {  	s24 =	rddreg [dreg:$0xa]  }
0x3f: {  	[spmem:s24] =	stream.linear.scatter [tilespmem:s6], [sflag:$0x3], $0x1000, $0x38;
	[tilespmem:$0x1CF00] =	vst v63  }
0x40: {  	s23 =	rddreg [dreg:$0xb]  }
0x41: {  	[spmem:s23] =	stream.linear.scatter [tilespmem:s6], [sflag:$0x3], $0x1000, $0x38;
	[tilespmem:$0x1CF00] =	vst v63  }
0x42: {  	s24 =	rddreg [dreg:$0xc]  }
0x43: {  	[spmem:s24] =	stream.linear.scatter [tilespmem:s6], [sflag:$0x3], $0x1000, $0x38;
	[tilespmem:$0x1CF00] =	vst v63  }
0x44: {  	s23 =	rddreg [dreg:$0xd]  }
0x45: {  	[spmem:s23] =	stream.linear.scatter [tilespmem:s6], [sflag:$0x3], $0x1000, $0x38;
	[tilespmem:$0x1CF00] =	vst v63  }
0x46: {  	s24 =	rddreg [dreg:$0xe]  }
0x47: {  	[spmem:s24] =	stream.linear.scatter [tilespmem:s6], [sflag:$0x3], $0x1000, $0x38;
	[tilespmem:$0x1CF00] =	vst v63  }
0x48: {  	s23 =	rddreg [dreg:$0xf]  }
0x49: {  	[spmem:s23] =	stream.linear.scatter [tilespmem:s6], [sflag:$0x3], $0x1000, $0x38;
	[tilespmem:$0x1CF00] =	vst v63  }
0x4a: {  	s24 =	rddreg [dreg:$0x10]  }
0x4b: {  	[spmem:s24] =	stream.linear.scatter [tilespmem:s6], [sflag:$0x3], $0x1000, $0x38;
	[tilespmem:$0x1CF00] =	vst v63  }
0x4c: {  	s23 =	rddreg [dreg:$0x11]  }
0x4d: {  	[spmem:s23] =	stream.linear.scatter [tilespmem:s6], [sflag:$0x3], $0x1000, $0x38;
	[tilespmem:$0x1CF00] =	vst v63  }
0x4e: {  	s24 =	rddreg [dreg:$0x12]  }
0x4f: {  	[spmem:s24] =	stream.linear.scatter [tilespmem:s6], [sflag:$0x3], $0x1000, $0x38;
	[tilespmem:$0x1CF00] =	vst v63  }
0x50: {  	s23 =	rddreg [dreg:$0x13]  }
0x51: {  	[spmem:s23] =	stream.linear.scatter [tilespmem:s6], [sflag:$0x3], $0x1000, $0x38;
	[tilespmem:$0x1CF00] =	vst v63  }
0x52: {  	_ = 	snop  }
0x53: {  	[spmem:s25] =	stream.linear.scatter [tilespmem:s6], [sflag:$0x3], $0x1000, $0x38;
	[tilespmem:$0x1CF00] =	vst v63  }
0x54: {  	_ = 	snop  }
0x55: {  	[spmem:s26] =	stream.linear.scatter [tilespmem:s6], [sflag:$0x3], $0x1000, $0x38;
	[tilespmem:$0x1CF00] =	vst v63  }
0x56: {  	_ = 	snop  }
0x57: {  	[spmem:s28] =	stream.linear.scatter [tilespmem:s6], [sflag:$0x3], $0x1000, $0x38;
	[tilespmem:$0x1CF00] =	vst v63  }
0x58: {  	_ =	swait.ge [sflag:s7], $0x1000  }
0x59: {  	[sflag:s7] =	ssyncset.done $0x0  }
0x5a: {  	[sflag:s7] =	ssyncadd.s32 $0xFFFFF000  }
0x5b: {  	_ =	swait.ge [sflag:s7], $0x1000  }
0x5c: {  	[sflag:s7] =	ssyncset.done $0x0  }
0x5d: {  	[sflag:s7] =	ssyncadd.s32 $0xFFFFF000  }
0x5e: {  	_ =	swait.ge [sflag:s7], $0x1000  }
0x5f: {  	[sflag:s7] =	ssyncset.done $0x0  }
0x60: {  	[sflag:s7] =	ssyncadd.s32 $0xFFFFF000  }
0x61: {  	_ =	swait.ge [sflag:s7], $0x1000  }
0x62: {  	[sflag:s7] =	ssyncset.done $0x0  }
0x63: {  	[sflag:s7] =	ssyncadd.s32 $0xFFFFF000  }
0x64: {  	_ =	swait.ge [sflag:s7], $0x1000  }
0x65: {  	[sflag:s7] =	ssyncset.done $0x0  }
0x66: {  	[sflag:s7] =	ssyncadd.s32 $0xFFFFF000  }
0x67: {  	_ =	swait.ge [sflag:s7], $0x1000  }
0x68: {  	[sflag:s7] =	ssyncset.done $0x0  }
0x69: {  	[sflag:s7] =	ssyncadd.s32 $0xFFFFF000  }
0x6a: {  	_ =	swait.ge [sflag:s7], $0x1000  }
0x6b: {  	[sflag:s7] =	ssyncset.done $0x0  }
0x6c: {  	[sflag:s7] =	ssyncadd.s32 $0xFFFFF000  }
0x6d: {  	_ =	swait.ge [sflag:s7], $0x1000  }
0x6e: {  	[sflag:s7] =	ssyncset.done $0x0  }
0x6f: {  	[sflag:s7] =	ssyncadd.s32 $0xFFFFF000  }
0x70: {  	_ =	swait.ge [sflag:s7], $0x1000  }
0x71: {  	[sflag:s7] =	ssyncset.done $0x0  }
0x72: {  	[sflag:s7] =	ssyncadd.s32 $0xFFFFF000  }
0x73: {  	_ =	swait.ge [sflag:s7], $0x1000  }
0x74: {  	[sflag:s7] =	ssyncset.done $0x0  }
0x75: {  	[sflag:s7] =	ssyncadd.s32 $0xFFFFF000  }
0x76: {  	_ =	swait.ge [sflag:s7], $0x1000  }
0x77: {  	[sflag:s7] =	ssyncset.done $0x0  }
0x78: {  	[sflag:s7] =	ssyncadd.s32 $0xFFFFF000  }
0x79: {  	_ =	swait.ge [sflag:s7], $0x1000  }
0x7a: {  	[sflag:s7] =	ssyncset.done $0x0  }
0x7b: {  	[sflag:s7] =	ssyncadd.s32 $0xFFFFF000  }
0x7c: {  	_ =	swait.ge [sflag:s7], $0x1000  }
0x7d: {  	[sflag:s7] =	ssyncset.done $0x0  }
0x7e: {  	[sflag:s7] =	ssyncadd.s32 $0xFFFFF000  }
0x7f: {  	_ =	swait.ge [sflag:s7], $0x1000  }
0x80: {  	[sflag:s7] =	ssyncset.done $0x0  }
0x81: {  	[sflag:s7] =	ssyncadd.s32 $0xFFFFF000  }
0x82: {  	_ =	swait.ge [sflag:s7], $0x1000  }
0x83: {  	[sflag:s7] =	ssyncset.done $0x0  }
0x84: {  	[sflag:s7] =	ssyncadd.s32 $0xFFFFF000  }
0x85: {  	_ =	swait.ge [sflag:s7], $0x1000  }
0x86: {  	[sflag:s7] =	ssyncset.done $0x0  }
0x87: {  	[sflag:s7] =	ssyncadd.s32 $0xFFFFF000  }
0x88: {  	_ =	swait.ge [sflag:s7], $0x1000  }
0x89: {  	[sflag:s7] =	ssyncset.done $0x0  }
0x8a: {  	[sflag:s7] =	ssyncadd.s32 $0xFFFFF000  }
0x8b: {  	_ =	swait.ge [sflag:s7], $0x1000  }
0x8c: {  	[sflag:s7] =	ssyncset.done $0x0  }
0x8d: {  	[sflag:s7] =	ssyncadd.s32 $0xFFFFF000  }
0x8e: {  	_ =	swait.ge [sflag:s7], $0x1000  }
0x8f: {  	[sflag:s7] =	ssyncset.done $0x0  }
0x90: {  	[sflag:s7] =	ssyncadd.s32 $0xFFFFF000  }
0x91: {  	_ =	swait.ge [sflag:s7], $0x1000  }
0x92: {  	[sflag:s7] =	ssyncset.done $0x0  }
0x93: {  	[sflag:s7] =	ssyncadd.s32 $0xFFFFF000  }
0x94: {  	s24 =	simm.s32 $0x0;
	[bflag:$0x0] =	sbarrier.arrive $0xFFFF  }
0x95: {  	[tilespmem:s24], [sflag:$0x5] =	stream.linear.gather [hbm4b:s19+s24], $0x100, $0x38;
	[tilespmem:$0x1CF00] =	vst v63  }
0x96: {  	_ =	swait.ge [sflag:s8], $0x100  }
0x97: {  	[sflag:s8] =	ssyncset.done $0x0  }
0x98: {  	[sflag:s8] =	ssyncadd.s32 $0xFFFFFF00  }
0x99: {  	[tilespmem:s9], [sflag:$0x5] =	stream.linear.gather [hbm4b:s31+s24], $0x100, $0x38;
	[tilespmem:$0x1CF00] =	vst v63  }
0x9a: {  	_ =	swait.ge [sflag:s8], $0x100  }
0x9b: {  	[sflag:s8] =	ssyncset.done $0x0  }
0x9c: {  	[sflag:s8] =	ssyncadd.s32 $0xFFFFFF00  }
0x9d: {  	[tilespmem:s11], [sflag:$0x1] =	stream.indirect.gather [hbm4b:s4+s10], $0x80, s24, s10, $0xb8;
	[tilespmem:$0x1CF00] =	vst v63  }
0x9e: {  	_ = 	snop  }
0x9f: {  	[tilespmem:s12], [sflag:$0x2] =	stream.indirect.gather [hbm4b:s4+s10], $0x80, s9, s10, $0xb8;
	[tilespmem:$0x1CF00] =	vst v63  }
0xa0: {  	_ =	swait.ge [sflag:s13], $0x3E80  }
0xa1: {  	[sflag:s13] =	ssyncset.done $0x0  }
0xa2: {  	[sflag:s13] =	ssyncadd.s32 $0xFFFFC180  }
0xa3: {  	[spmem:s2] =	stream.indirect.scatter.add.f32 [tilespmem:s11], [sflag:$0x5], $0x80, s14, s10, $0xb8;
	[tilespmem:$0x1CF00] =	vst v63  }
0xa4: {  	_ =	swait.ge [sflag:s8], $0x3E80  }
0xa5: {  	[sflag:s8] =	ssyncset.done $0x0  }
0xa6: {  	s23 =	sadd.s32 $0x0, s20;
	[sflag:s8] =	ssyncadd.s32 $0xFFFFC180  }
0xa7: {  	[tilespmem:s3], [sflag:$0x3] =	stream.linear.gather [hbm4b:s23+s3], $0x100, $0x38;
	[tilespmem:$0x1CF00] =	vst v63  }
0xa8: {  	_ =	swait.ge [sflag:s15], $0x3E80  }
0xa9: {  	[sflag:s15] =	ssyncset.done $0x0  }
0xaa: {  	[sflag:s15] =	ssyncadd.s32 $0xFFFFC180  }
0xab: {  	[spmem:s2] =	stream.indirect.scatter.add.f32 [tilespmem:s12], [sflag:$0x5], $0x80, s16, s10, $0xb8;
	[tilespmem:$0x1CF00] =	vst v63  }
0xac: {  	_ =	swait.ge [sflag:s8], $0x3E80  }
0xad: {  	[sflag:s8] =	ssyncset.done $0x0  }
0xae: {  	s24 =	sadd.s32 $0x0, s21;
	[sflag:s8] =	ssyncadd.s32 $0xFFFFC180  }
0xaf: {  	[tilespmem:s9], [sflag:$0x4] =	stream.linear.gather [hbm4b:s24+s3], $0x100, $0x38;
	[tilespmem:$0x1CF00] =	vst v63  }
0xb0: {  	_ =	swait.ge [sflag:s7], $0x100  }
0xb1: {  	[sflag:s7] =	ssyncset.done $0x0  }
0xb2: {  	[sflag:s7] =	ssyncadd.s32 $0xFFFFFF00  }
0xb3: {  	[tilespmem:s11], [sflag:$0x1] =	stream.indirect.gather [hbm4b:s4+s10], $0x80, s3, s10, $0xb8;
	[tilespmem:$0x1CF00] =	vst v63  }
0xb4: {  	_ =	swait.ge [sflag:s17], $0x100  }
0xb5: {  	[sflag:s17] =	ssyncset.done $0x0  }
0xb6: {  	s22 =	simm.s32 $0x40;
	[sflag:s17] =	ssyncadd.s32 $0xFFFFFF00  }
.LBB2_4:
0xb7: {  	[tilespmem:s12], [sflag:$0x2] =	stream.indirect.gather [hbm4b:s4+s10], $0x80, s9, s10, $0xb8;
	[tilespmem:$0x1CF00] =	vst v63  }
0xb8: {  	s23 =	smov.u32 s22  }
0xb9: {  	p0 =	sne.s32 s22, $0x940;
	s22 =	sadd.s32 $0x40, s22;
	_ =	swait.ge [sflag:s13], $0x3E80  }
0xba: {  	[sflag:s13] =	ssyncset.done $0x0  }
0xbb: {  	[sflag:s13] =	ssyncadd.s32 $0xFFFFC180  }
0xbc: {  	[spmem:s2] =	stream.indirect.scatter.add.f32 [tilespmem:s11], [sflag:$0x5], $0x80, s14, s10, $0xb8;
	[tilespmem:$0x1CF00] =	vst v63  }
0xbd: {  	_ =	swait.ge [sflag:s8], $0x3E80  }
0xbe: {  	[sflag:s8] =	ssyncset.done $0x0  }
0xbf: {  	s24 =	sadd.s32 s23, s20;
	[sflag:s8] =	ssyncadd.s32 $0xFFFFC180  }
0xc0: {  	[tilespmem:s3], [sflag:$0x3] =	stream.linear.gather [hbm4b:s24+s3], $0x100, $0x38;
	[tilespmem:$0x1CF00] =	vst v63  }
0xc1: {  	_ =	swait.ge [sflag:s15], $0x3E80  }
0xc2: {  	[sflag:s15] =	ssyncset.done $0x0  }
0xc3: {  	[sflag:s15] =	ssyncadd.s32 $0xFFFFC180  }
0xc4: {  	[spmem:s2] =	stream.indirect.scatter.add.f32 [tilespmem:s12], [sflag:$0x5], $0x80, s16, s10, $0xb8;
	[tilespmem:$0x1CF00] =	vst v63  }
0xc5: {  	_ =	swait.ge [sflag:s8], $0x3E80  }
0xc6: {  	[sflag:s8] =	ssyncset.done $0x0  }
0xc7: {  	s23 =	sadd.s32 s23, s21;
	[sflag:s8] =	ssyncadd.s32 $0xFFFFC180  }
0xc8: {  	[tilespmem:s9], [sflag:$0x4] =	stream.linear.gather [hbm4b:s23+s3], $0x100, $0x38;
	[tilespmem:$0x1CF00] =	vst v63  }
0xc9: {  	_ =	swait.ge [sflag:s7], $0x100  }
0xca: {  	[sflag:s7] =	ssyncset.done $0x0  }
.Ltmp1:
0xcb: {  	[sflag:s7] =	ssyncadd.s32 $0xFFFFFF00;
	(pc) =	sbr.rel @p0 .LBB2_4-.Ltmp1, $4  }
0xcc: {  	[tilespmem:s11], [sflag:$0x1] =	stream.indirect.gather [hbm4b:s4+s10], $0x80, s3, s10, $0xb8;
	[tilespmem:$0x1CF00] =	vst v63  }
0xcd: {  	_ =	swait.ge [sflag:s17], $0x100  }
0xce: {  	[sflag:s17] =	ssyncset.done $0x0  }
0xcf: {  	[sflag:s17] =	ssyncadd.s32 $0xFFFFFF00  }
0xd0: {  	[tilespmem:s12], [sflag:$0x2] =	stream.indirect.gather [hbm4b:s4+s10], $0x80, s9, s10, $0xb8;
	[tilespmem:$0x1CF00] =	vst v63  }
0xd1: {  	_ =	swait.ge [sflag:s13], $0x3E80  }
0xd2: {  	[sflag:s13] =	ssyncset.done $0x0  }
0xd3: {  	[sflag:s13] =	ssyncadd.s32 $0xFFFFC180  }
0xd4: {  	[spmem:s2] =	stream.indirect.scatter.add.f32 [tilespmem:s11], [sflag:$0x5], $0x80, s14, s10, $0xb8;
	[tilespmem:$0x1CF00] =	vst v63  }
0xd5: {  	_ =	swait.ge [sflag:s8], $0x3E80  }
0xd6: {  	[sflag:s8] =	ssyncset.done $0x0  }
0xd7: {  	[sflag:s8] =	ssyncadd.s32 $0xFFFFC180  }
0xd8: {  	[tilespmem:s3], [sflag:$0x3] =	stream.linear.gather [hbm4b:s0+s3], $0x100, $0x38;
	[tilespmem:$0x1CF00] =	vst v63  }
0xd9: {  	_ =	swait.ge [sflag:s15], $0x3E80  }
0xda: {  	[sflag:s15] =	ssyncset.done $0x0  }
0xdb: {  	[sflag:s15] =	ssyncadd.s32 $0xFFFFC180  }
0xdc: {  	[spmem:s2] =	stream.indirect.scatter.add.f32 [tilespmem:s12], [sflag:$0x5], $0x80, s16, s10, $0xb8;
	[tilespmem:$0x1CF00] =	vst v63  }
0xdd: {  	_ =	swait.ge [sflag:s8], $0x3E80  }
0xde: {  	[sflag:s8] =	ssyncset.done $0x0  }
0xdf: {  	[sflag:s8] =	ssyncadd.s32 $0xFFFFC180  }
0xe0: {  	[tilespmem:s9], [sflag:$0x4] =	stream.linear.gather [hbm4b:s1+s3], $0x100, $0x38;
	[tilespmem:$0x1CF00] =	vst v63  }
0xe1: {  	_ =	swait.ge [sflag:s7], $0x100  }
0xe2: {  	[sflag:s7] =	ssyncset.done $0x0  }
0xe3: {  	[sflag:s7] =	ssyncadd.s32 $0xFFFFFF00  }
0xe4: {  	[tilespmem:s11], [sflag:$0x1] =	stream.indirect.gather [hbm4b:s4+s10], $0x80, s3, s10, $0xb8;
	[tilespmem:$0x1CF00] =	vst v63  }
0xe5: {  	_ =	swait.ge [sflag:s17], $0x100  }
0xe6: {  	[sflag:s17] =	ssyncset.done $0x0  }
0xe7: {  	[sflag:s17] =	ssyncadd.s32 $0xFFFFFF00  }
0xe8: {  	[tilespmem:s12], [sflag:$0x2] =	stream.indirect.gather [hbm4b:s4+s10], $0x80, s9, s10, $0xb8;
	[tilespmem:$0x1CF00] =	vst v63  }
0xe9: {  	_ =	swait.ge [sflag:s13], $0x3E80  }
0xea: {  	[sflag:s13] =	ssyncset.done $0x0  }
0xeb: {  	[sflag:s13] =	ssyncadd.s32 $0xFFFFC180  }
0xec: {  	[spmem:s2] =	stream.indirect.scatter.add.f32 [tilespmem:s11], [sflag:$0x5], $0x80, s14, s10, $0xb8;
	[tilespmem:$0x1CF00] =	vst v63  }
0xed: {  	_ =	swait.ge [sflag:s8], $0x3E80  }
0xee: {  	[sflag:s8] =	ssyncset.done $0x0  }
0xef: {  	[sflag:s8] =	ssyncadd.s32 $0xFFFFC180  }
0xf0: {  	[tilespmem:s3], [sflag:$0x3] =	stream.linear.gather [hbm4b:s1+s3], $0x100, $0x38;
	[tilespmem:$0x1CF00] =	vst v63  }
0xf1: {  	_ =	swait.ge [sflag:s15], $0x3E80  }
0xf2: {  	[sflag:s15] =	ssyncset.done $0x0  }
0xf3: {  	[sflag:s15] =	ssyncadd.s32 $0xFFFFC180  }
0xf4: {  	[spmem:s2] =	stream.indirect.scatter.add.f32 [tilespmem:s12], [sflag:$0x5], $0x80, s16, s10, $0xb8;
	[tilespmem:$0x1CF00] =	vst v63  }
0xf5: {  	_ =	swait.ge [sflag:s8], $0x3E80  }
0xf6: {  	[sflag:s8] =	ssyncset.done $0x0  }
0xf7: {  	[sflag:s8] =	ssyncadd.s32 $0xFFFFC180  }
0xf8: {  	[tilespmem:s9], [sflag:$0x4] =	stream.linear.gather [hbm4b:s1+s3], $0x100, $0x38;
	[tilespmem:$0x1CF00] =	vst v63  }
0xf9: {  	_ =	swait.ge [sflag:s7], $0x100  }
0xfa: {  	[sflag:s7] =	ssyncset.done $0x0  }
0xfb: {  	[sflag:s7] =	ssyncadd.s32 $0xFFFFFF00  }
0xfc: {  	[tilespmem:s11], [sflag:$0x1] =	stream.indirect.gather [hbm4b:s4+s10], $0x80, s3, s10, $0xb8;
	[tilespmem:$0x1CF00] =	vst v63  }
0xfd: {  	_ =	swait.ge [sflag:s17], $0x100  }
0xfe: {  	[sflag:s17] =	ssyncset.done $0x0  }
0xff: {  	[sflag:s17] =	ssyncadd.s32 $0xFFFFFF00  }
0x100: {  	[tilespmem:s12], [sflag:$0x2] =	stream.indirect.gather [hbm4b:s4+s10], $0x80, s9, s10, $0xb8;
	[tilespmem:$0x1CF00] =	vst v63  }
0x101: {  	_ =	swait.ge [sflag:s13], $0x3E80  }
0x102: {  	[sflag:s13] =	ssyncset.done $0x0  }
0x103: {  	[sflag:s13] =	ssyncadd.s32 $0xFFFFC180  }
0x104: {  	s22 =	stileid.u32;
	_ =	swait.ge [sflag:s15], $0x3E80  }
0x105: {  	s23 =	sshrl.u32 s5, $0x3;
	s18 =	sadd.s32 $0x1, s18;
	[sflag:s15] =	ssyncset.done $0x0  }
0x106: {  	s22 =	sshll.u32 s22, $0x6;
	p0 =	sne.s32 s18, s30;
	[sflag:s15] =	ssyncadd.s32 $0xFFFFC180  }
.Ltmp2:
0x107: {  	s22 =	sor.u32 $0x1C05, s22;
	[bflag:$0x0] =	sbarrier.arrive $0xFFFF;
	(pc) =	sbr.rel @p0 .LBB2_1-.Ltmp2, $4  }
0x108: {  	[hbm:s29], [sflag:s22] =	dma.local [spmem:s23], $0x2800  }
0x109: {  	_ =	swait.ge [sflag:s8], $0x2800  }
0x10a: {  	[sflag:s8] =	ssyncset.done $0x0  }
0x10b: {  	[sflag:s8] =	ssyncadd.s32 $0xFFFFD800  }
0x10c: {  	_ =	sfence.sel $0x180000  }
0x10d: {  	[bflag:$0x0] =	sbarrier.arrive $0xFFFF  }
0x10e: {  	_ =	strace $0x9000004A  }
0x10f: {  	s0 =	stileid.u32;
	[bflag:$0x2] =	sbarrier.arrive $0xFFFF  }
0x110: {  	p0 =	sne.s32 s0, $0x0;
	s0 =	rddreg [dreg:$0x3]  }
0x111: {  	s0 =	sadd.s32 @!p0 $0x100000, s0  }
0x112: {  	[sflag:s0] =	ssyncadd.tile.s32 @!p0 $0x1;
	_ =	shalt  }
.Lfunc_end2:
_tile_overlayer_lowered:
.L_overlay_start_2:
0x113: {  	(tag) =	ssettag $0x2  }
0x114: {  	s0 =	rddreg [dreg:$0x0];
	s2 =	stileid.u32  }
0x115: {  	s1 =	rddreg [dreg:$0x1];
	p0 =	sne.s32 s2, $0x0  }
0x116: {  	s3 =	rddreg [dreg:$0x2];
	[bflag:$0x3] =	sbarrier.arrive $0xFFFF;
	s2 =	simm.s32 @!p0 $0x1C05  }
0x117: {  	[timem:s3], [sflag:s2] =	dma.local @!p0 [hbm:s0], s1  }
0x118: {  	s0 =	simm.s32 @!p0 $0x5  }
0x119: {  	_ =	swait.ge @!p0 [sflag:s0], s1  }
0x11a: {  	s1 =	ssub.s32 @!p0 $0x0, s1;
	[sflag:s0] =	ssyncset.done @!p0 $0x0  }
0x11b: {  	[sflag:s0] =	ssyncadd.s32 @!p0 s1  }
0x11c: {  	[bflag:$0x3] =	sbarrier.arrive $0xFFFF  }
0x11d: {  	_ =	shalt  }

</sc_bundles>
